<compile_context>
chip_gen: v7x
topology: tpu7x:2x2x1
jax: 0.10.2.dev20260603
libtpu: 0.0.44.dev20260713+nightly
codegen_flags: <defaults>
</compile_context>

<pallas_src>
import functools

import jax
import jax.numpy as jnp
from jax import lax
from jax.experimental import pallas as pl
from jax.experimental.pallas import tpu as pltpu
from jax.experimental.pallas import tpu_sc as plsc

NC = 2
NS = 16
NW = NC * NS

NG = 200000
SL = 6256
NGP = NW * SL

NI = 204800
PI = 6400
PIR = 50
NCL = 1024
PC = 32

NTOT = NI + NCL
D = 128

OUT_ROWS = NTOT
PADB = NTOT - 128

_mesh = plsc.VectorSubcoreMesh(
    core_axis_name="c", subcore_axis_name="s", num_cores=NC, num_subcores=NS
)

_i32 = jnp.int32


def _wid():
    return lax.axis_index("s") * NC + lax.axis_index("c")


def _al(x):
    return pl.multiple_of(x, 8)


@functools.partial(
    pl.kernel,
    out_type=[
        jax.ShapeDtypeStruct((NI,), _i32),
        jax.ShapeDtypeStruct((NC * NGP,), _i32),
    ],
    mesh=_mesh,
    compiler_params=pltpu.CompilerParams(needs_layout_passes=False),
    scratch_types=[
        pltpu.VMEM((PI,), _i32),
        pltpu.VMEM((PI,), _i32),
        pltpu.VMEM((PC,), _i32),
        pltpu.VMEM((PC,), _i32),
        pltpu.VMEM((PI,), _i32),
        pltpu.VMEM((SL,), _i32),
        pltpu.VMEM_SHARED((NGP,), _i32),
        pltpu.SemaphoreType.DMA,
        pltpu.SemaphoreType.DMA,
    ],
)
def _k1(item_ids_h, client_ids_h, itab_h, ctab_h, gitems_h, counts_h,
        iidx_v, gitem_v, cidx_v, gcli_v, ones_v, zb_v, cnt_sh, sem, sem2):
    cid = lax.axis_index("c")
    sid = lax.axis_index("s")
    wid = sid * NC + cid

    def zfill(k, _):
        zb_v[pl.ds(k * 16, 16)] = jnp.zeros((16,), _i32)
        return 0
    lax.fori_loop(0, SL // 16, zfill, 0)
    pltpu.sync_copy(zb_v, cnt_sh.at[pl.ds(_al(sid * 2 * SL), SL)])
    pltpu.sync_copy(zb_v, cnt_sh.at[pl.ds(_al(sid * 2 * SL + SL), SL)])

    def ofill(k, _):
        ones_v[pl.ds(k * 16, 16)] = jnp.ones((16,), _i32)
        return 0
    lax.fori_loop(0, PI // 16, ofill, 0)

    pltpu.sync_copy(item_ids_h.at[pl.ds(_al(wid * PI), PI)], iidx_v)
    gdesc = pltpu.async_copy(itab_h.at[iidx_v], gitem_v, sem)

    pltpu.sync_copy(client_ids_h.at[pl.ds(_al(wid * PC), PC)], cidx_v)
    pltpu.async_copy(ctab_h.at[cidx_v], gcli_v, sem2).wait()

    gdesc.wait()
    pltpu.async_copy(gitem_v, gitems_h.at[pl.ds(_al(wid * PI), PI)], sem2)

    plsc.subcore_barrier()

    pltpu.async_copy(ones_v, cnt_sh.at[gitem_v], sem, add=True)
    pltpu.async_copy(ones_v.at[pl.ds(0, PC)], cnt_sh.at[gcli_v], sem,
                     add=True)
    pltpu.make_async_copy(itab_h.at[pl.ds(0, PC)], cidx_v, sem).wait()
    pltpu.make_async_copy(itab_h.at[pl.ds(0, PI)], ones_v, sem).wait()
    pltpu.make_async_copy(gitem_v, gitems_h.at[pl.ds(0, PI)], sem2).wait()

    plsc.subcore_barrier()

    pltpu.sync_copy(cnt_sh.at[pl.ds(_al(sid * 2 * SL), SL)], zb_v)
    pltpu.sync_copy(zb_v, counts_h.at[pl.ds(_al(cid * NGP + sid * 2 * SL), SL)])
    pltpu.sync_copy(cnt_sh.at[pl.ds(_al(sid * 2 * SL + SL), SL)], zb_v)
    pltpu.sync_copy(zb_v, counts_h.at[pl.ds(_al(cid * NGP + sid * 2 * SL + SL), SL)])


@functools.partial(
    pl.kernel,
    out_type=jax.ShapeDtypeStruct((NW * 16,), _i32),
    mesh=_mesh,
    compiler_params=pltpu.CompilerParams(needs_layout_passes=False),
    scratch_types=[
        pltpu.VMEM((SL,), _i32),
        pltpu.VMEM((SL,), _i32),
        pltpu.VMEM((16,), _i32),
    ],
)
def _k2(counts_h, sums_h, c0_v, c1_v, s_v):
    wid = _wid()
    pltpu.sync_copy(counts_h.at[pl.ds(_al(wid * SL), SL)], c0_v)
    pltpu.sync_copy(counts_h.at[pl.ds(_al(NGP + wid * SL), SL)], c1_v)

    def body(k, s):
        v = c0_v[pl.ds(k * 16, 16)] + c1_v[pl.ds(k * 16, 16)]
        flag = jnp.where(v > 0, 1, 0).astype(_i32)
        return s + jnp.sum(flag)
    total = lax.fori_loop(0, SL // 16, body, jnp.int32(0))
    s_v[pl.ds(0, 16)] = lax.broadcast(total, (16,))
    pltpu.sync_copy(s_v, sums_h.at[pl.ds(_al(wid * 16), 16)])


@functools.partial(
    pl.kernel,
    out_type=[
        jax.ShapeDtypeStruct((OUT_ROWS, D), jnp.float32),
        jax.ShapeDtypeStruct((NGP,), _i32),
    ],
    mesh=_mesh,
    compiler_params=pltpu.CompilerParams(needs_layout_passes=False),
    scratch_types=[
        pltpu.VMEM((SL,), _i32),
        pltpu.VMEM((SL,), _i32),
        pltpu.VMEM((SL,), _i32),
        pltpu.VMEM((PIR, 128), _i32),
        pltpu.VMEM((NW * 16,), _i32),
        pltpu.VMEM((128,), _i32),
        pltpu.VMEM((128,), _i32),
        pltpu.VMEM((128,), _i32),
        pltpu.VMEM((128,), _i32),
        pltpu.VMEM((128,), _i32),
        pltpu.VMEM((128, D), jnp.float32),
        pltpu.VMEM((128, D), jnp.float32),
        pltpu.VMEM((128, D), jnp.float32),
        pltpu.VMEM((128, D), jnp.float32),
        pltpu.VMEM((128, D), jnp.float32),
        pltpu.SemaphoreType.DMA,
        pltpu.SemaphoreType.DMA,
        pltpu.SemaphoreType.DMA,
        pltpu.SemaphoreType.DMA,
        pltpu.SemaphoreType.DMA,
        pltpu.SemaphoreType.DMA,
        pltpu.SemaphoreType.DMA,
        pltpu.SemaphoreType.DMA,
        pltpu.SemaphoreType.DMA,
    ],
)
def _k3(counts_h, sums_h, feat_h, out_h, ranks_h,
        c0_v, c1_v, ranks_v, comp_v, sums_v,
        oidx0, oidx1, oidx2, oidx3, bidx_v,
        rows0, rows1, rows2, rows3, pad_v,
        sg0, sg1, sg2, sg3, ss0, ss1, ss2, ss3, sem_p):
    wid = _wid()
    iota = lax.iota(_i32, 16)
    oidx = [oidx0, oidx1, oidx2, oidx3]
    rows = [rows0, rows1, rows2, rows3]
    sg = [sg0, sg1, sg2, sg3]
    ss = [ss0, ss1, ss2, ss3]

    pltpu.sync_copy(sums_h, sums_v)

    def pbody(i, carry):
        r, t = carry
        s_i = jnp.max(sums_v[pl.ds(i * 16, 16)])
        return (r + jnp.where(i < wid, s_i, 0), t + s_i)
    r0, num_unique = lax.fori_loop(0, NW, pbody, (jnp.int32(0), jnp.int32(0)))

    pltpu.sync_copy(feat_h.at[0], pad_v.at[0])
    frow = [pad_v[0, pl.ds(s * 16, 16)] for s in range(8)]

    def fbody(r, _):
        for s in range(8):
            pad_v[r, pl.ds(s * 16, 16)] = frow[s]
        return 0
    lax.fori_loop(1, 128, fbody, 0)

    nu_ceil = ((num_unique + 127) // 128) * 128
    bcnt = nu_ceil - num_unique

    @pl.when(wid == 0)
    def _():
        for s in range(8):
            off = s * 16 + iota
            bidx_v[pl.ds(s * 16, 16)] = jnp.where(
                off < bcnt, num_unique + off, PADB + off)
        pltpu.async_copy(pad_v, out_h.at[bidx_v], sem_p)

    def pcond(st):
        j, n = st
        return nu_ceil + j * 128 < NTOT

    def pfill(st):
        j, n = st
        start = pl.multiple_of(jnp.minimum(nu_ceil + j * 128, PADB), 128)
        pltpu.async_copy(pad_v, out_h.at[pl.ds(start, 128)], sem_p)
        return (j + NW, n + 1)
    _, npad = lax.while_loop(pcond, pfill, (wid, jnp.int32(0)))

    def czero(k, _):
        comp_v[k // 8, pl.ds((k % 8) * 16, 16)] = jnp.zeros((16,), _i32)
        return 0
    lax.fori_loop(0, PI // 16, czero, 0)

    pltpu.sync_copy(counts_h.at[pl.ds(_al(wid * SL), SL)], c0_v)
    pltpu.sync_copy(counts_h.at[pl.ds(_al(NGP + wid * SL), SL)], c1_v)

    g0 = wid * SL

    def rbody(k, acc):
        v = c0_v[pl.ds(k * 16, 16)] + c1_v[pl.ds(k * 16, 16)]
        flag_b = v > 0
        flag = jnp.where(flag_b, 1, 0).astype(_i32)
        incl = plsc.cumsum(flag)
        pos = acc + (incl - flag)
        g = g0 + k * 16 + iota
        plsc.store_scatter(comp_v, [pos // 128, pos % 128], g, mask=flag_b)
        ranks_v[pl.ds(k * 16, 16)] = r0 + pos
        return acc + jnp.sum(flag)
    cnt = lax.fori_loop(0, SL // 16, rbody, jnp.int32(0))
    pltpu.sync_copy(ranks_v, ranks_h.at[pl.ds(_al(wid * SL), SL)])

    nch = (cnt + 127) // 128

    for b in range(2):
        @pl.when(b < nch)
        def _(b=b):
            pltpu.async_copy(feat_h.at[comp_v.at[b]], rows[b], sg[b])

    def grp(j, _):
        for b in range(4):
            k = j * 4 + b
            b2 = (b + 2) % 4

            @pl.when((k >= 2) & (k < nch + 2))
            def _(b2=b2):
                pltpu.make_async_copy(rows[b2],
                                      out_h.at[pl.ds(0, 128)], ss[b2]).wait()

            @pl.when(k + 2 < nch)
            def _(b2=b2, k=k):
                pltpu.async_copy(feat_h.at[comp_v.at[k + 2]], rows[b2], sg[b2])

            @pl.when(k < nch)
            def _(b=b, k=k):
                pltpu.make_async_copy(feat_h.at[pl.ds(0, 128)],
                                      rows[b], sg[b]).wait()
                for s in range(8):
                    off = k * 128 + s * 16 + iota
                    oidx[b][pl.ds(s * 16, 16)] = jnp.where(
                        off < cnt, r0 + off, PADB + s * 16 + iota)
                pltpu.async_copy(rows[b], out_h.at[oidx[b]], ss[b])
        return 0
    lax.fori_loop(0, (nch + 5) // 4, grp, 0)

    def pdrain(j, _):
        pltpu.make_async_copy(pad_v, out_h.at[pl.ds(0, 128)], sem_p).wait()
        return 0
    lax.fori_loop(0, npad, pdrain, 0)

    @pl.when(wid == 0)
    def _():
        pltpu.make_async_copy(pad_v, out_h.at[pl.ds(0, 128)], sem_p).wait()


@functools.partial(
    pl.kernel,
    out_type=jax.ShapeDtypeStruct((NI,), _i32),
    mesh=_mesh,
    compiler_params=pltpu.CompilerParams(needs_layout_passes=False),
    scratch_types=[
        pltpu.VMEM((PI,), _i32),
        pltpu.VMEM((PI,), _i32),
        pltpu.SemaphoreType.DMA,
    ],
)
def _k4(gitems_h, ranks_h, inv_h, g_v, inv_v, sem):
    wid = _wid()
    pltpu.sync_copy(gitems_h.at[pl.ds(_al(wid * PI), PI)], g_v)

    pltpu.async_copy(ranks_h.at[g_v], inv_v, sem).wait()
    pltpu.sync_copy(inv_v, inv_h.at[pl.ds(_al(wid * PI), PI)])


@jax.jit
def kernel(client_ids, item_ids, item_id2graph_id, client_id2graph_id, node_feat):
    item_flat = item_ids.reshape(NI).astype(_i32)
    gitems, counts = _k1(item_flat, client_ids.astype(_i32),
                         item_id2graph_id.astype(_i32),
                         client_id2graph_id.astype(_i32))
    sums = _k2(counts)
    feats, ranks = _k3(counts, sums, node_feat)
    inv = _k4(gitems, ranks)
    return feats, inv.reshape(item_ids.shape)

# --- scband reference (transcript-rebuilt; emitter-appended) ---
"""Pipeline reference for scband-coles-batch-to-subgraph-converter-54116587929914 (READ-ONLY COPY).

The authoritative reference and input builder live on the scoring server;
editing this copy changes nothing except your own understanding.
"""

import jax, jax.numpy as jnp
import numpy as np

N_ITEMS = 100000
N_CLIENTS = 100000
N_GRAPH = 200000
B = 1024
L = 200
D = 128


def setup_inputs(seed: int = 0) -> dict:
    key = jax.random.key(seed)
    k1, k2, k3, k4, k5 = jax.random.split(key, 5)
    return {
        "client_ids": jax.random.randint(k1, (B,), 0, N_CLIENTS),
        "item_ids": jax.random.randint(k2, (B, L), 0, N_ITEMS),
        "item_id2graph_id": jax.random.randint(k3, (N_ITEMS,), 0, N_GRAPH),
        "client_id2graph_id": jax.random.randint(k4, (N_CLIENTS,), 0, N_GRAPH),
        "node_feat": jax.random.normal(k5, (N_GRAPH, D), dtype=jnp.float32),
    }


def reference(client_ids, item_ids, item_id2graph_id, client_id2graph_id, node_feat):
    # 1) Map coles item/client ids to global graph node ids (gather).
    graph_item_ids = jnp.take(item_id2graph_id, item_ids, axis=0)          # (B, L)
    graph_client_ids = jnp.take(client_id2graph_id, client_ids, axis=0)    # (B,)
    # 2) Build the induced subgraph node set: unique graph ids touched by the batch.
    all_ids = jnp.concatenate([graph_item_ids.reshape(-1), graph_client_ids])
    size = all_ids.shape[0]  # static upper bound on number of subgraph nodes
    subgraph_ids_to_graph_ids, inv = jnp.unique(
        all_ids, return_inverse=True, size=size, fill_value=0
    )
    # 3) Remap batch item ids from graph-id space to subgraph-local id space
    #    (equivalent of get_subgraph_item_ids_from_coles_item_ids, vectorized).
    subgraph_item_ids = inv.reshape(-1)[: item_ids.size].reshape(item_ids.shape)
    # 4) Gather the subgraph node features (subgraph.ndata analog).
    subgraph_feats = jnp.take(node_feat, subgraph_ids_to_graph_ids, axis=0)
    return (subgraph_feats, subgraph_item_ids)

if __name__ == "__main__":
    import jax
    _d = setup_inputs()
    print(jax.jit(kernel)(*tuple(_d.values())))

</pallas_src>

<mosaic_0001>
#map = affine_map<(d0, d1) -> (0)>
#map1 = affine_map<(d0, d1) -> (0, 0)>
module attributes {stable_mosaic.version = 14 : i64} {
  func.func @_k3(%arg0: i32, %arg1: i32, %arg2: memref<400384xi32, #tpu.memory_space<hbm>>, %arg3: memref<512xi32, #tpu.memory_space<hbm>>, %arg4: memref<200000x128xf32, #tpu.memory_space<hbm>>, %arg5: memref<205824x128xf32, #tpu.memory_space<hbm>>, %arg6: memref<200192xi32, #tpu.memory_space<hbm>>, %arg7: memref<6256xi32, #tpu.memory_space<vmem>>, %arg8: memref<6256xi32, #tpu.memory_space<vmem>>, %arg9: memref<6256xi32, #tpu.memory_space<vmem>>, %arg10: memref<50x128xi32, #tpu.memory_space<vmem>>, %arg11: memref<512xi32, #tpu.memory_space<vmem>>, %arg12: memref<128xi32, #tpu.memory_space<vmem>>, %arg13: memref<128xi32, #tpu.memory_space<vmem>>, %arg14: memref<128xi32, #tpu.memory_space<vmem>>, %arg15: memref<128xi32, #tpu.memory_space<vmem>>, %arg16: memref<128xi32, #tpu.memory_space<vmem>>, %arg17: memref<128x128xf32, #tpu.memory_space<vmem>>, %arg18: memref<128x128xf32, #tpu.memory_space<vmem>>, %arg19: memref<128x128xf32, #tpu.memory_space<vmem>>, %arg20: memref<128x128xf32, #tpu.memory_space<vmem>>, %arg21: memref<128x128xf32, #tpu.memory_space<vmem>>, %arg22: memref<!tpu.dma_semaphore, #tpu.memory_space<semaphore_mem>>, %arg23: memref<!tpu.dma_semaphore, #tpu.memory_space<semaphore_mem>>, %arg24: memref<!tpu.dma_semaphore, #tpu.memory_space<semaphore_mem>>, %arg25: memref<!tpu.dma_semaphore, #tpu.memory_space<semaphore_mem>>, %arg26: memref<!tpu.dma_semaphore, #tpu.memory_space<semaphore_mem>>, %arg27: memref<!tpu.dma_semaphore, #tpu.memory_space<semaphore_mem>>, %arg28: memref<!tpu.dma_semaphore, #tpu.memory_space<semaphore_mem>>, %arg29: memref<!tpu.dma_semaphore, #tpu.memory_space<semaphore_mem>>, %arg30: memref<!tpu.dma_semaphore, #tpu.memory_space<semaphore_mem>>) attributes {dimension_semantics = [#tpu.dimension_semantics<core_parallel>, #tpu.dimension_semantics<subcore_parallel>], iteration_bounds = array<i64: 2, 16>, scalar_prefetch = 0 : i64, scratch_operands = 24 : i64, tpu.core_type = #tpu.core_type<sc_vector_subcore>, window_params = [{transform_indices = #map}, {transform_indices = #map}, {transform_indices = #map1}, {transform_indices = #map1}, {transform_indices = #map}]} {
    %mul3A = arith.constant 2 : i32
    %mul3A_0 = arith.muli %arg1, %mul3A : i32
    %add3A = arith.addi %mul3A_0, %arg0 : i32
    %iota3A = tpu.iota {dimensions = array<i32: 0>} : vector<16xi32>
    "tpu.region"() ({
      %run_scoped3A_187 = tpu.sem_alloc : memref<!tpu.dma_semaphore, #tpu.memory_space<semaphore_mem>>
      tpu.enqueue_dma source(%arg3 : memref<512xi32, #tpu.memory_space<hbm>>) target(%arg11 : memref<512xi32, #tpu.memory_space<vmem>>) target_semaphore(%run_scoped3A_187 : memref<!tpu.dma_semaphore, #tpu.memory_space<semaphore_mem>>)
      tpu.wait_dma2 semaphore(%run_scoped3A_187 : memref<!tpu.dma_semaphore, #tpu.memory_space<semaphore_mem>>) src(%arg3 : memref<512xi32, #tpu.memory_space<hbm>>) dst(%arg11 : memref<512xi32, #tpu.memory_space<vmem>>)
      tpu.yield
    }) : () -> ()
    %scan3A = arith.constant 0 : i32
    %scan3A_1 = arith.constant 0 : i32
    %scan3A_2 = arith.constant 0 : i32
    %scan3A_3 = arith.constant 32 : i32
    %scan3A_4 = arith.addi %scan3A_2, %scan3A_3 : i32
    %scan3A_5 = arith.constant 1 : i32
    %scan3A_6:2 = scf.for %scan3A_187 = %scan3A_2 to %scan3A_4 step %scan3A_5 iter_args(%scan3A_188 = %scan3A, %scan3A_189 = %scan3A_1) -> (i32, i32)  : i32 {
      %mul3A_190 = arith.constant 16 : i32
      %mul3A_191 = arith.muli %scan3A_187, %mul3A_190 : i32
      %get3A_192 = arith.index_cast %mul3A_191 : i32 to index
      %get3A_193 = tpu.vector_load %arg11[%get3A_192] {strides = array<i32>} : memref<512xi32, #tpu.memory_space<vmem>>, vector<16xi32>,
      %reduce_max3A = arith.constant true
      %reduce_max3A_194 = vector.broadcast %reduce_max3A : i1 to vector<16xi1>
      %reduce_max3A_195 = arith.constant -2147483648 : i32
      %reduce_max3A_196 = vector.broadcast %reduce_max3A_195 : i32 to vector<16xi32>
      %reduce_max3A_197 = arith.xori %get3A_193, %reduce_max3A_196 : vector<16xi32>
      %reduce_max3A_198 = tpu.scan <max>, %reduce_max3A_197 masked %reduce_max3A_194 : vector<16xi32>, vector<16xi1> -> vector<16xi32>
      %reduce_max3A_199 = arith.xori %reduce_max3A_198, %reduce_max3A_196 : vector<16xi32>
      %reduce_max3A_200 = vector.extract %reduce_max3A_199[15] : i32 from vector<16xi32>
      %lt3A = arith.cmpi slt, %scan3A_187, %add3A : i32
      %jit3A_201 = arith.constant 0 : i32
      %select_n3A_202 = arith.select %lt3A, %reduce_max3A_200, %jit3A_201 : i32
      %add3A_203 = arith.addi %scan3A_188, %select_n3A_202 : i32
      %add3A_204 = arith.addi %scan3A_189, %reduce_max3A_200 : i32
      scf.yield %add3A_203, %add3A_204 : i32, i32
    }
    %scan3A_7 = arith.constant 32 : i32
    %run_scoped3A = arith.constant 0 : i32
    %run_scoped3A_8 = arith.constant 0 : i32
    "tpu.region"() ({
      %run_scoped3A_187 = tpu.sem_alloc : memref<!tpu.dma_semaphore, #tpu.memory_space<semaphore_mem>>
      %dma_start3A = arith.constant 0 : i32
      %dma_start3A_188 = tpu.memref_slice %arg21[%run_scoped3A_8, %dma_start3A] : memref<128x128xf32, #tpu.memory_space<vmem>> -> memref<1x128xf32, #tpu.memory_space<vmem>>
      %dma_start3A_189 = tpu.memref_squeeze %dma_start3A_188 : memref<1x128xf32, #tpu.memory_space<vmem>> -> memref<128xf32, #tpu.memory_space<vmem>>
      %dma_start3A_190 = arith.constant 0 : i32
      %dma_start3A_191 = tpu.memref_slice %arg4[%run_scoped3A, %dma_start3A_190] : memref<200000x128xf32, #tpu.memory_space<hbm>> -> memref<1x128xf32, #tpu.memory_space<hbm>>
      %dma_start3A_192 = tpu.memref_squeeze %dma_start3A_191 : memref<1x128xf32, #tpu.memory_space<hbm>> -> memref<128xf32, #tpu.memory_space<hbm>>
      %dma_start3A_193 = arith.constant 0 : i32
      %dma_start3A_194 = tpu.memref_slice %arg21[%run_scoped3A_8, %dma_start3A_193] : memref<128x128xf32, #tpu.memory_space<vmem>> -> memref<1x128xf32, #tpu.memory_space<vmem>>
      %dma_start3A_195 = tpu.memref_squeeze %dma_start3A_194 : memref<1x128xf32, #tpu.memory_space<vmem>> -> memref<128xf32, #tpu.memory_space<vmem>>
      %dma_start3A_196 = arith.constant 0 : i32
      %dma_start3A_197 = tpu.memref_slice %arg4[%run_scoped3A, %dma_start3A_196] : memref<200000x128xf32, #tpu.memory_space<hbm>> -> memref<1x128xf32, #tpu.memory_space<hbm>>
      %dma_start3A_198 = tpu.memref_squeeze %dma_start3A_197 : memref<1x128xf32, #tpu.memory_space<hbm>> -> memref<128xf32, #tpu.memory_space<hbm>>
      tpu.enqueue_dma source(%dma_start3A_198 : memref<128xf32, #tpu.memory_space<hbm>>) target(%dma_start3A_195 : memref<128xf32, #tpu.memory_space<vmem>>) target_semaphore(%run_scoped3A_187 : memref<!tpu.dma_semaphore, #tpu.memory_space<semaphore_mem>>)
      %dma_wait3A = arith.constant 0 : i32
      %dma_wait3A_199 = tpu.memref_slice %arg21[%run_scoped3A_8, %dma_wait3A] : memref<128x128xf32, #tpu.memory_space<vmem>> -> memref<1x128xf32, #tpu.memory_space<vmem>>
      %dma_wait3A_200 = tpu.memref_squeeze %dma_wait3A_199 : memref<1x128xf32, #tpu.memory_space<vmem>> -> memref<128xf32, #tpu.memory_space<vmem>>
      %dma_wait3A_201 = arith.constant 0 : i32
      %dma_wait3A_202 = tpu.memref_slice %arg4[%run_scoped3A, %dma_wait3A_201] : memref<200000x128xf32, #tpu.memory_space<hbm>> -> memref<1x128xf32, #tpu.memory_space<hbm>>
      %dma_wait3A_203 = tpu.memref_squeeze %dma_wait3A_202 : memref<1x128xf32, #tpu.memory_space<hbm>> -> memref<128xf32, #tpu.memory_space<hbm>>
      %dma_wait3A_204 = arith.constant 0 : i32
      %dma_wait3A_205 = tpu.memref_slice %arg21[%run_scoped3A_8, %dma_wait3A_204] : memref<128x128xf32, #tpu.memory_space<vmem>> -> memref<1x128xf32, #tpu.memory_space<vmem>>
      %dma_wait3A_206 = tpu.memref_squeeze %dma_wait3A_205 : memref<1x128xf32, #tpu.memory_space<vmem>> -> memref<128xf32, #tpu.memory_space<vmem>>
      %dma_wait3A_207 = arith.constant 0 : i32
      %dma_wait3A_208 = tpu.memref_slice %arg4[%run_scoped3A, %dma_wait3A_207] : memref<200000x128xf32, #tpu.memory_space<hbm>> -> memref<1x128xf32, #tpu.memory_space<hbm>>
      %dma_wait3A_209 = tpu.memref_squeeze %dma_wait3A_208 : memref<1x128xf32, #tpu.memory_space<hbm>> -> memref<128xf32, #tpu.memory_space<hbm>>
      tpu.wait_dma2 semaphore(%run_scoped3A_187 : memref<!tpu.dma_semaphore, #tpu.memory_space<semaphore_mem>>) src(%dma_wait3A_209 : memref<128xf32, #tpu.memory_space<hbm>>) dst(%dma_wait3A_206 : memref<128xf32, #tpu.memory_space<vmem>>)
      tpu.yield
    }) : () -> ()
    %get3A = arith.constant 0 : i32
    %get3A_9 = arith.index_cast %get3A : i32 to index
    %get3A_10 = arith.constant 0 : index
    %get3A_11 = tpu.vector_load %arg21[%get3A_9, %get3A_10] {strides = array<i32>} : memref<128x128xf32, #tpu.memory_space<vmem>>, vector<16xf32>,
    %get3A_12 = arith.constant 0 : i32
    %get3A_13 = arith.index_cast %get3A_12 : i32 to index
    %get3A_14 = arith.constant 16 : index
    %get3A_15 = tpu.vector_load %arg21[%get3A_13, %get3A_14] {strides = array<i32>} : memref<128x128xf32, #tpu.memory_space<vmem>>, vector<16xf32>,
    %get3A_16 = arith.constant 0 : i32
    %get3A_17 = arith.index_cast %get3A_16 : i32 to index
    %get3A_18 = arith.constant 32 : index
    %get3A_19 = tpu.vector_load %arg21[%get3A_17, %get3A_18] {strides = array<i32>} : memref<128x128xf32, #tpu.memory_space<vmem>>, vector<16xf32>,
    %get3A_20 = arith.constant 0 : i32
    %get3A_21 = arith.index_cast %get3A_20 : i32 to index
    %get3A_22 = arith.constant 48 : index
    %get3A_23 = tpu.vector_load %arg21[%get3A_21, %get3A_22] {strides = array<i32>} : memref<128x128xf32, #tpu.memory_space<vmem>>, vector<16xf32>,
    %get3A_24 = arith.constant 0 : i32
    %get3A_25 = arith.index_cast %get3A_24 : i32 to index
    %get3A_26 = arith.constant 64 : index
    %get3A_27 = tpu.vector_load %arg21[%get3A_25, %get3A_26] {strides = array<i32>} : memref<128x128xf32, #tpu.memory_space<vmem>>, vector<16xf32>,
    %get3A_28 = arith.constant 0 : i32
    %get3A_29 = arith.index_cast %get3A_28 : i32 to index
    %get3A_30 = arith.constant 80 : index
    %get3A_31 = tpu.vector_load %arg21[%get3A_29, %get3A_30] {strides = array<i32>} : memref<128x128xf32, #tpu.memory_space<vmem>>, vector<16xf32>,
    %get3A_32 = arith.constant 0 : i32
    %get3A_33 = arith.index_cast %get3A_32 : i32 to index
    %get3A_34 = arith.constant 96 : index
    %get3A_35 = tpu.vector_load %arg21[%get3A_33, %get3A_34] {strides = array<i32>} : memref<128x128xf32, #tpu.memory_space<vmem>>, vector<16xf32>,
    %get3A_36 = arith.constant 0 : i32
    %get3A_37 = arith.index_cast %get3A_36 : i32 to index
    %get3A_38 = arith.constant 112 : index
    %get3A_39 = tpu.vector_load %arg21[%get3A_37, %get3A_38] {strides = array<i32>} : memref<128x128xf32, #tpu.memory_space<vmem>>, vector<16xf32>,
    %scan3A_40 = arith.constant 0 : i32
    %scan3A_41 = arith.constant 1 : i32
    %scan3A_42 = arith.constant 127 : i32
    %scan3A_43 = arith.addi %scan3A_41, %scan3A_42 : i32
    %scan3A_44 = arith.constant 1 : i32
    %scan3A_45 = scf.for %scan3A_187 = %scan3A_41 to %scan3A_43 step %scan3A_44 iter_args(%scan3A_188 = %scan3A_40) -> (i32)  : i32 {
      %swap3A = arith.index_cast %scan3A_187 : i32 to index
      %swap3A_189 = arith.constant 0 : index
      %swap3A_190 = tpu.vector_load %arg21[%swap3A, %swap3A_189] {strides = array<i32>} : memref<128x128xf32, #tpu.memory_space<vmem>>, vector<16xf32>,
      tpu.vector_store %arg21[%swap3A, %swap3A_189], %get3A_11 {strides = array<i32>} : memref<128x128xf32, #tpu.memory_space<vmem>>, vector<16xf32>,
      %swap3A_191 = arith.index_cast %scan3A_187 : i32 to index
      %swap3A_192 = arith.constant 16 : index
      %swap3A_193 = tpu.vector_load %arg21[%swap3A_191, %swap3A_192] {strides = array<i32>} : memref<128x128xf32, #tpu.memory_space<vmem>>, vector<16xf32>,
      tpu.vector_store %arg21[%swap3A_191, %swap3A_192], %get3A_15 {strides = array<i32>} : memref<128x128xf32, #tpu.memory_space<vmem>>, vector<16xf32>,
      %swap3A_194 = arith.index_cast %scan3A_187 : i32 to index
      %swap3A_195 = arith.constant 32 : index
      %swap3A_196 = tpu.vector_load %arg21[%swap3A_194, %swap3A_195] {strides = array<i32>} : memref<128x128xf32, #tpu.memory_space<vmem>>, vector<16xf32>,
      tpu.vector_store %arg21[%swap3A_194, %swap3A_195], %get3A_19 {strides = array<i32>} : memref<128x128xf32, #tpu.memory_space<vmem>>, vector<16xf32>,
      %swap3A_197 = arith.index_cast %scan3A_187 : i32 to index
      %swap3A_198 = arith.constant 48 : index
      %swap3A_199 = tpu.vector_load %arg21[%swap3A_197, %swap3A_198] {strides = array<i32>} : memref<128x128xf32, #tpu.memory_space<vmem>>, vector<16xf32>,
      tpu.vector_store %arg21[%swap3A_197, %swap3A_198], %get3A_23 {strides = array<i32>} : memref<128x128xf32, #tpu.memory_space<vmem>>, vector<16xf32>,
      %swap3A_200 = arith.index_cast %scan3A_187 : i32 to index
      %swap3A_201 = arith.constant 64 : index
      %swap3A_202 = tpu.vector_load %arg21[%swap3A_200, %swap3A_201] {strides = array<i32>} : memref<128x128xf32, #tpu.memory_space<vmem>>, vector<16xf32>,
      tpu.vector_store %arg21[%swap3A_200, %swap3A_201], %get3A_27 {strides = array<i32>} : memref<128x128xf32, #tpu.memory_space<vmem>>, vector<16xf32>,
      %swap3A_203 = arith.index_cast %scan3A_187 : i32 to index
      %swap3A_204 = arith.constant 80 : index
      %swap3A_205 = tpu.vector_load %arg21[%swap3A_203, %swap3A_204] {strides = array<i32>} : memref<128x128xf32, #tpu.memory_space<vmem>>, vector<16xf32>,
      tpu.vector_store %arg21[%swap3A_203, %swap3A_204], %get3A_31 {strides = array<i32>} : memref<128x128xf32, #tpu.memory_space<vmem>>, vector<16xf32>,
      %swap3A_206 = arith.index_cast %scan3A_187 : i32 to index
      %swap3A_207 = arith.constant 96 : index
      %swap3A_208 = tpu.vector_load %arg21[%swap3A_206, %swap3A_207] {strides = array<i32>} : memref<128x128xf32, #tpu.memory_space<vmem>>, vector<16xf32>,
      tpu.vector_store %arg21[%swap3A_206, %swap3A_207], %get3A_35 {strides = array<i32>} : memref<128x128xf32, #tpu.memory_space<vmem>>, vector<16xf32>,
      %swap3A_209 = arith.index_cast %scan3A_187 : i32 to index
      %swap3A_210 = arith.constant 112 : index
      %swap3A_211 = tpu.vector_load %arg21[%swap3A_209, %swap3A_210] {strides = array<i32>} : memref<128x128xf32, #tpu.memory_space<vmem>>, vector<16xf32>,
      tpu.vector_store %arg21[%swap3A_209, %swap3A_210], %get3A_39 {strides = array<i32>} : memref<128x128xf32, #tpu.memory_space<vmem>>, vector<16xf32>,
      %scan3A_212 = arith.constant 0 : i32
      scf.yield %scan3A_212 : i32
    }
    %scan3A_46 = arith.constant 127 : i32
    %add3A_47 = arith.constant 127 : i32
    %add3A_48 = arith.addi %scan3A_6#1, %add3A_47 : i32
    %jit3A = arith.constant 128 : i32
    %div3A = arith.divsi %add3A_48, %jit3A : i32
    %sign3A = arith.constant 0 : i32
    %sign3A_49 = arith.cmpi sgt, %add3A_48, %sign3A : i32
    %sign3A_50 = arith.extui %sign3A_49 : i1 to i32
    %sign3A_51 = arith.constant 0 : i32
    %sign3A_52 = arith.cmpi slt, %add3A_48, %sign3A_51 : i32
    %sign3A_53 = arith.extui %sign3A_52 : i1 to i32
    %sign3A_54 = arith.subi %sign3A_50, %sign3A_53 : i32
    %sign3A_55 = arith.constant 0 : i32
    %sign3A_56 = arith.cmpi sgt, %jit3A, %sign3A_55 : i32
    %sign3A_57 = arith.extui %sign3A_56 : i1 to i32
    %sign3A_58 = arith.constant 0 : i32
    %sign3A_59 = arith.cmpi slt, %jit3A, %sign3A_58 : i32
    %sign3A_60 = arith.extui %sign3A_59 : i1 to i32
    %sign3A_61 = arith.subi %sign3A_57, %sign3A_60 : i32
    %ne3A = arith.cmpi ne, %sign3A_54, %sign3A_61 : i32
    %rem3A = arith.remsi %add3A_48, %jit3A : i32
    %ne3A_62 = arith.constant 0 : i32
    %ne3A_63 = arith.cmpi ne, %rem3A, %ne3A_62 : i32
    %and3A = arith.andi %ne3A, %ne3A_63 : i1
    %sub3A = arith.constant 1 : i32
    %sub3A_64 = arith.subi %div3A, %sub3A : i32
    %select_n3A = arith.select %and3A, %sub3A_64, %div3A : i32
    %mul3A_65 = arith.constant 128 : i32
    %mul3A_66 = arith.muli %select_n3A, %mul3A_65 : i32
    %sub3A_67 = arith.subi %mul3A_66, %scan3A_6#1 : i32
    %eq3A = arith.constant 0 : i32
    %eq3A_68 = arith.cmpi eq, %add3A, %eq3A : i32
    %convert_element_type3A = arith.extui %eq3A_68 : i1 to i32
    %cond3A = arith.constant 0 : i32
    %cond3A_69 = arith.cmpi ne, %convert_element_type3A, %cond3A : i32
    scf.if %cond3A_69 {
      %add3A_187 = arith.constant 0 : i32
      %add3A_188 = vector.broadcast %add3A_187 : i32 to vector<16xi32>
      %add3A_189 = arith.addi %add3A_188, %iota3A : vector<16xi32>
      %lt3A = vector.broadcast %sub3A_67 : i32 to vector<16xi32>
      %lt3A_190 = arith.cmpi slt, %add3A_189, %lt3A : vector<16xi32>
      %add3A_191 = vector.broadcast %scan3A_6#1 : i32 to vector<16xi32>
      %add3A_192 = arith.addi %add3A_191, %add3A_189 : vector<16xi32>
      %add3A_193 = arith.constant 205696 : i32
      %add3A_194 = vector.broadcast %add3A_193 : i32 to vector<16xi32>
      %add3A_195 = arith.addi %add3A_194, %add3A_189 : vector<16xi32>
      %select_n3A_196 = arith.select %lt3A_190, %add3A_192, %add3A_195 : vector<16xi1>, vector<16xi32>
      %swap3A = arith.constant 0 : index
      %swap3A_197 = tpu.vector_load %arg16[%swap3A] {strides = array<i32>} : memref<128xi32, #tpu.memory_space<vmem>>, vector<16xi32>,
      tpu.vector_store %arg16[%swap3A], %select_n3A_196 {strides = array<i32>} : memref<128xi32, #tpu.memory_space<vmem>>, vector<16xi32>,
      %add3A_198 = arith.constant 16 : i32
      %add3A_199 = vector.broadcast %add3A_198 : i32 to vector<16xi32>
      %add3A_200 = arith.addi %add3A_199, %iota3A : vector<16xi32>
      %lt3A_201 = vector.broadcast %sub3A_67 : i32 to vector<16xi32>
      %lt3A_202 = arith.cmpi slt, %add3A_200, %lt3A_201 : vector<16xi32>
      %add3A_203 = vector.broadcast %scan3A_6#1 : i32 to vector<16xi32>
      %add3A_204 = arith.addi %add3A_203, %add3A_200 : vector<16xi32>
      %add3A_205 = arith.constant 205696 : i32
      %add3A_206 = vector.broadcast %add3A_205 : i32 to vector<16xi32>
      %add3A_207 = arith.addi %add3A_206, %add3A_200 : vector<16xi32>
      %select_n3A_208 = arith.select %lt3A_202, %add3A_204, %add3A_207 : vector<16xi1>, vector<16xi32>
      %swap3A_209 = arith.constant 16 : index
      %swap3A_210 = tpu.vector_load %arg16[%swap3A_209] {strides = array<i32>} : memref<128xi32, #tpu.memory_space<vmem>>, vector<16xi32>,
      tpu.vector_store %arg16[%swap3A_209], %select_n3A_208 {strides = array<i32>} : memref<128xi32, #tpu.memory_space<vmem>>, vector<16xi32>,
      %add3A_211 = arith.constant 32 : i32
      %add3A_212 = vector.broadcast %add3A_211 : i32 to vector<16xi32>
      %add3A_213 = arith.addi %add3A_212, %iota3A : vector<16xi32>
      %lt3A_214 = vector.broadcast %sub3A_67 : i32 to vector<16xi32>
      %lt3A_215 = arith.cmpi slt, %add3A_213, %lt3A_214 : vector<16xi32>
      %add3A_216 = vector.broadcast %scan3A_6#1 : i32 to vector<16xi32>
      %add3A_217 = arith.addi %add3A_216, %add3A_213 : vector<16xi32>
      %add3A_218 = arith.constant 205696 : i32
      %add3A_219 = vector.broadcast %add3A_218 : i32 to vector<16xi32>
      %add3A_220 = arith.addi %add3A_219, %add3A_213 : vector<16xi32>
      %select_n3A_221 = arith.select %lt3A_215, %add3A_217, %add3A_220 : vector<16xi1>, vector<16xi32>
      %swap3A_222 = arith.constant 32 : index
      %swap3A_223 = tpu.vector_load %arg16[%swap3A_222] {strides = array<i32>} : memref<128xi32, #tpu.memory_space<vmem>>, vector<16xi32>,
      tpu.vector_store %arg16[%swap3A_222], %select_n3A_221 {strides = array<i32>} : memref<128xi32, #tpu.memory_space<vmem>>, vector<16xi32>,
      %add3A_224 = arith.constant 48 : i32
      %add3A_225 = vector.broadcast %add3A_224 : i32 to vector<16xi32>
      %add3A_226 = arith.addi %add3A_225, %iota3A : vector<16xi32>
      %lt3A_227 = vector.broadcast %sub3A_67 : i32 to vector<16xi32>
      %lt3A_228 = arith.cmpi slt, %add3A_226, %lt3A_227 : vector<16xi32>
      %add3A_229 = vector.broadcast %scan3A_6#1 : i32 to vector<16xi32>
      %add3A_230 = arith.addi %add3A_229, %add3A_226 : vector<16xi32>
      %add3A_231 = arith.constant 205696 : i32
      %add3A_232 = vector.broadcast %add3A_231 : i32 to vector<16xi32>
      %add3A_233 = arith.addi %add3A_232, %add3A_226 : vector<16xi32>
      %select_n3A_234 = arith.select %lt3A_228, %add3A_230, %add3A_233 : vector<16xi1>, vector<16xi32>
      %swap3A_235 = arith.constant 48 : index
      %swap3A_236 = tpu.vector_load %arg16[%swap3A_235] {strides = array<i32>} : memref<128xi32, #tpu.memory_space<vmem>>, vector<16xi32>,
      tpu.vector_store %arg16[%swap3A_235], %select_n3A_234 {strides = array<i32>} : memref<128xi32, #tpu.memory_space<vmem>>, vector<16xi32>,
      %add3A_237 = arith.constant 64 : i32
      %add3A_238 = vector.broadcast %add3A_237 : i32 to vector<16xi32>
      %add3A_239 = arith.addi %add3A_238, %iota3A : vector<16xi32>
      %lt3A_240 = vector.broadcast %sub3A_67 : i32 to vector<16xi32>
      %lt3A_241 = arith.cmpi slt, %add3A_239, %lt3A_240 : vector<16xi32>
      %add3A_242 = vector.broadcast %scan3A_6#1 : i32 to vector<16xi32>
      %add3A_243 = arith.addi %add3A_242, %add3A_239 : vector<16xi32>
      %add3A_244 = arith.constant 205696 : i32
      %add3A_245 = vector.broadcast %add3A_244 : i32 to vector<16xi32>
      %add3A_246 = arith.addi %add3A_245, %add3A_239 : vector<16xi32>
      %select_n3A_247 = arith.select %lt3A_241, %add3A_243, %add3A_246 : vector<16xi1>, vector<16xi32>
      %swap3A_248 = arith.constant 64 : index
      %swap3A_249 = tpu.vector_load %arg16[%swap3A_248] {strides = array<i32>} : memref<128xi32, #tpu.memory_space<vmem>>, vector<16xi32>,
      tpu.vector_store %arg16[%swap3A_248], %select_n3A_247 {strides = array<i32>} : memref<128xi32, #tpu.memory_space<vmem>>, vector<16xi32>,
      %add3A_250 = arith.constant 80 : i32
      %add3A_251 = vector.broadcast %add3A_250 : i32 to vector<16xi32>
      %add3A_252 = arith.addi %add3A_251, %iota3A : vector<16xi32>
      %lt3A_253 = vector.broadcast %sub3A_67 : i32 to vector<16xi32>
      %lt3A_254 = arith.cmpi slt, %add3A_252, %lt3A_253 : vector<16xi32>
      %add3A_255 = vector.broadcast %scan3A_6#1 : i32 to vector<16xi32>
      %add3A_256 = arith.addi %add3A_255, %add3A_252 : vector<16xi32>
      %add3A_257 = arith.constant 205696 : i32
      %add3A_258 = vector.broadcast %add3A_257 : i32 to vector<16xi32>
      %add3A_259 = arith.addi %add3A_258, %add3A_252 : vector<16xi32>
      %select_n3A_260 = arith.select %lt3A_254, %add3A_256, %add3A_259 : vector<16xi1>, vector<16xi32>
      %swap3A_261 = arith.constant 80 : index
      %swap3A_262 = tpu.vector_load %arg16[%swap3A_261] {strides = array<i32>} : memref<128xi32, #tpu.memory_space<vmem>>, vector<16xi32>,
      tpu.vector_store %arg16[%swap3A_261], %select_n3A_260 {strides = array<i32>} : memref<128xi32, #tpu.memory_space<vmem>>, vector<16xi32>,
      %add3A_263 = arith.constant 96 : i32
      %add3A_264 = vector.broadcast %add3A_263 : i32 to vector<16xi32>
      %add3A_265 = arith.addi %add3A_264, %iota3A : vector<16xi32>
      %lt3A_266 = vector.broadcast %sub3A_67 : i32 to vector<16xi32>
      %lt3A_267 = arith.cmpi slt, %add3A_265, %lt3A_266 : vector<16xi32>
      %add3A_268 = vector.broadcast %scan3A_6#1 : i32 to vector<16xi32>
      %add3A_269 = arith.addi %add3A_268, %add3A_265 : vector<16xi32>
      %add3A_270 = arith.constant 205696 : i32
      %add3A_271 = vector.broadcast %add3A_270 : i32 to vector<16xi32>
      %add3A_272 = arith.addi %add3A_271, %add3A_265 : vector<16xi32>
      %select_n3A_273 = arith.select %lt3A_267, %add3A_269, %add3A_272 : vector<16xi1>, vector<16xi32>
      %swap3A_274 = arith.constant 96 : index
      %swap3A_275 = tpu.vector_load %arg16[%swap3A_274] {strides = array<i32>} : memref<128xi32, #tpu.memory_space<vmem>>, vector<16xi32>,
      tpu.vector_store %arg16[%swap3A_274], %select_n3A_273 {strides = array<i32>} : memref<128xi32, #tpu.memory_space<vmem>>, vector<16xi32>,
      %add3A_276 = arith.constant 112 : i32
      %add3A_277 = vector.broadcast %add3A_276 : i32 to vector<16xi32>
      %add3A_278 = arith.addi %add3A_277, %iota3A : vector<16xi32>
      %lt3A_279 = vector.broadcast %sub3A_67 : i32 to vector<16xi32>
      %lt3A_280 = arith.cmpi slt, %add3A_278, %lt3A_279 : vector<16xi32>
      %add3A_281 = vector.broadcast %scan3A_6#1 : i32 to vector<16xi32>
      %add3A_282 = arith.addi %add3A_281, %add3A_278 : vector<16xi32>
      %add3A_283 = arith.constant 205696 : i32
      %add3A_284 = vector.broadcast %add3A_283 : i32 to vector<16xi32>
      %add3A_285 = arith.addi %add3A_284, %add3A_278 : vector<16xi32>
      %select_n3A_286 = arith.select %lt3A_280, %add3A_282, %add3A_285 : vector<16xi1>, vector<16xi32>
      %swap3A_287 = arith.constant 112 : index
      %swap3A_288 = tpu.vector_load %arg16[%swap3A_287] {strides = array<i32>} : memref<128xi32, #tpu.memory_space<vmem>>, vector<16xi32>,
      tpu.vector_store %arg16[%swap3A_287], %select_n3A_286 {strides = array<i32>} : memref<128xi32, #tpu.memory_space<vmem>>, vector<16xi32>,
      %dma_start3A = arith.constant 0 : i32
      %dma_start3A_289 = arith.constant 0 : i32
      %dma_start3A_290 = tpu.memref_slice %arg5[%dma_start3A, %dma_start3A_289] : memref<205824x128xf32, #tpu.memory_space<hbm>> -> memref<205824x128xf32, #tpu.memory_space<hbm>>
      tpu.enqueue_indirect_dma source(%arg21 : memref<128x128xf32, #tpu.memory_space<vmem>>) target(%dma_start3A_290 : memref<205824x128xf32, #tpu.memory_space<hbm>>) offsets(%arg16 : memref<128xi32, #tpu.memory_space<vmem>>) semaphore(%arg30 : memref<!tpu.dma_semaphore, #tpu.memory_space<semaphore_mem>>)
    } else {
    }
    %while3A = arith.constant 0 : i32
    %while3A_70:2 = scf.while (%while3A_187 = %add3A, %while3A_188 = %while3A) : (i32, i32) -> (i32, i32) {
      %mul3A_189 = arith.constant 128 : i32
      %mul3A_190 = arith.muli %while3A_187, %mul3A_189 : i32
      %add3A_191 = arith.addi %mul3A_66, %mul3A_190 : i32
      %lt3A = arith.constant 205824 : i32
      %lt3A_192 = arith.cmpi slt, %add3A_191, %lt3A : i32
      scf.condition(%lt3A_192) %while3A_187, %while3A_188 : i32, i32
    } do {
    ^bb0(%while3A_187: i32, %while3A_188: i32):
      %mul3A_189 = arith.constant 128 : i32
      %mul3A_190 = arith.muli %while3A_187, %mul3A_189 : i32
      %add3A_191 = arith.addi %mul3A_66, %mul3A_190 : i32
      %min3A = arith.constant 205696 : i32
      %min3A_192 = arith.minsi %add3A_191, %min3A : i32
      %multiple_of3A_193 = tpu.assume_multiple %min3A_192, 128 : i32
      %dma_start3A = arith.constant 0 : i32
      %dma_start3A_194 = tpu.memref_slice %arg5[%multiple_of3A_193, %dma_start3A] : memref<205824x128xf32, #tpu.memory_space<hbm>> -> memref<128x128xf32, #tpu.memory_space<hbm>>
      %dma_start3A_195 = arith.constant 0 : i32
      %dma_start3A_196 = tpu.memref_slice %arg5[%multiple_of3A_193, %dma_start3A_195] : memref<205824x128xf32, #tpu.memory_space<hbm>> -> memref<128x128xf32, #tpu.memory_space<hbm>>
      tpu.enqueue_dma source(%arg21 : memref<128x128xf32, #tpu.memory_space<vmem>>) target(%dma_start3A_196 : memref<128x128xf32, #tpu.memory_space<hbm>>) target_semaphore(%arg30 : memref<!tpu.dma_semaphore, #tpu.memory_space<semaphore_mem>>)
      %add3A_197 = arith.constant 32 : i32
      %add3A_198 = arith.addi %while3A_187, %add3A_197 : i32
      %add3A_199 = arith.constant 1 : i32
      %add3A_200 = arith.addi %while3A_188, %add3A_199 : i32
      scf.yield %add3A_198, %add3A_200 : i32, i32
    }
    %scan3A_71 = arith.constant 0 : i32
    %scan3A_72 = arith.constant 0 : i32
    %scan3A_73 = arith.constant 400 : i32
    %scan3A_74 = arith.addi %scan3A_72, %scan3A_73 : i32
    %scan3A_75 = arith.constant 1 : i32
    %scan3A_76 = scf.for %scan3A_187 = %scan3A_72 to %scan3A_74 step %scan3A_75 iter_args(%scan3A_188 = %scan3A_71) -> (i32)  : i32 {
      %broadcast_in_dim3A = arith.constant 0 : i32
      %broadcast_in_dim3A_189 = vector.broadcast %broadcast_in_dim3A : i32 to vector<16xi32>
      %jit3A_190 = arith.constant 8 : i32
      %div3A_191 = arith.divsi %scan3A_187, %jit3A_190 : i32
      %sign3A_192 = arith.constant 0 : i32
      %sign3A_193 = arith.cmpi sgt, %scan3A_187, %sign3A_192 : i32
      %sign3A_194 = arith.extui %sign3A_193 : i1 to i32
      %sign3A_195 = arith.constant 0 : i32
      %sign3A_196 = arith.cmpi slt, %scan3A_187, %sign3A_195 : i32
      %sign3A_197 = arith.extui %sign3A_196 : i1 to i32
      %sign3A_198 = arith.subi %sign3A_194, %sign3A_197 : i32
      %sign3A_199 = arith.constant 0 : i32
      %sign3A_200 = arith.cmpi sgt, %jit3A_190, %sign3A_199 : i32
      %sign3A_201 = arith.extui %sign3A_200 : i1 to i32
      %sign3A_202 = arith.constant 0 : i32
      %sign3A_203 = arith.cmpi slt, %jit3A_190, %sign3A_202 : i32
      %sign3A_204 = arith.extui %sign3A_203 : i1 to i32
      %sign3A_205 = arith.subi %sign3A_201, %sign3A_204 : i32
      %ne3A_206 = arith.cmpi ne, %sign3A_198, %sign3A_205 : i32
      %rem3A_207 = arith.remsi %scan3A_187, %jit3A_190 : i32
      %ne3A_208 = arith.constant 0 : i32
      %ne3A_209 = arith.cmpi ne, %rem3A_207, %ne3A_208 : i32
      %and3A_210 = arith.andi %ne3A_206, %ne3A_209 : i1
      %sub3A_211 = arith.constant 1 : i32
      %sub3A_212 = arith.subi %div3A_191, %sub3A_211 : i32
      %select_n3A_213 = arith.select %and3A_210, %sub3A_212, %div3A_191 : i32
      %jit3A_214 = arith.constant 8 : i32
      %eq3A_215 = arith.constant 0 : i32
      %eq3A_216 = arith.cmpi eq, %jit3A_214, %eq3A_215 : i32
      %jit3A_217 = arith.constant 1 : i32
      %select_n3A_218 = arith.select %eq3A_216, %jit3A_217, %jit3A_214 : i32
      %rem3A_219 = arith.remsi %scan3A_187, %select_n3A_218 : i32
      %ne3A_220 = arith.constant 0 : i32
      %ne3A_221 = arith.cmpi ne, %rem3A_219, %ne3A_220 : i32
      %lt3A = arith.constant 0 : i32
      %lt3A_222 = arith.cmpi slt, %rem3A_219, %lt3A : i32
      %lt3A_223 = arith.constant 0 : i32
      %lt3A_224 = arith.cmpi slt, %select_n3A_218, %lt3A_223 : i32
      %ne3A_225 = arith.xori %lt3A_222, %lt3A_224 : i1
      %and3A_226 = arith.andi %ne3A_225, %ne3A_221 : i1
      %add3A_227 = arith.addi %rem3A_219, %select_n3A_218 : i32
      %select_n3A_228 = arith.select %and3A_226, %add3A_227, %rem3A_219 : i32
      %mul3A_229 = arith.constant 16 : i32
      %mul3A_230 = arith.muli %select_n3A_228, %mul3A_229 : i32
      %swap3A = arith.index_cast %select_n3A_213 : i32 to index
      %swap3A_231 = arith.index_cast %mul3A_230 : i32 to index
      %swap3A_232 = tpu.vector_load %arg10[%swap3A, %swap3A_231] {strides = array<i32>} : memref<50x128xi32, #tpu.memory_space<vmem>>, vector<16xi32>,
      tpu.vector_store %arg10[%swap3A, %swap3A_231], %broadcast_in_dim3A_189 {strides = array<i32>} : memref<50x128xi32, #tpu.memory_space<vmem>>, vector<16xi32>,
      %scan3A_233 = arith.constant 0 : i32
      scf.yield %scan3A_233 : i32
    }
    %scan3A_77 = arith.constant 400 : i32
    %mul3A_78 = arith.constant 6256 : i32
    %mul3A_79 = arith.muli %add3A, %mul3A_78 : i32
    %multiple_of3A = tpu.assume_multiple %mul3A_79, 8 : i32
    "tpu.region"() ({
      %run_scoped3A_187 = tpu.sem_alloc : memref<!tpu.dma_semaphore, #tpu.memory_space<semaphore_mem>>
      %dma_start3A = tpu.memref_slice %arg2[%multiple_of3A] : memref<400384xi32, #tpu.memory_space<hbm>> -> memref<6256xi32, #tpu.memory_space<hbm>>
      %dma_start3A_188 = tpu.memref_slice %arg2[%multiple_of3A] : memref<400384xi32, #tpu.memory_space<hbm>> -> memref<6256xi32, #tpu.memory_space<hbm>>
      tpu.enqueue_dma source(%dma_start3A_188 : memref<6256xi32, #tpu.memory_space<hbm>>) target(%arg7 : memref<6256xi32, #tpu.memory_space<vmem>>) target_semaphore(%run_scoped3A_187 : memref<!tpu.dma_semaphore, #tpu.memory_space<semaphore_mem>>)
      %dma_wait3A = tpu.memref_slice %arg2[%multiple_of3A] : memref<400384xi32, #tpu.memory_space<hbm>> -> memref<6256xi32, #tpu.memory_space<hbm>>
      %dma_wait3A_189 = tpu.memref_slice %arg2[%multiple_of3A] : memref<400384xi32, #tpu.memory_space<hbm>> -> memref<6256xi32, #tpu.memory_space<hbm>>
      tpu.wait_dma2 semaphore(%run_scoped3A_187 : memref<!tpu.dma_semaphore, #tpu.memory_space<semaphore_mem>>) src(%dma_wait3A_189 : memref<6256xi32, #tpu.memory_space<hbm>>) dst(%arg7 : memref<6256xi32, #tpu.memory_space<vmem>>)
      tpu.yield
    }) : () -> ()
    %mul3A_80 = arith.constant 6256 : i32
    %mul3A_81 = arith.muli %add3A, %mul3A_80 : i32
    %add3A_82 = arith.constant 200192 : i32
    %add3A_83 = arith.addi %add3A_82, %mul3A_81 : i32
    %multiple_of3A_84 = tpu.assume_multiple %add3A_83, 8 : i32
    "tpu.region"() ({
      %run_scoped3A_187 = tpu.sem_alloc : memref<!tpu.dma_semaphore, #tpu.memory_space<semaphore_mem>>
      %dma_start3A = tpu.memref_slice %arg2[%multiple_of3A_84] : memref<400384xi32, #tpu.memory_space<hbm>> -> memref<6256xi32, #tpu.memory_space<hbm>>
      %dma_start3A_188 = tpu.memref_slice %arg2[%multiple_of3A_84] : memref<400384xi32, #tpu.memory_space<hbm>> -> memref<6256xi32, #tpu.memory_space<hbm>>
      tpu.enqueue_dma source(%dma_start3A_188 : memref<6256xi32, #tpu.memory_space<hbm>>) target(%arg8 : memref<6256xi32, #tpu.memory_space<vmem>>) target_semaphore(%run_scoped3A_187 : memref<!tpu.dma_semaphore, #tpu.memory_space<semaphore_mem>>)
      %dma_wait3A = tpu.memref_slice %arg2[%multiple_of3A_84] : memref<400384xi32, #tpu.memory_space<hbm>> -> memref<6256xi32, #tpu.memory_space<hbm>>
      %dma_wait3A_189 = tpu.memref_slice %arg2[%multiple_of3A_84] : memref<400384xi32, #tpu.memory_space<hbm>> -> memref<6256xi32, #tpu.memory_space<hbm>>
      tpu.wait_dma2 semaphore(%run_scoped3A_187 : memref<!tpu.dma_semaphore, #tpu.memory_space<semaphore_mem>>) src(%dma_wait3A_189 : memref<6256xi32, #tpu.memory_space<hbm>>) dst(%arg8 : memref<6256xi32, #tpu.memory_space<vmem>>)
      tpu.yield
    }) : () -> ()
    %mul3A_85 = arith.constant 6256 : i32
    %mul3A_86 = arith.muli %add3A, %mul3A_85 : i32
    %scan3A_87 = arith.constant 0 : i32
    %scan3A_88 = arith.constant 0 : i32
    %scan3A_89 = arith.constant 391 : i32
    %scan3A_90 = arith.addi %scan3A_88, %scan3A_89 : i32
    %scan3A_91 = arith.constant 1 : i32
    %scan3A_92 = scf.for %scan3A_187 = %scan3A_88 to %scan3A_90 step %scan3A_91 iter_args(%scan3A_188 = %scan3A_87) -> (i32)  : i32 {
      %mul3A_189 = arith.constant 16 : i32
      %mul3A_190 = arith.muli %scan3A_187, %mul3A_189 : i32
      %get3A_191 = arith.index_cast %mul3A_190 : i32 to index
      %get3A_192 = tpu.vector_load %arg7[%get3A_191] {strides = array<i32>} : memref<6256xi32, #tpu.memory_space<vmem>>, vector<16xi32>,
      %mul3A_193 = arith.constant 16 : i32
      %mul3A_194 = arith.muli %scan3A_187, %mul3A_193 : i32
      %get3A_195 = arith.index_cast %mul3A_194 : i32 to index
      %get3A_196 = tpu.vector_load %arg8[%get3A_195] {strides = array<i32>} : memref<6256xi32, #tpu.memory_space<vmem>>, vector<16xi32>,
      %add3A_197 = arith.addi %get3A_192, %get3A_196 : vector<16xi32>
      %gt3A_198 = arith.constant 0 : i32
      %gt3A_199 = vector.broadcast %gt3A_198 : i32 to vector<16xi32>
      %gt3A_200 = arith.cmpi sgt, %add3A_197, %gt3A_199 : vector<16xi32>
      %jit3A_201 = arith.constant 1 : i32
      %jit3A_202 = arith.constant 0 : i32
      %broadcast_in_dim3A = vector.broadcast %jit3A_201 : i32 to vector<16xi32>
      %broadcast_in_dim3A_203 = vector.broadcast %jit3A_202 : i32 to vector<16xi32>
      %select_n3A_204 = arith.select %gt3A_200, %broadcast_in_dim3A, %broadcast_in_dim3A_203 : vector<16xi1>, vector<16xi32>
      %broadcast_in_dim3A_205 = arith.constant true
      %broadcast_in_dim3A_206 = vector.broadcast %broadcast_in_dim3A_205 : i1 to vector<16xi1>
      %masked_cumsum3A = tpu.scan <sum>, %select_n3A_204 masked %broadcast_in_dim3A_206 : vector<16xi32>, vector<16xi1> -> vector<16xi32>
      %sub3A_207 = arith.subi %masked_cumsum3A, %select_n3A_204 : vector<16xi32>
      %add3A_208 = vector.broadcast %scan3A_188 : i32 to vector<16xi32>
      %add3A_209 = arith.addi %add3A_208, %sub3A_207 : vector<16xi32>
      %mul3A_210 = arith.constant 16 : i32
      %mul3A_211 = arith.muli %scan3A_187, %mul3A_210 : i32
      %add3A_212 = arith.addi %mul3A_86, %mul3A_211 : i32
      %add3A_213 = vector.broadcast %add3A_212 : i32 to vector<16xi32>
      %add3A_214 = arith.addi %add3A_213, %iota3A : vector<16xi32>
      %jit3A_215 = arith.constant 128 : i32
      %div3A_216 = vector.broadcast %jit3A_215 : i32 to vector<16xi32>
      %div3A_217 = arith.divsi %add3A_209, %div3A_216 : vector<16xi32>
      %sign3A_218 = arith.constant 0 : i32
      %sign3A_219 = vector.broadcast %sign3A_218 : i32 to vector<16xi32>
      %sign3A_220 = arith.cmpi sgt, %add3A_209, %sign3A_219 : vector<16xi32>
      %sign3A_221 = arith.extui %sign3A_220 : vector<16xi1> to vector<16xi32>
      %sign3A_222 = arith.constant 0 : i32
      %sign3A_223 = vector.broadcast %sign3A_222 : i32 to vector<16xi32>
      %sign3A_224 = arith.cmpi slt, %add3A_209, %sign3A_223 : vector<16xi32>
      %sign3A_225 = arith.extui %sign3A_224 : vector<16xi1> to vector<16xi32>
      %sign3A_226 = arith.subi %sign3A_221, %sign3A_225 : vector<16xi32>
      %sign3A_227 = arith.constant 0 : i32
      %sign3A_228 = arith.cmpi sgt, %jit3A_215, %sign3A_227 : i32
      %sign3A_229 = arith.extui %sign3A_228 : i1 to i32
      %sign3A_230 = arith.constant 0 : i32
      %sign3A_231 = arith.cmpi slt, %jit3A_215, %sign3A_230 : i32
      %sign3A_232 = arith.extui %sign3A_231 : i1 to i32
      %sign3A_233 = arith.subi %sign3A_229, %sign3A_232 : i32
      %ne3A_234 = vector.broadcast %sign3A_233 : i32 to vector<16xi32>
      %ne3A_235 = arith.cmpi ne, %sign3A_226, %ne3A_234 : vector<16xi32>
      %rem3A_236 = vector.broadcast %jit3A_215 : i32 to vector<16xi32>
      %rem3A_237 = arith.remsi %add3A_209, %rem3A_236 : vector<16xi32>
      %ne3A_238 = arith.constant 0 : i32
      %ne3A_239 = vector.broadcast %ne3A_238 : i32 to vector<16xi32>
      %ne3A_240 = arith.cmpi ne, %rem3A_237, %ne3A_239 : vector<16xi32>
      %and3A_241 = arith.andi %ne3A_235, %ne3A_240 : vector<16xi1>
      %sub3A_242 = arith.constant 1 : i32
      %sub3A_243 = vector.broadcast %sub3A_242 : i32 to vector<16xi32>
      %sub3A_244 = arith.subi %div3A_217, %sub3A_243 : vector<16xi32>
      %select_n3A_245 = arith.select %and3A_241, %sub3A_244, %div3A_217 : vector<16xi1>, vector<16xi32>
      %jit3A_246 = arith.constant 128 : i32
      %eq3A_247 = arith.constant 0 : i32
      %eq3A_248 = arith.cmpi eq, %jit3A_246, %eq3A_247 : i32
      %jit3A_249 = arith.constant 1 : i32
      %select_n3A_250 = arith.select %eq3A_248, %jit3A_249, %jit3A_246 : i32
      %rem3A_251 = vector.broadcast %select_n3A_250 : i32 to vector<16xi32>
      %rem3A_252 = arith.remsi %add3A_209, %rem3A_251 : vector<16xi32>
      %ne3A_253 = arith.constant 0 : i32
      %ne3A_254 = vector.broadcast %ne3A_253 : i32 to vector<16xi32>
      %ne3A_255 = arith.cmpi ne, %rem3A_252, %ne3A_254 : vector<16xi32>
      %lt3A = arith.constant 0 : i32
      %lt3A_256 = vector.broadcast %lt3A : i32 to vector<16xi32>
      %lt3A_257 = arith.cmpi slt, %rem3A_252, %lt3A_256 : vector<16xi32>
      %lt3A_258 = arith.constant 0 : i32
      %lt3A_259 = arith.cmpi slt, %select_n3A_250, %lt3A_258 : i32
      %ne3A_260 = vector.broadcast %lt3A_259 : i1 to vector<16xi1>
      %ne3A_261 = vector.broadcast %ne3A_260 : vector<16xi1> to vector<16xi1>
      %ne3A_262 = arith.xori %lt3A_257, %ne3A_261 : vector<16xi1>
      %and3A_263 = arith.andi %ne3A_262, %ne3A_255 : vector<16xi1>
      %add3A_264 = vector.broadcast %select_n3A_250 : i32 to vector<16xi32>
      %add3A_265 = arith.addi %rem3A_252, %add3A_264 : vector<16xi32>
      %select_n3A_266 = arith.select %and3A_263, %add3A_265, %rem3A_252 : vector<16xi1>, vector<16xi32>
      tpu.vector_store_idx %arg10[%select_n3A_245, %select_n3A_266], %add3A_214 masked %gt3A_200 : memref<50x128xi32, #tpu.memory_space<vmem>>[vector<16xi32>, vector<16xi32>], vector<16xi32>, vector<16xi1>
      %add3A_267 = vector.broadcast %scan3A_6#0 : i32 to vector<16xi32>
      %add3A_268 = arith.addi %add3A_267, %add3A_209 : vector<16xi32>
      %mul3A_269 = arith.constant 16 : i32
      %mul3A_270 = arith.muli %scan3A_187, %mul3A_269 : i32
      %swap3A = arith.index_cast %mul3A_270 : i32 to index
      %swap3A_271 = tpu.vector_load %arg9[%swap3A] {strides = array<i32>} : memref<6256xi32, #tpu.memory_space<vmem>>, vector<16xi32>,
      tpu.vector_store %arg9[%swap3A], %add3A_268 {strides = array<i32>} : memref<6256xi32, #tpu.memory_space<vmem>>, vector<16xi32>,
      %reduce_sum3A = arith.constant true
      %reduce_sum3A_272 = vector.broadcast %reduce_sum3A : i1 to vector<16xi1>
      %reduce_sum3A_273 = tpu.scan <sum>, %select_n3A_204 masked %reduce_sum3A_272 : vector<16xi32>, vector<16xi1> -> vector<16xi32>
      %reduce_sum3A_274 = vector.extract %reduce_sum3A_273[15] : i32 from vector<16xi32>
      %add3A_275 = arith.addi %scan3A_188, %reduce_sum3A_274 : i32
      scf.yield %add3A_275 : i32
    }
    %scan3A_93 = arith.constant 391 : i32
    %mul3A_94 = arith.constant 6256 : i32
    %mul3A_95 = arith.muli %add3A, %mul3A_94 : i32
    %multiple_of3A_96 = tpu.assume_multiple %mul3A_95, 8 : i32
    "tpu.region"() ({
      %run_scoped3A_187 = tpu.sem_alloc : memref<!tpu.dma_semaphore, #tpu.memory_space<semaphore_mem>>
      %dma_start3A = tpu.memref_slice %arg6[%multiple_of3A_96] : memref<200192xi32, #tpu.memory_space<hbm>> -> memref<6256xi32, #tpu.memory_space<hbm>>
      %dma_start3A_188 = tpu.memref_slice %arg6[%multiple_of3A_96] : memref<200192xi32, #tpu.memory_space<hbm>> -> memref<6256xi32, #tpu.memory_space<hbm>>
      tpu.enqueue_dma source(%arg9 : memref<6256xi32, #tpu.memory_space<vmem>>) target(%dma_start3A_188 : memref<6256xi32, #tpu.memory_space<hbm>>) target_semaphore(%run_scoped3A_187 : memref<!tpu.dma_semaphore, #tpu.memory_space<semaphore_mem>>)
      %dma_wait3A = tpu.memref_slice %arg6[%multiple_of3A_96] : memref<200192xi32, #tpu.memory_space<hbm>> -> memref<6256xi32, #tpu.memory_space<hbm>>
      %dma_wait3A_189 = tpu.memref_slice %arg6[%multiple_of3A_96] : memref<200192xi32, #tpu.memory_space<hbm>> -> memref<6256xi32, #tpu.memory_space<hbm>>
      tpu.wait_dma2 semaphore(%run_scoped3A_187 : memref<!tpu.dma_semaphore, #tpu.memory_space<semaphore_mem>>) src(%arg9 : memref<6256xi32, #tpu.memory_space<vmem>>) dst(%dma_wait3A_189 : memref<6256xi32, #tpu.memory_space<hbm>>)
      tpu.yield
    }) : () -> ()
    %add3A_97 = arith.constant 127 : i32
    %add3A_98 = arith.addi %scan3A_92, %add3A_97 : i32
    %jit3A_99 = arith.constant 128 : i32
    %div3A_100 = arith.divsi %add3A_98, %jit3A_99 : i32
    %sign3A_101 = arith.constant 0 : i32
    %sign3A_102 = arith.cmpi sgt, %add3A_98, %sign3A_101 : i32
    %sign3A_103 = arith.extui %sign3A_102 : i1 to i32
    %sign3A_104 = arith.constant 0 : i32
    %sign3A_105 = arith.cmpi slt, %add3A_98, %sign3A_104 : i32
    %sign3A_106 = arith.extui %sign3A_105 : i1 to i32
    %sign3A_107 = arith.subi %sign3A_103, %sign3A_106 : i32
    %sign3A_108 = arith.constant 0 : i32
    %sign3A_109 = arith.cmpi sgt, %jit3A_99, %sign3A_108 : i32
    %sign3A_110 = arith.extui %sign3A_109 : i1 to i32
    %sign3A_111 = arith.constant 0 : i32
    %sign3A_112 = arith.cmpi slt, %jit3A_99, %sign3A_111 : i32
    %sign3A_113 = arith.extui %sign3A_112 : i1 to i32
    %sign3A_114 = arith.subi %sign3A_110, %sign3A_113 : i32
    %ne3A_115 = arith.cmpi ne, %sign3A_107, %sign3A_114 : i32
    %rem3A_116 = arith.remsi %add3A_98, %jit3A_99 : i32
    %ne3A_117 = arith.constant 0 : i32
    %ne3A_118 = arith.cmpi ne, %rem3A_116, %ne3A_117 : i32
    %and3A_119 = arith.andi %ne3A_115, %ne3A_118 : i1
    %sub3A_120 = arith.constant 1 : i32
    %sub3A_121 = arith.subi %div3A_100, %sub3A_120 : i32
    %select_n3A_122 = arith.select %and3A_119, %sub3A_121, %div3A_100 : i32
    %gt3A = arith.constant 0 : i32
    %gt3A_123 = arith.cmpi sgt, %select_n3A_122, %gt3A : i32
    %convert_element_type3A_124 = arith.extui %gt3A_123 : i1 to i32
    %cond3A_125 = arith.constant 0 : i32
    %cond3A_126 = arith.cmpi ne, %convert_element_type3A_124, %cond3A_125 : i32
    scf.if %cond3A_126 {
      %dma_start3A = arith.constant 0 : i32
      %dma_start3A_187 = arith.constant 0 : i32
      %dma_start3A_188 = tpu.memref_slice %arg10[%dma_start3A, %dma_start3A_187] : memref<50x128xi32, #tpu.memory_space<vmem>> -> memref<1x128xi32, #tpu.memory_space<vmem>>
      %dma_start3A_189 = tpu.memref_squeeze %dma_start3A_188 : memref<1x128xi32, #tpu.memory_space<vmem>> -> memref<128xi32, #tpu.memory_space<vmem>>
      %dma_start3A_190 = arith.constant 0 : i32
      %dma_start3A_191 = arith.constant 0 : i32
      %dma_start3A_192 = tpu.memref_slice %arg4[%dma_start3A_190, %dma_start3A_191] : memref<200000x128xf32, #tpu.memory_space<hbm>> -> memref<200000x128xf32, #tpu.memory_space<hbm>>
      tpu.enqueue_indirect_dma source(%dma_start3A_192 : memref<200000x128xf32, #tpu.memory_space<hbm>>) target(%arg17 : memref<128x128xf32, #tpu.memory_space<vmem>>) offsets(%dma_start3A_189 : memref<128xi32, #tpu.memory_space<vmem>>) semaphore(%arg22 : memref<!tpu.dma_semaphore, #tpu.memory_space<semaphore_mem>>)
    } else {
    }
    %gt3A_127 = arith.constant 1 : i32
    %gt3A_128 = arith.cmpi sgt, %select_n3A_122, %gt3A_127 : i32
    %convert_element_type3A_129 = arith.extui %gt3A_128 : i1 to i32
    %cond3A_130 = arith.constant 0 : i32
    %cond3A_131 = arith.cmpi ne, %convert_element_type3A_129, %cond3A_130 : i32
    scf.if %cond3A_131 {
      %dma_start3A = arith.constant 1 : i32
      %dma_start3A_187 = arith.constant 0 : i32
      %dma_start3A_188 = tpu.memref_slice %arg10[%dma_start3A, %dma_start3A_187] : memref<50x128xi32, #tpu.memory_space<vmem>> -> memref<1x128xi32, #tpu.memory_space<vmem>>
      %dma_start3A_189 = tpu.memref_squeeze %dma_start3A_188 : memref<1x128xi32, #tpu.memory_space<vmem>> -> memref<128xi32, #tpu.memory_space<vmem>>
      %dma_start3A_190 = arith.constant 0 : i32
      %dma_start3A_191 = arith.constant 0 : i32
      %dma_start3A_192 = tpu.memref_slice %arg4[%dma_start3A_190, %dma_start3A_191] : memref<200000x128xf32, #tpu.memory_space<hbm>> -> memref<200000x128xf32, #tpu.memory_space<hbm>>
      tpu.enqueue_indirect_dma source(%dma_start3A_192 : memref<200000x128xf32, #tpu.memory_space<hbm>>) target(%arg18 : memref<128x128xf32, #tpu.memory_space<vmem>>) offsets(%dma_start3A_189 : memref<128xi32, #tpu.memory_space<vmem>>) semaphore(%arg23 : memref<!tpu.dma_semaphore, #tpu.memory_space<semaphore_mem>>)
    } else {
    }
    %add3A_132 = arith.constant 5 : i32
    %add3A_133 = arith.addi %select_n3A_122, %add3A_132 : i32
    %jit3A_134 = arith.constant 4 : i32
    %div3A_135 = arith.divsi %add3A_133, %jit3A_134 : i32
    %sign3A_136 = arith.constant 0 : i32
    %sign3A_137 = arith.cmpi sgt, %add3A_133, %sign3A_136 : i32
    %sign3A_138 = arith.extui %sign3A_137 : i1 to i32
    %sign3A_139 = arith.constant 0 : i32
    %sign3A_140 = arith.cmpi slt, %add3A_133, %sign3A_139 : i32
    %sign3A_141 = arith.extui %sign3A_140 : i1 to i32
    %sign3A_142 = arith.subi %sign3A_138, %sign3A_141 : i32
    %sign3A_143 = arith.constant 0 : i32
    %sign3A_144 = arith.cmpi sgt, %jit3A_134, %sign3A_143 : i32
    %sign3A_145 = arith.extui %sign3A_144 : i1 to i32
    %sign3A_146 = arith.constant 0 : i32
    %sign3A_147 = arith.cmpi slt, %jit3A_134, %sign3A_146 : i32
    %sign3A_148 = arith.extui %sign3A_147 : i1 to i32
    %sign3A_149 = arith.subi %sign3A_145, %sign3A_148 : i32
    %ne3A_150 = arith.cmpi ne, %sign3A_142, %sign3A_149 : i32
    %rem3A_151 = arith.remsi %add3A_133, %jit3A_134 : i32
    %ne3A_152 = arith.constant 0 : i32
    %ne3A_153 = arith.cmpi ne, %rem3A_151, %ne3A_152 : i32
    %and3A_154 = arith.andi %ne3A_150, %ne3A_153 : i1
    %sub3A_155 = arith.constant 1 : i32
    %sub3A_156 = arith.subi %div3A_135, %sub3A_155 : i32
    %select_n3A_157 = arith.select %and3A_154, %sub3A_156, %div3A_135 : i32
    %while3A_158 = arith.constant 0 : i32
    %while3A_159 = arith.constant 0 : i32
    %while3A_160 = arith.subi %select_n3A_157, %while3A_158 : i32
    %while3A_161 = arith.addi %while3A_158, %while3A_160 : i32
    %while3A_162 = arith.constant 1 : i32
    %while3A_163 = arith.divsi %while3A_160, %while3A_162 : i32
    %while3A_164 = arith.muli %while3A_163, %while3A_162 : i32
    %while3A_165 = arith.addi %while3A_158, %while3A_164 : i32
    %while3A_166 = arith.constant 1 : i32
    %while3A_167 = scf.for %while3A_187 = %while3A_158 to %while3A_165 step %while3A_166 iter_args(%while3A_188 = %while3A_159) -> (i32)  : i32 {
      %mul3A_189 = arith.constant 4 : i32
      %mul3A_190 = arith.muli %while3A_187, %mul3A_189 : i32
      %add3A_191 = arith.constant 0 : i32
      %add3A_192 = arith.addi %mul3A_190, %add3A_191 : i32
      %ge3A = arith.constant 2 : i32
      %ge3A_193 = arith.cmpi sge, %add3A_192, %ge3A : i32
      %add3A_194 = arith.constant 2 : i32
      %add3A_195 = arith.addi %select_n3A_122, %add3A_194 : i32
      %lt3A = arith.cmpi slt, %add3A_192, %add3A_195 : i32
      %and3A_196 = arith.andi %ge3A_193, %lt3A : i1
      %convert_element_type3A_197 = arith.extui %and3A_196 : i1 to i32
      %cond3A_198 = arith.constant 0 : i32
      %cond3A_199 = arith.cmpi ne, %convert_element_type3A_197, %cond3A_198 : i32
      scf.if %cond3A_199 {
        %dma_wait3A = arith.constant 0 : i32
        %dma_wait3A_280 = arith.constant 0 : i32
        %dma_wait3A_281 = tpu.memref_slice %arg5[%dma_wait3A, %dma_wait3A_280] : memref<205824x128xf32, #tpu.memory_space<hbm>> -> memref<128x128xf32, #tpu.memory_space<hbm>>
        %dma_wait3A_282 = arith.constant 0 : i32
        %dma_wait3A_283 = arith.constant 0 : i32
        %dma_wait3A_284 = tpu.memref_slice %arg5[%dma_wait3A_282, %dma_wait3A_283] : memref<205824x128xf32, #tpu.memory_space<hbm>> -> memref<128x128xf32, #tpu.memory_space<hbm>>
        tpu.wait_dma2 semaphore(%arg28 : memref<!tpu.dma_semaphore, #tpu.memory_space<semaphore_mem>>) src(%arg19 : memref<128x128xf32, #tpu.memory_space<vmem>>) dst(%dma_wait3A_284 : memref<128x128xf32, #tpu.memory_space<hbm>>)
      } else {
      }
      %add3A_200 = arith.constant 2 : i32
      %add3A_201 = arith.addi %add3A_192, %add3A_200 : i32
      %lt3A_202 = arith.cmpi slt, %add3A_201, %select_n3A_122 : i32
      %convert_element_type3A_203 = arith.extui %lt3A_202 : i1 to i32
      %cond3A_204 = arith.constant 0 : i32
      %cond3A_205 = arith.cmpi ne, %convert_element_type3A_203, %cond3A_204 : i32
      scf.if %cond3A_205 {
        %add3A_280 = arith.constant 2 : i32
        %add3A_281 = arith.addi %add3A_192, %add3A_280 : i32
        %dma_start3A = arith.constant 0 : i32
        %dma_start3A_282 = tpu.memref_slice %arg10[%add3A_281, %dma_start3A] : memref<50x128xi32, #tpu.memory_space<vmem>> -> memref<1x128xi32, #tpu.memory_space<vmem>>
        %dma_start3A_283 = tpu.memref_squeeze %dma_start3A_282 : memref<1x128xi32, #tpu.memory_space<vmem>> -> memref<128xi32, #tpu.memory_space<vmem>>
        %dma_start3A_284 = arith.constant 0 : i32
        %dma_start3A_285 = arith.constant 0 : i32
        %dma_start3A_286 = tpu.memref_slice %arg4[%dma_start3A_284, %dma_start3A_285] : memref<200000x128xf32, #tpu.memory_space<hbm>> -> memref<200000x128xf32, #tpu.memory_space<hbm>>
        tpu.enqueue_indirect_dma source(%dma_start3A_286 : memref<200000x128xf32, #tpu.memory_space<hbm>>) target(%arg19 : memref<128x128xf32, #tpu.memory_space<vmem>>) offsets(%dma_start3A_283 : memref<128xi32, #tpu.memory_space<vmem>>) semaphore(%arg24 : memref<!tpu.dma_semaphore, #tpu.memory_space<semaphore_mem>>)
      } else {
      }
      %lt3A_206 = arith.cmpi slt, %add3A_192, %select_n3A_122 : i32
      %convert_element_type3A_207 = arith.extui %lt3A_206 : i1 to i32
      %cond3A_208 = arith.constant 0 : i32
      %cond3A_209 = arith.cmpi ne, %convert_element_type3A_207, %cond3A_208 : i32
      scf.if %cond3A_209 {
        %dma_wait3A = arith.constant 0 : i32
        %dma_wait3A_280 = arith.constant 0 : i32
        %dma_wait3A_281 = tpu.memref_slice %arg4[%dma_wait3A, %dma_wait3A_280] : memref<200000x128xf32, #tpu.memory_space<hbm>> -> memref<128x128xf32, #tpu.memory_space<hbm>>
        %dma_wait3A_282 = arith.constant 0 : i32
        %dma_wait3A_283 = arith.constant 0 : i32
        %dma_wait3A_284 = tpu.memref_slice %arg4[%dma_wait3A_282, %dma_wait3A_283] : memref<200000x128xf32, #tpu.memory_space<hbm>> -> memref<128x128xf32, #tpu.memory_space<hbm>>
        tpu.wait_dma2 semaphore(%arg22 : memref<!tpu.dma_semaphore, #tpu.memory_space<semaphore_mem>>) src(%dma_wait3A_284 : memref<128x128xf32, #tpu.memory_space<hbm>>) dst(%arg17 : memref<128x128xf32, #tpu.memory_space<vmem>>)
        %mul3A_285 = arith.constant 128 : i32
        %mul3A_286 = arith.muli %add3A_192, %mul3A_285 : i32
        %add3A_287 = arith.constant 0 : i32
        %add3A_288 = arith.addi %mul3A_286, %add3A_287 : i32
        %add3A_289 = vector.broadcast %add3A_288 : i32 to vector<16xi32>
        %add3A_290 = arith.addi %add3A_289, %iota3A : vector<16xi32>
        %lt3A_291 = vector.broadcast %scan3A_92 : i32 to vector<16xi32>
        %lt3A_292 = arith.cmpi slt, %add3A_290, %lt3A_291 : vector<16xi32>
        %add3A_293 = vector.broadcast %scan3A_6#0 : i32 to vector<16xi32>
        %add3A_294 = arith.addi %add3A_293, %add3A_290 : vector<16xi32>
        %add3A_295 = arith.constant 205696 : i32
        %add3A_296 = vector.broadcast %add3A_295 : i32 to vector<16xi32>
        %add3A_297 = arith.addi %add3A_296, %iota3A : vector<16xi32>
        %select_n3A_298 = arith.select %lt3A_292, %add3A_294, %add3A_297 : vector<16xi1>, vector<16xi32>
        %swap3A = arith.constant 0 : index
        %swap3A_299 = tpu.vector_load %arg12[%swap3A] {strides = array<i32>} : memref<128xi32, #tpu.memory_space<vmem>>, vector<16xi32>,
        tpu.vector_store %arg12[%swap3A], %select_n3A_298 {strides = array<i32>} : memref<128xi32, #tpu.memory_space<vmem>>, vector<16xi32>,
        %mul3A_300 = arith.constant 128 : i32
        %mul3A_301 = arith.muli %add3A_192, %mul3A_300 : i32
        %add3A_302 = arith.constant 16 : i32
        %add3A_303 = arith.addi %mul3A_301, %add3A_302 : i32
        %add3A_304 = vector.broadcast %add3A_303 : i32 to vector<16xi32>
        %add3A_305 = arith.addi %add3A_304, %iota3A : vector<16xi32>
        %lt3A_306 = vector.broadcast %scan3A_92 : i32 to vector<16xi32>
        %lt3A_307 = arith.cmpi slt, %add3A_305, %lt3A_306 : vector<16xi32>
        %add3A_308 = vector.broadcast %scan3A_6#0 : i32 to vector<16xi32>
        %add3A_309 = arith.addi %add3A_308, %add3A_305 : vector<16xi32>
        %add3A_310 = arith.constant 205712 : i32
        %add3A_311 = vector.broadcast %add3A_310 : i32 to vector<16xi32>
        %add3A_312 = arith.addi %add3A_311, %iota3A : vector<16xi32>
        %select_n3A_313 = arith.select %lt3A_307, %add3A_309, %add3A_312 : vector<16xi1>, vector<16xi32>
        %swap3A_314 = arith.constant 16 : index
        %swap3A_315 = tpu.vector_load %arg12[%swap3A_314] {strides = array<i32>} : memref<128xi32, #tpu.memory_space<vmem>>, vector<16xi32>,
        tpu.vector_store %arg12[%swap3A_314], %select_n3A_313 {strides = array<i32>} : memref<128xi32, #tpu.memory_space<vmem>>, vector<16xi32>,
        %mul3A_316 = arith.constant 128 : i32
        %mul3A_317 = arith.muli %add3A_192, %mul3A_316 : i32
        %add3A_318 = arith.constant 32 : i32
        %add3A_319 = arith.addi %mul3A_317, %add3A_318 : i32
        %add3A_320 = vector.broadcast %add3A_319 : i32 to vector<16xi32>
        %add3A_321 = arith.addi %add3A_320, %iota3A : vector<16xi32>
        %lt3A_322 = vector.broadcast %scan3A_92 : i32 to vector<16xi32>
        %lt3A_323 = arith.cmpi slt, %add3A_321, %lt3A_322 : vector<16xi32>
        %add3A_324 = vector.broadcast %scan3A_6#0 : i32 to vector<16xi32>
        %add3A_325 = arith.addi %add3A_324, %add3A_321 : vector<16xi32>
        %add3A_326 = arith.constant 205728 : i32
        %add3A_327 = vector.broadcast %add3A_326 : i32 to vector<16xi32>
        %add3A_328 = arith.addi %add3A_327, %iota3A : vector<16xi32>
        %select_n3A_329 = arith.select %lt3A_323, %add3A_325, %add3A_328 : vector<16xi1>, vector<16xi32>
        %swap3A_330 = arith.constant 32 : index
        %swap3A_331 = tpu.vector_load %arg12[%swap3A_330] {strides = array<i32>} : memref<128xi32, #tpu.memory_space<vmem>>, vector<16xi32>,
        tpu.vector_store %arg12[%swap3A_330], %select_n3A_329 {strides = array<i32>} : memref<128xi32, #tpu.memory_space<vmem>>, vector<16xi32>,
        %mul3A_332 = arith.constant 128 : i32
        %mul3A_333 = arith.muli %add3A_192, %mul3A_332 : i32
        %add3A_334 = arith.constant 48 : i32
        %add3A_335 = arith.addi %mul3A_333, %add3A_334 : i32
        %add3A_336 = vector.broadcast %add3A_335 : i32 to vector<16xi32>
        %add3A_337 = arith.addi %add3A_336, %iota3A : vector<16xi32>
        %lt3A_338 = vector.broadcast %scan3A_92 : i32 to vector<16xi32>
        %lt3A_339 = arith.cmpi slt, %add3A_337, %lt3A_338 : vector<16xi32>
        %add3A_340 = vector.broadcast %scan3A_6#0 : i32 to vector<16xi32>
        %add3A_341 = arith.addi %add3A_340, %add3A_337 : vector<16xi32>
        %add3A_342 = arith.constant 205744 : i32
        %add3A_343 = vector.broadcast %add3A_342 : i32 to vector<16xi32>
        %add3A_344 = arith.addi %add3A_343, %iota3A : vector<16xi32>
        %select_n3A_345 = arith.select %lt3A_339, %add3A_341, %add3A_344 : vector<16xi1>, vector<16xi32>
        %swap3A_346 = arith.constant 48 : index
        %swap3A_347 = tpu.vector_load %arg12[%swap3A_346] {strides = array<i32>} : memref<128xi32, #tpu.memory_space<vmem>>, vector<16xi32>,
        tpu.vector_store %arg12[%swap3A_346], %select_n3A_345 {strides = array<i32>} : memref<128xi32, #tpu.memory_space<vmem>>, vector<16xi32>,
        %mul3A_348 = arith.constant 128 : i32
        %mul3A_349 = arith.muli %add3A_192, %mul3A_348 : i32
        %add3A_350 = arith.constant 64 : i32
        %add3A_351 = arith.addi %mul3A_349, %add3A_350 : i32
        %add3A_352 = vector.broadcast %add3A_351 : i32 to vector<16xi32>
        %add3A_353 = arith.addi %add3A_352, %iota3A : vector<16xi32>
        %lt3A_354 = vector.broadcast %scan3A_92 : i32 to vector<16xi32>
        %lt3A_355 = arith.cmpi slt, %add3A_353, %lt3A_354 : vector<16xi32>
        %add3A_356 = vector.broadcast %scan3A_6#0 : i32 to vector<16xi32>
        %add3A_357 = arith.addi %add3A_356, %add3A_353 : vector<16xi32>
        %add3A_358 = arith.constant 205760 : i32
        %add3A_359 = vector.broadcast %add3A_358 : i32 to vector<16xi32>
        %add3A_360 = arith.addi %add3A_359, %iota3A : vector<16xi32>
        %select_n3A_361 = arith.select %lt3A_355, %add3A_357, %add3A_360 : vector<16xi1>, vector<16xi32>
        %swap3A_362 = arith.constant 64 : index
        %swap3A_363 = tpu.vector_load %arg12[%swap3A_362] {strides = array<i32>} : memref<128xi32, #tpu.memory_space<vmem>>, vector<16xi32>,
        tpu.vector_store %arg12[%swap3A_362], %select_n3A_361 {strides = array<i32>} : memref<128xi32, #tpu.memory_space<vmem>>, vector<16xi32>,
        %mul3A_364 = arith.constant 128 : i32
        %mul3A_365 = arith.muli %add3A_192, %mul3A_364 : i32
        %add3A_366 = arith.constant 80 : i32
        %add3A_367 = arith.addi %mul3A_365, %add3A_366 : i32
        %add3A_368 = vector.broadcast %add3A_367 : i32 to vector<16xi32>
        %add3A_369 = arith.addi %add3A_368, %iota3A : vector<16xi32>
        %lt3A_370 = vector.broadcast %scan3A_92 : i32 to vector<16xi32>
        %lt3A_371 = arith.cmpi slt, %add3A_369, %lt3A_370 : vector<16xi32>
        %add3A_372 = vector.broadcast %scan3A_6#0 : i32 to vector<16xi32>
        %add3A_373 = arith.addi %add3A_372, %add3A_369 : vector<16xi32>
        %add3A_374 = arith.constant 205776 : i32
        %add3A_375 = vector.broadcast %add3A_374 : i32 to vector<16xi32>
        %add3A_376 = arith.addi %add3A_375, %iota3A : vector<16xi32>
        %select_n3A_377 = arith.select %lt3A_371, %add3A_373, %add3A_376 : vector<16xi1>, vector<16xi32>
        %swap3A_378 = arith.constant 80 : index
        %swap3A_379 = tpu.vector_load %arg12[%swap3A_378] {strides = array<i32>} : memref<128xi32, #tpu.memory_space<vmem>>, vector<16xi32>,
        tpu.vector_store %arg12[%swap3A_378], %select_n3A_377 {strides = array<i32>} : memref<128xi32, #tpu.memory_space<vmem>>, vector<16xi32>,
        %mul3A_380 = arith.constant 128 : i32
        %mul3A_381 = arith.muli %add3A_192, %mul3A_380 : i32
        %add3A_382 = arith.constant 96 : i32
        %add3A_383 = arith.addi %mul3A_381, %add3A_382 : i32
        %add3A_384 = vector.broadcast %add3A_383 : i32 to vector<16xi32>
        %add3A_385 = arith.addi %add3A_384, %iota3A : vector<16xi32>
        %lt3A_386 = vector.broadcast %scan3A_92 : i32 to vector<16xi32>
        %lt3A_387 = arith.cmpi slt, %add3A_385, %lt3A_386 : vector<16xi32>
        %add3A_388 = vector.broadcast %scan3A_6#0 : i32 to vector<16xi32>
        %add3A_389 = arith.addi %add3A_388, %add3A_385 : vector<16xi32>
        %add3A_390 = arith.constant 205792 : i32
        %add3A_391 = vector.broadcast %add3A_390 : i32 to vector<16xi32>
        %add3A_392 = arith.addi %add3A_391, %iota3A : vector<16xi32>
        %select_n3A_393 = arith.select %lt3A_387, %add3A_389, %add3A_392 : vector<16xi1>, vector<16xi32>
        %swap3A_394 = arith.constant 96 : index
        %swap3A_395 = tpu.vector_load %arg12[%swap3A_394] {strides = array<i32>} : memref<128xi32, #tpu.memory_space<vmem>>, vector<16xi32>,
        tpu.vector_store %arg12[%swap3A_394], %select_n3A_393 {strides = array<i32>} : memref<128xi32, #tpu.memory_space<vmem>>, vector<16xi32>,
        %mul3A_396 = arith.constant 128 : i32
        %mul3A_397 = arith.muli %add3A_192, %mul3A_396 : i32
        %add3A_398 = arith.constant 112 : i32
        %add3A_399 = arith.addi %mul3A_397, %add3A_398 : i32
        %add3A_400 = vector.broadcast %add3A_399 : i32 to vector<16xi32>
        %add3A_401 = arith.addi %add3A_400, %iota3A : vector<16xi32>
        %lt3A_402 = vector.broadcast %scan3A_92 : i32 to vector<16xi32>
        %lt3A_403 = arith.cmpi slt, %add3A_401, %lt3A_402 : vector<16xi32>
        %add3A_404 = vector.broadcast %scan3A_6#0 : i32 to vector<16xi32>
        %add3A_405 = arith.addi %add3A_404, %add3A_401 : vector<16xi32>
        %add3A_406 = arith.constant 205808 : i32
        %add3A_407 = vector.broadcast %add3A_406 : i32 to vector<16xi32>
        %add3A_408 = arith.addi %add3A_407, %iota3A : vector<16xi32>
        %select_n3A_409 = arith.select %lt3A_403, %add3A_405, %add3A_408 : vector<16xi1>, vector<16xi32>
        %swap3A_410 = arith.constant 112 : index
        %swap3A_411 = tpu.vector_load %arg12[%swap3A_410] {strides = array<i32>} : memref<128xi32, #tpu.memory_space<vmem>>, vector<16xi32>,
        tpu.vector_store %arg12[%swap3A_410], %select_n3A_409 {strides = array<i32>} : memref<128xi32, #tpu.memory_space<vmem>>, vector<16xi32>,
        %dma_start3A = arith.constant 0 : i32
        %dma_start3A_412 = arith.constant 0 : i32
        %dma_start3A_413 = tpu.memref_slice %arg5[%dma_start3A, %dma_start3A_412] : memref<205824x128xf32, #tpu.memory_space<hbm>> -> memref<205824x128xf32, #tpu.memory_space<hbm>>
        tpu.enqueue_indirect_dma source(%arg17 : memref<128x128xf32, #tpu.memory_space<vmem>>) target(%dma_start3A_413 : memref<205824x128xf32, #tpu.memory_space<hbm>>) offsets(%arg12 : memref<128xi32, #tpu.memory_space<vmem>>) semaphore(%arg26 : memref<!tpu.dma_semaphore, #tpu.memory_space<semaphore_mem>>)
      } else {
      }
      %mul3A_210 = arith.constant 4 : i32
      %mul3A_211 = arith.muli %while3A_187, %mul3A_210 : i32
      %add3A_212 = arith.constant 1 : i32
      %add3A_213 = arith.addi %mul3A_211, %add3A_212 : i32
      %ge3A_214 = arith.constant 2 : i32
      %ge3A_215 = arith.cmpi sge, %add3A_213, %ge3A_214 : i32
      %add3A_216 = arith.constant 2 : i32
      %add3A_217 = arith.addi %select_n3A_122, %add3A_216 : i32
      %lt3A_218 = arith.cmpi slt, %add3A_213, %add3A_217 : i32
      %and3A_219 = arith.andi %ge3A_215, %lt3A_218 : i1
      %convert_element_type3A_220 = arith.extui %and3A_219 : i1 to i32
      %cond3A_221 = arith.constant 0 : i32
      %cond3A_222 = arith.cmpi ne, %convert_element_type3A_220, %cond3A_221 : i32
      scf.if %cond3A_222 {
        %dma_wait3A = arith.constant 0 : i32
        %dma_wait3A_280 = arith.constant 0 : i32
        %dma_wait3A_281 = tpu.memref_slice %arg5[%dma_wait3A, %dma_wait3A_280] : memref<205824x128xf32, #tpu.memory_space<hbm>> -> memref<128x128xf32, #tpu.memory_space<hbm>>
        %dma_wait3A_282 = arith.constant 0 : i32
        %dma_wait3A_283 = arith.constant 0 : i32
        %dma_wait3A_284 = tpu.memref_slice %arg5[%dma_wait3A_282, %dma_wait3A_283] : memref<205824x128xf32, #tpu.memory_space<hbm>> -> memref<128x128xf32, #tpu.memory_space<hbm>>
        tpu.wait_dma2 semaphore(%arg29 : memref<!tpu.dma_semaphore, #tpu.memory_space<semaphore_mem>>) src(%arg20 : memref<128x128xf32, #tpu.memory_space<vmem>>) dst(%dma_wait3A_284 : memref<128x128xf32, #tpu.memory_space<hbm>>)
      } else {
      }
      %add3A_223 = arith.constant 2 : i32
      %add3A_224 = arith.addi %add3A_213, %add3A_223 : i32
      %lt3A_225 = arith.cmpi slt, %add3A_224, %select_n3A_122 : i32
      %convert_element_type3A_226 = arith.extui %lt3A_225 : i1 to i32
      %cond3A_227 = arith.constant 0 : i32
      %cond3A_228 = arith.cmpi ne, %convert_element_type3A_226, %cond3A_227 : i32
      scf.if %cond3A_228 {
        %add3A_280 = arith.constant 2 : i32
        %add3A_281 = arith.addi %add3A_213, %add3A_280 : i32
        %dma_start3A = arith.constant 0 : i32
        %dma_start3A_282 = tpu.memref_slice %arg10[%add3A_281, %dma_start3A] : memref<50x128xi32, #tpu.memory_space<vmem>> -> memref<1x128xi32, #tpu.memory_space<vmem>>
        %dma_start3A_283 = tpu.memref_squeeze %dma_start3A_282 : memref<1x128xi32, #tpu.memory_space<vmem>> -> memref<128xi32, #tpu.memory_space<vmem>>
        %dma_start3A_284 = arith.constant 0 : i32
        %dma_start3A_285 = arith.constant 0 : i32
        %dma_start3A_286 = tpu.memref_slice %arg4[%dma_start3A_284, %dma_start3A_285] : memref<200000x128xf32, #tpu.memory_space<hbm>> -> memref<200000x128xf32, #tpu.memory_space<hbm>>
        tpu.enqueue_indirect_dma source(%dma_start3A_286 : memref<200000x128xf32, #tpu.memory_space<hbm>>) target(%arg20 : memref<128x128xf32, #tpu.memory_space<vmem>>) offsets(%dma_start3A_283 : memref<128xi32, #tpu.memory_space<vmem>>) semaphore(%arg25 : memref<!tpu.dma_semaphore, #tpu.memory_space<semaphore_mem>>)
      } else {
      }
      %lt3A_229 = arith.cmpi slt, %add3A_213, %select_n3A_122 : i32
      %convert_element_type3A_230 = arith.extui %lt3A_229 : i1 to i32
      %cond3A_231 = arith.constant 0 : i32
      %cond3A_232 = arith.cmpi ne, %convert_element_type3A_230, %cond3A_231 : i32
      scf.if %cond3A_232 {
        %dma_wait3A = arith.constant 0 : i32
        %dma_wait3A_280 = arith.constant 0 : i32
        %dma_wait3A_281 = tpu.memref_slice %arg4[%dma_wait3A, %dma_wait3A_280] : memref<200000x128xf32, #tpu.memory_space<hbm>> -> memref<128x128xf32, #tpu.memory_space<hbm>>
        %dma_wait3A_282 = arith.constant 0 : i32
        %dma_wait3A_283 = arith.constant 0 : i32
        %dma_wait3A_284 = tpu.memref_slice %arg4[%dma_wait3A_282, %dma_wait3A_283] : memref<200000x128xf32, #tpu.memory_space<hbm>> -> memref<128x128xf32, #tpu.memory_space<hbm>>
        tpu.wait_dma2 semaphore(%arg23 : memref<!tpu.dma_semaphore, #tpu.memory_space<semaphore_mem>>) src(%dma_wait3A_284 : memref<128x128xf32, #tpu.memory_space<hbm>>) dst(%arg18 : memref<128x128xf32, #tpu.memory_space<vmem>>)
        %mul3A_285 = arith.constant 128 : i32
        %mul3A_286 = arith.muli %add3A_213, %mul3A_285 : i32
        %add3A_287 = arith.constant 0 : i32
        %add3A_288 = arith.addi %mul3A_286, %add3A_287 : i32
        %add3A_289 = vector.broadcast %add3A_288 : i32 to vector<16xi32>
        %add3A_290 = arith.addi %add3A_289, %iota3A : vector<16xi32>
        %lt3A_291 = vector.broadcast %scan3A_92 : i32 to vector<16xi32>
        %lt3A_292 = arith.cmpi slt, %add3A_290, %lt3A_291 : vector<16xi32>
        %add3A_293 = vector.broadcast %scan3A_6#0 : i32 to vector<16xi32>
        %add3A_294 = arith.addi %add3A_293, %add3A_290 : vector<16xi32>
        %add3A_295 = arith.constant 205696 : i32
        %add3A_296 = vector.broadcast %add3A_295 : i32 to vector<16xi32>
        %add3A_297 = arith.addi %add3A_296, %iota3A : vector<16xi32>
        %select_n3A_298 = arith.select %lt3A_292, %add3A_294, %add3A_297 : vector<16xi1>, vector<16xi32>
        %swap3A = arith.constant 0 : index
        %swap3A_299 = tpu.vector_load %arg13[%swap3A] {strides = array<i32>} : memref<128xi32, #tpu.memory_space<vmem>>, vector<16xi32>,
        tpu.vector_store %arg13[%swap3A], %select_n3A_298 {strides = array<i32>} : memref<128xi32, #tpu.memory_space<vmem>>, vector<16xi32>,
        %mul3A_300 = arith.constant 128 : i32
        %mul3A_301 = arith.muli %add3A_213, %mul3A_300 : i32
        %add3A_302 = arith.constant 16 : i32
        %add3A_303 = arith.addi %mul3A_301, %add3A_302 : i32
        %add3A_304 = vector.broadcast %add3A_303 : i32 to vector<16xi32>
        %add3A_305 = arith.addi %add3A_304, %iota3A : vector<16xi32>
        %lt3A_306 = vector.broadcast %scan3A_92 : i32 to vector<16xi32>
        %lt3A_307 = arith.cmpi slt, %add3A_305, %lt3A_306 : vector<16xi32>
        %add3A_308 = vector.broadcast %scan3A_6#0 : i32 to vector<16xi32>
        %add3A_309 = arith.addi %add3A_308, %add3A_305 : vector<16xi32>
        %add3A_310 = arith.constant 205712 : i32
        %add3A_311 = vector.broadcast %add3A_310 : i32 to vector<16xi32>
        %add3A_312 = arith.addi %add3A_311, %iota3A : vector<16xi32>
        %select_n3A_313 = arith.select %lt3A_307, %add3A_309, %add3A_312 : vector<16xi1>, vector<16xi32>
        %swap3A_314 = arith.constant 16 : index
        %swap3A_315 = tpu.vector_load %arg13[%swap3A_314] {strides = array<i32>} : memref<128xi32, #tpu.memory_space<vmem>>, vector<16xi32>,
        tpu.vector_store %arg13[%swap3A_314], %select_n3A_313 {strides = array<i32>} : memref<128xi32, #tpu.memory_space<vmem>>, vector<16xi32>,
        %mul3A_316 = arith.constant 128 : i32
        %mul3A_317 = arith.muli %add3A_213, %mul3A_316 : i32
        %add3A_318 = arith.constant 32 : i32
        %add3A_319 = arith.addi %mul3A_317, %add3A_318 : i32
        %add3A_320 = vector.broadcast %add3A_319 : i32 to vector<16xi32>
        %add3A_321 = arith.addi %add3A_320, %iota3A : vector<16xi32>
        %lt3A_322 = vector.broadcast %scan3A_92 : i32 to vector<16xi32>
        %lt3A_323 = arith.cmpi slt, %add3A_321, %lt3A_322 : vector<16xi32>
        %add3A_324 = vector.broadcast %scan3A_6#0 : i32 to vector<16xi32>
        %add3A_325 = arith.addi %add3A_324, %add3A_321 : vector<16xi32>
        %add3A_326 = arith.constant 205728 : i32
        %add3A_327 = vector.broadcast %add3A_326 : i32 to vector<16xi32>
        %add3A_328 = arith.addi %add3A_327, %iota3A : vector<16xi32>
        %select_n3A_329 = arith.select %lt3A_323, %add3A_325, %add3A_328 : vector<16xi1>, vector<16xi32>
        %swap3A_330 = arith.constant 32 : index
        %swap3A_331 = tpu.vector_load %arg13[%swap3A_330] {strides = array<i32>} : memref<128xi32, #tpu.memory_space<vmem>>, vector<16xi32>,
        tpu.vector_store %arg13[%swap3A_330], %select_n3A_329 {strides = array<i32>} : memref<128xi32, #tpu.memory_space<vmem>>, vector<16xi32>,
        %mul3A_332 = arith.constant 128 : i32
        %mul3A_333 = arith.muli %add3A_213, %mul3A_332 : i32
        %add3A_334 = arith.constant 48 : i32
        %add3A_335 = arith.addi %mul3A_333, %add3A_334 : i32
        %add3A_336 = vector.broadcast %add3A_335 : i32 to vector<16xi32>
        %add3A_337 = arith.addi %add3A_336, %iota3A : vector<16xi32>
        %lt3A_338 = vector.broadcast %scan3A_92 : i32 to vector<16xi32>
        %lt3A_339 = arith.cmpi slt, %add3A_337, %lt3A_338 : vector<16xi32>
        %add3A_340 = vector.broadcast %scan3A_6#0 : i32 to vector<16xi32>
        %add3A_341 = arith.addi %add3A_340, %add3A_337 : vector<16xi32>
        %add3A_342 = arith.constant 205744 : i32
        %add3A_343 = vector.broadcast %add3A_342 : i32 to vector<16xi32>
        %add3A_344 = arith.addi %add3A_343, %iota3A : vector<16xi32>
        %select_n3A_345 = arith.select %lt3A_339, %add3A_341, %add3A_344 : vector<16xi1>, vector<16xi32>
        %swap3A_346 = arith.constant 48 : index
        %swap3A_347 = tpu.vector_load %arg13[%swap3A_346] {strides = array<i32>} : memref<128xi32, #tpu.memory_space<vmem>>, vector<16xi32>,
        tpu.vector_store %arg13[%swap3A_346], %select_n3A_345 {strides = array<i32>} : memref<128xi32, #tpu.memory_space<vmem>>, vector<16xi32>,
        %mul3A_348 = arith.constant 128 : i32
        %mul3A_349 = arith.muli %add3A_213, %mul3A_348 : i32
        %add3A_350 = arith.constant 64 : i32
        %add3A_351 = arith.addi %mul3A_349, %add3A_350 : i32
        %add3A_352 = vector.broadcast %add3A_351 : i32 to vector<16xi32>
        %add3A_353 = arith.addi %add3A_352, %iota3A : vector<16xi32>
        %lt3A_354 = vector.broadcast %scan3A_92 : i32 to vector<16xi32>
        %lt3A_355 = arith.cmpi slt, %add3A_353, %lt3A_354 : vector<16xi32>
        %add3A_356 = vector.broadcast %scan3A_6#0 : i32 to vector<16xi32>
        %add3A_357 = arith.addi %add3A_356, %add3A_353 : vector<16xi32>
        %add3A_358 = arith.constant 205760 : i32
        %add3A_359 = vector.broadcast %add3A_358 : i32 to vector<16xi32>
        %add3A_360 = arith.addi %add3A_359, %iota3A : vector<16xi32>
        %select_n3A_361 = arith.select %lt3A_355, %add3A_357, %add3A_360 : vector<16xi1>, vector<16xi32>
        %swap3A_362 = arith.constant 64 : index
        %swap3A_363 = tpu.vector_load %arg13[%swap3A_362] {strides = array<i32>} : memref<128xi32, #tpu.memory_space<vmem>>, vector<16xi32>,
        tpu.vector_store %arg13[%swap3A_362], %select_n3A_361 {strides = array<i32>} : memref<128xi32, #tpu.memory_space<vmem>>, vector<16xi32>,
        %mul3A_364 = arith.constant 128 : i32
        %mul3A_365 = arith.muli %add3A_213, %mul3A_364 : i32
        %add3A_366 = arith.constant 80 : i32
        %add3A_367 = arith.addi %mul3A_365, %add3A_366 : i32
        %add3A_368 = vector.broadcast %add3A_367 : i32 to vector<16xi32>
        %add3A_369 = arith.addi %add3A_368, %iota3A : vector<16xi32>
        %lt3A_370 = vector.broadcast %scan3A_92 : i32 to vector<16xi32>
        %lt3A_371 = arith.cmpi slt, %add3A_369, %lt3A_370 : vector<16xi32>
        %add3A_372 = vector.broadcast %scan3A_6#0 : i32 to vector<16xi32>
        %add3A_373 = arith.addi %add3A_372, %add3A_369 : vector<16xi32>
        %add3A_374 = arith.constant 205776 : i32
        %add3A_375 = vector.broadcast %add3A_374 : i32 to vector<16xi32>
        %add3A_376 = arith.addi %add3A_375, %iota3A : vector<16xi32>
        %select_n3A_377 = arith.select %lt3A_371, %add3A_373, %add3A_376 : vector<16xi1>, vector<16xi32>
        %swap3A_378 = arith.constant 80 : index
        %swap3A_379 = tpu.vector_load %arg13[%swap3A_378] {strides = array<i32>} : memref<128xi32, #tpu.memory_space<vmem>>, vector<16xi32>,
        tpu.vector_store %arg13[%swap3A_378], %select_n3A_377 {strides = array<i32>} : memref<128xi32, #tpu.memory_space<vmem>>, vector<16xi32>,
        %mul3A_380 = arith.constant 128 : i32
        %mul3A_381 = arith.muli %add3A_213, %mul3A_380 : i32
        %add3A_382 = arith.constant 96 : i32
        %add3A_383 = arith.addi %mul3A_381, %add3A_382 : i32
        %add3A_384 = vector.broadcast %add3A_383 : i32 to vector<16xi32>
        %add3A_385 = arith.addi %add3A_384, %iota3A : vector<16xi32>
        %lt3A_386 = vector.broadcast %scan3A_92 : i32 to vector<16xi32>
        %lt3A_387 = arith.cmpi slt, %add3A_385, %lt3A_386 : vector<16xi32>
        %add3A_388 = vector.broadcast %scan3A_6#0 : i32 to vector<16xi32>
        %add3A_389 = arith.addi %add3A_388, %add3A_385 : vector<16xi32>
        %add3A_390 = arith.constant 205792 : i32
        %add3A_391 = vector.broadcast %add3A_390 : i32 to vector<16xi32>
        %add3A_392 = arith.addi %add3A_391, %iota3A : vector<16xi32>
        %select_n3A_393 = arith.select %lt3A_387, %add3A_389, %add3A_392 : vector<16xi1>, vector<16xi32>
        %swap3A_394 = arith.constant 96 : index
        %swap3A_395 = tpu.vector_load %arg13[%swap3A_394] {strides = array<i32>} : memref<128xi32, #tpu.memory_space<vmem>>, vector<16xi32>,
        tpu.vector_store %arg13[%swap3A_394], %select_n3A_393 {strides = array<i32>} : memref<128xi32, #tpu.memory_space<vmem>>, vector<16xi32>,
        %mul3A_396 = arith.constant 128 : i32
        %mul3A_397 = arith.muli %add3A_213, %mul3A_396 : i32
        %add3A_398 = arith.constant 112 : i32
        %add3A_399 = arith.addi %mul3A_397, %add3A_398 : i32
        %add3A_400 = vector.broadcast %add3A_399 : i32 to vector<16xi32>
        %add3A_401 = arith.addi %add3A_400, %iota3A : vector<16xi32>
        %lt3A_402 = vector.broadcast %scan3A_92 : i32 to vector<16xi32>
        %lt3A_403 = arith.cmpi slt, %add3A_401, %lt3A_402 : vector<16xi32>
        %add3A_404 = vector.broadcast %scan3A_6#0 : i32 to vector<16xi32>
        %add3A_405 = arith.addi %add3A_404, %add3A_401 : vector<16xi32>
        %add3A_406 = arith.constant 205808 : i32
        %add3A_407 = vector.broadcast %add3A_406 : i32 to vector<16xi32>
        %add3A_408 = arith.addi %add3A_407, %iota3A : vector<16xi32>
        %select_n3A_409 = arith.select %lt3A_403, %add3A_405, %add3A_408 : vector<16xi1>, vector<16xi32>
        %swap3A_410 = arith.constant 112 : index
        %swap3A_411 = tpu.vector_load %arg13[%swap3A_410] {strides = array<i32>} : memref<128xi32, #tpu.memory_space<vmem>>, vector<16xi32>,
        tpu.vector_store %arg13[%swap3A_410], %select_n3A_409 {strides = array<i32>} : memref<128xi32, #tpu.memory_space<vmem>>, vector<16xi32>,
        %dma_start3A = arith.constant 0 : i32
        %dma_start3A_412 = arith.constant 0 : i32
        %dma_start3A_413 = tpu.memref_slice %arg5[%dma_start3A, %dma_start3A_412] : memref<205824x128xf32, #tpu.memory_space<hbm>> -> memref<205824x128xf32, #tpu.memory_space<hbm>>
        tpu.enqueue_indirect_dma source(%arg18 : memref<128x128xf32, #tpu.memory_space<vmem>>) target(%dma_start3A_413 : memref<205824x128xf32, #tpu.memory_space<hbm>>) offsets(%arg13 : memref<128xi32, #tpu.memory_space<vmem>>) semaphore(%arg27 : memref<!tpu.dma_semaphore, #tpu.memory_space<semaphore_mem>>)
      } else {
      }
      %mul3A_233 = arith.constant 4 : i32
      %mul3A_234 = arith.muli %while3A_187, %mul3A_233 : i32
      %add3A_235 = arith.constant 2 : i32
      %add3A_236 = arith.addi %mul3A_234, %add3A_235 : i32
      %ge3A_237 = arith.constant 2 : i32
      %ge3A_238 = arith.cmpi sge, %add3A_236, %ge3A_237 : i32
      %add3A_239 = arith.constant 2 : i32
      %add3A_240 = arith.addi %select_n3A_122, %add3A_239 : i32
      %lt3A_241 = arith.cmpi slt, %add3A_236, %add3A_240 : i32
      %and3A_242 = arith.andi %ge3A_238, %lt3A_241 : i1
      %convert_element_type3A_243 = arith.extui %and3A_242 : i1 to i32
      %cond3A_244 = arith.constant 0 : i32
      %cond3A_245 = arith.cmpi ne, %convert_element_type3A_243, %cond3A_244 : i32
      scf.if %cond3A_245 {
        %dma_wait3A = arith.constant 0 : i32
        %dma_wait3A_280 = arith.constant 0 : i32
        %dma_wait3A_281 = tpu.memref_slice %arg5[%dma_wait3A, %dma_wait3A_280] : memref<205824x128xf32, #tpu.memory_space<hbm>> -> memref<128x128xf32, #tpu.memory_space<hbm>>
        %dma_wait3A_282 = arith.constant 0 : i32
        %dma_wait3A_283 = arith.constant 0 : i32
        %dma_wait3A_284 = tpu.memref_slice %arg5[%dma_wait3A_282, %dma_wait3A_283] : memref<205824x128xf32, #tpu.memory_space<hbm>> -> memref<128x128xf32, #tpu.memory_space<hbm>>
        tpu.wait_dma2 semaphore(%arg26 : memref<!tpu.dma_semaphore, #tpu.memory_space<semaphore_mem>>) src(%arg17 : memref<128x128xf32, #tpu.memory_space<vmem>>) dst(%dma_wait3A_284 : memref<128x128xf32, #tpu.memory_space<hbm>>)
      } else {
      }
      %add3A_246 = arith.constant 2 : i32
      %add3A_247 = arith.addi %add3A_236, %add3A_246 : i32
      %lt3A_248 = arith.cmpi slt, %add3A_247, %select_n3A_122 : i32
      %convert_element_type3A_249 = arith.extui %lt3A_248 : i1 to i32
      %cond3A_250 = arith.constant 0 : i32
      %cond3A_251 = arith.cmpi ne, %convert_element_type3A_249, %cond3A_250 : i32
      scf.if %cond3A_251 {
        %add3A_280 = arith.constant 2 : i32
        %add3A_281 = arith.addi %add3A_236, %add3A_280 : i32
        %dma_start3A = arith.constant 0 : i32
        %dma_start3A_282 = tpu.memref_slice %arg10[%add3A_281, %dma_start3A] : memref<50x128xi32, #tpu.memory_space<vmem>> -> memref<1x128xi32, #tpu.memory_space<vmem>>
        %dma_start3A_283 = tpu.memref_squeeze %dma_start3A_282 : memref<1x128xi32, #tpu.memory_space<vmem>> -> memref<128xi32, #tpu.memory_space<vmem>>
        %dma_start3A_284 = arith.constant 0 : i32
        %dma_start3A_285 = arith.constant 0 : i32
        %dma_start3A_286 = tpu.memref_slice %arg4[%dma_start3A_284, %dma_start3A_285] : memref<200000x128xf32, #tpu.memory_space<hbm>> -> memref<200000x128xf32, #tpu.memory_space<hbm>>
        tpu.enqueue_indirect_dma source(%dma_start3A_286 : memref<200000x128xf32, #tpu.memory_space<hbm>>) target(%arg17 : memref<128x128xf32, #tpu.memory_space<vmem>>) offsets(%dma_start3A_283 : memref<128xi32, #tpu.memory_space<vmem>>) semaphore(%arg22 : memref<!tpu.dma_semaphore, #tpu.memory_space<semaphore_mem>>)
      } else {
      }
      %lt3A_252 = arith.cmpi slt, %add3A_236, %select_n3A_122 : i32
      %convert_element_type3A_253 = arith.extui %lt3A_252 : i1 to i32
      %cond3A_254 = arith.constant 0 : i32
      %cond3A_255 = arith.cmpi ne, %convert_element_type3A_253, %cond3A_254 : i32
      scf.if %cond3A_255 {
        %dma_wait3A = arith.constant 0 : i32
        %dma_wait3A_280 = arith.constant 0 : i32
        %dma_wait3A_281 = tpu.memref_slice %arg4[%dma_wait3A, %dma_wait3A_280] : memref<200000x128xf32, #tpu.memory_space<hbm>> -> memref<128x128xf32, #tpu.memory_space<hbm>>
        %dma_wait3A_282 = arith.constant 0 : i32
        %dma_wait3A_283 = arith.constant 0 : i32
        %dma_wait3A_284 = tpu.memref_slice %arg4[%dma_wait3A_282, %dma_wait3A_283] : memref<200000x128xf32, #tpu.memory_space<hbm>> -> memref<128x128xf32, #tpu.memory_space<hbm>>
        tpu.wait_dma2 semaphore(%arg24 : memref<!tpu.dma_semaphore, #tpu.memory_space<semaphore_mem>>) src(%dma_wait3A_284 : memref<128x128xf32, #tpu.memory_space<hbm>>) dst(%arg19 : memref<128x128xf32, #tpu.memory_space<vmem>>)
        %mul3A_285 = arith.constant 128 : i32
        %mul3A_286 = arith.muli %add3A_236, %mul3A_285 : i32
        %add3A_287 = arith.constant 0 : i32
        %add3A_288 = arith.addi %mul3A_286, %add3A_287 : i32
        %add3A_289 = vector.broadcast %add3A_288 : i32 to vector<16xi32>
        %add3A_290 = arith.addi %add3A_289, %iota3A : vector<16xi32>
        %lt3A_291 = vector.broadcast %scan3A_92 : i32 to vector<16xi32>
        %lt3A_292 = arith.cmpi slt, %add3A_290, %lt3A_291 : vector<16xi32>
        %add3A_293 = vector.broadcast %scan3A_6#0 : i32 to vector<16xi32>
        %add3A_294 = arith.addi %add3A_293, %add3A_290 : vector<16xi32>
        %add3A_295 = arith.constant 205696 : i32
        %add3A_296 = vector.broadcast %add3A_295 : i32 to vector<16xi32>
        %add3A_297 = arith.addi %add3A_296, %iota3A : vector<16xi32>
        %select_n3A_298 = arith.select %lt3A_292, %add3A_294, %add3A_297 : vector<16xi1>, vector<16xi32>
        %swap3A = arith.constant 0 : index
        %swap3A_299 = tpu.vector_load %arg14[%swap3A] {strides = array<i32>} : memref<128xi32, #tpu.memory_space<vmem>>, vector<16xi32>,
        tpu.vector_store %arg14[%swap3A], %select_n3A_298 {strides = array<i32>} : memref<128xi32, #tpu.memory_space<vmem>>, vector<16xi32>,
        %mul3A_300 = arith.constant 128 : i32
        %mul3A_301 = arith.muli %add3A_236, %mul3A_300 : i32
        %add3A_302 = arith.constant 16 : i32
        %add3A_303 = arith.addi %mul3A_301, %add3A_302 : i32
        %add3A_304 = vector.broadcast %add3A_303 : i32 to vector<16xi32>
        %add3A_305 = arith.addi %add3A_304, %iota3A : vector<16xi32>
        %lt3A_306 = vector.broadcast %scan3A_92 : i32 to vector<16xi32>
        %lt3A_307 = arith.cmpi slt, %add3A_305, %lt3A_306 : vector<16xi32>
        %add3A_308 = vector.broadcast %scan3A_6#0 : i32 to vector<16xi32>
        %add3A_309 = arith.addi %add3A_308, %add3A_305 : vector<16xi32>
        %add3A_310 = arith.constant 205712 : i32
        %add3A_311 = vector.broadcast %add3A_310 : i32 to vector<16xi32>
        %add3A_312 = arith.addi %add3A_311, %iota3A : vector<16xi32>
        %select_n3A_313 = arith.select %lt3A_307, %add3A_309, %add3A_312 : vector<16xi1>, vector<16xi32>
        %swap3A_314 = arith.constant 16 : index
        %swap3A_315 = tpu.vector_load %arg14[%swap3A_314] {strides = array<i32>} : memref<128xi32, #tpu.memory_space<vmem>>, vector<16xi32>,
        tpu.vector_store %arg14[%swap3A_314], %select_n3A_313 {strides = array<i32>} : memref<128xi32, #tpu.memory_space<vmem>>, vector<16xi32>,
        %mul3A_316 = arith.constant 128 : i32
        %mul3A_317 = arith.muli %add3A_236, %mul3A_316 : i32
        %add3A_318 = arith.constant 32 : i32
        %add3A_319 = arith.addi %mul3A_317, %add3A_318 : i32
        %add3A_320 = vector.broadcast %add3A_319 : i32 to vector<16xi32>
        %add3A_321 = arith.addi %add3A_320, %iota3A : vector<16xi32>
        %lt3A_322 = vector.broadcast %scan3A_92 : i32 to vector<16xi32>
        %lt3A_323 = arith.cmpi slt, %add3A_321, %lt3A_322 : vector<16xi32>
        %add3A_324 = vector.broadcast %scan3A_6#0 : i32 to vector<16xi32>
        %add3A_325 = arith.addi %add3A_324, %add3A_321 : vector<16xi32>
        %add3A_326 = arith.constant 205728 : i32
        %add3A_327 = vector.broadcast %add3A_326 : i32 to vector<16xi32>
        %add3A_328 = arith.addi %add3A_327, %iota3A : vector<16xi32>
        %select_n3A_329 = arith.select %lt3A_323, %add3A_325, %add3A_328 : vector<16xi1>, vector<16xi32>
        %swap3A_330 = arith.constant 32 : index
        %swap3A_331 = tpu.vector_load %arg14[%swap3A_330] {strides = array<i32>} : memref<128xi32, #tpu.memory_space<vmem>>, vector<16xi32>,
        tpu.vector_store %arg14[%swap3A_330], %select_n3A_329 {strides = array<i32>} : memref<128xi32, #tpu.memory_space<vmem>>, vector<16xi32>,
        %mul3A_332 = arith.constant 128 : i32
        %mul3A_333 = arith.muli %add3A_236, %mul3A_332 : i32
        %add3A_334 = arith.constant 48 : i32
        %add3A_335 = arith.addi %mul3A_333, %add3A_334 : i32
        %add3A_336 = vector.broadcast %add3A_335 : i32 to vector<16xi32>
        %add3A_337 = arith.addi %add3A_336, %iota3A : vector<16xi32>
        %lt3A_338 = vector.broadcast %scan3A_92 : i32 to vector<16xi32>
        %lt3A_339 = arith.cmpi slt, %add3A_337, %lt3A_338 : vector<16xi32>
        %add3A_340 = vector.broadcast %scan3A_6#0 : i32 to vector<16xi32>
        %add3A_341 = arith.addi %add3A_340, %add3A_337 : vector<16xi32>
        %add3A_342 = arith.constant 205744 : i32
        %add3A_343 = vector.broadcast %add3A_342 : i32 to vector<16xi32>
        %add3A_344 = arith.addi %add3A_343, %iota3A : vector<16xi32>
        %select_n3A_345 = arith.select %lt3A_339, %add3A_341, %add3A_344 : vector<16xi1>, vector<16xi32>
        %swap3A_346 = arith.constant 48 : index
        %swap3A_347 = tpu.vector_load %arg14[%swap3A_346] {strides = array<i32>} : memref<128xi32, #tpu.memory_space<vmem>>, vector<16xi32>,
        tpu.vector_store %arg14[%swap3A_346], %select_n3A_345 {strides = array<i32>} : memref<128xi32, #tpu.memory_space<vmem>>, vector<16xi32>,
        %mul3A_348 = arith.constant 128 : i32
        %mul3A_349 = arith.muli %add3A_236, %mul3A_348 : i32
        %add3A_350 = arith.constant 64 : i32
        %add3A_351 = arith.addi %mul3A_349, %add3A_350 : i32
        %add3A_352 = vector.broadcast %add3A_351 : i32 to vector<16xi32>
        %add3A_353 = arith.addi %add3A_352, %iota3A : vector<16xi32>
        %lt3A_354 = vector.broadcast %scan3A_92 : i32 to vector<16xi32>
        %lt3A_355 = arith.cmpi slt, %add3A_353, %lt3A_354 : vector<16xi32>
        %add3A_356 = vector.broadcast %scan3A_6#0 : i32 to vector<16xi32>
        %add3A_357 = arith.addi %add3A_356, %add3A_353 : vector<16xi32>
        %add3A_358 = arith.constant 205760 : i32
        %add3A_359 = vector.broadcast %add3A_358 : i32 to vector<16xi32>
        %add3A_360 = arith.addi %add3A_359, %iota3A : vector<16xi32>
        %select_n3A_361 = arith.select %lt3A_355, %add3A_357, %add3A_360 : vector<16xi1>, vector<16xi32>
        %swap3A_362 = arith.constant 64 : index
        %swap3A_363 = tpu.vector_load %arg14[%swap3A_362] {strides = array<i32>} : memref<128xi32, #tpu.memory_space<vmem>>, vector<16xi32>,
        tpu.vector_store %arg14[%swap3A_362], %select_n3A_361 {strides = array<i32>} : memref<128xi32, #tpu.memory_space<vmem>>, vector<16xi32>,
        %mul3A_364 = arith.constant 128 : i32
        %mul3A_365 = arith.muli %add3A_236, %mul3A_364 : i32
        %add3A_366 = arith.constant 80 : i32
        %add3A_367 = arith.addi %mul3A_365, %add3A_366 : i32
        %add3A_368 = vector.broadcast %add3A_367 : i32 to vector<16xi32>
        %add3A_369 = arith.addi %add3A_368, %iota3A : vector<16xi32>
        %lt3A_370 = vector.broadcast %scan3A_92 : i32 to vector<16xi32>
        %lt3A_371 = arith.cmpi slt, %add3A_369, %lt3A_370 : vector<16xi32>
        %add3A_372 = vector.broadcast %scan3A_6#0 : i32 to vector<16xi32>
        %add3A_373 = arith.addi %add3A_372, %add3A_369 : vector<16xi32>
        %add3A_374 = arith.constant 205776 : i32
        %add3A_375 = vector.broadcast %add3A_374 : i32 to vector<16xi32>
        %add3A_376 = arith.addi %add3A_375, %iota3A : vector<16xi32>
        %select_n3A_377 = arith.select %lt3A_371, %add3A_373, %add3A_376 : vector<16xi1>, vector<16xi32>
        %swap3A_378 = arith.constant 80 : index
        %swap3A_379 = tpu.vector_load %arg14[%swap3A_378] {strides = array<i32>} : memref<128xi32, #tpu.memory_space<vmem>>, vector<16xi32>,
        tpu.vector_store %arg14[%swap3A_378], %select_n3A_377 {strides = array<i32>} : memref<128xi32, #tpu.memory_space<vmem>>, vector<16xi32>,
        %mul3A_380 = arith.constant 128 : i32
        %mul3A_381 = arith.muli %add3A_236, %mul3A_380 : i32
        %add3A_382 = arith.constant 96 : i32
        %add3A_383 = arith.addi %mul3A_381, %add3A_382 : i32
        %add3A_384 = vector.broadcast %add3A_383 : i32 to vector<16xi32>
        %add3A_385 = arith.addi %add3A_384, %iota3A : vector<16xi32>
        %lt3A_386 = vector.broadcast %scan3A_92 : i32 to vector<16xi32>
        %lt3A_387 = arith.cmpi slt, %add3A_385, %lt3A_386 : vector<16xi32>
        %add3A_388 = vector.broadcast %scan3A_6#0 : i32 to vector<16xi32>
        %add3A_389 = arith.addi %add3A_388, %add3A_385 : vector<16xi32>
        %add3A_390 = arith.constant 205792 : i32
        %add3A_391 = vector.broadcast %add3A_390 : i32 to vector<16xi32>
        %add3A_392 = arith.addi %add3A_391, %iota3A : vector<16xi32>
        %select_n3A_393 = arith.select %lt3A_387, %add3A_389, %add3A_392 : vector<16xi1>, vector<16xi32>
        %swap3A_394 = arith.constant 96 : index
        %swap3A_395 = tpu.vector_load %arg14[%swap3A_394] {strides = array<i32>} : memref<128xi32, #tpu.memory_space<vmem>>, vector<16xi32>,
        tpu.vector_store %arg14[%swap3A_394], %select_n3A_393 {strides = array<i32>} : memref<128xi32, #tpu.memory_space<vmem>>, vector<16xi32>,
        %mul3A_396 = arith.constant 128 : i32
        %mul3A_397 = arith.muli %add3A_236, %mul3A_396 : i32
        %add3A_398 = arith.constant 112 : i32
        %add3A_399 = arith.addi %mul3A_397, %add3A_398 : i32
        %add3A_400 = vector.broadcast %add3A_399 : i32 to vector<16xi32>
        %add3A_401 = arith.addi %add3A_400, %iota3A : vector<16xi32>
        %lt3A_402 = vector.broadcast %scan3A_92 : i32 to vector<16xi32>
        %lt3A_403 = arith.cmpi slt, %add3A_401, %lt3A_402 : vector<16xi32>
        %add3A_404 = vector.broadcast %scan3A_6#0 : i32 to vector<16xi32>
        %add3A_405 = arith.addi %add3A_404, %add3A_401 : vector<16xi32>
        %add3A_406 = arith.constant 205808 : i32
        %add3A_407 = vector.broadcast %add3A_406 : i32 to vector<16xi32>
        %add3A_408 = arith.addi %add3A_407, %iota3A : vector<16xi32>
        %select_n3A_409 = arith.select %lt3A_403, %add3A_405, %add3A_408 : vector<16xi1>, vector<16xi32>
        %swap3A_410 = arith.constant 112 : index
        %swap3A_411 = tpu.vector_load %arg14[%swap3A_410] {strides = array<i32>} : memref<128xi32, #tpu.memory_space<vmem>>, vector<16xi32>,
        tpu.vector_store %arg14[%swap3A_410], %select_n3A_409 {strides = array<i32>} : memref<128xi32, #tpu.memory_space<vmem>>, vector<16xi32>,
        %dma_start3A = arith.constant 0 : i32
        %dma_start3A_412 = arith.constant 0 : i32
        %dma_start3A_413 = tpu.memref_slice %arg5[%dma_start3A, %dma_start3A_412] : memref<205824x128xf32, #tpu.memory_space<hbm>> -> memref<205824x128xf32, #tpu.memory_space<hbm>>
        tpu.enqueue_indirect_dma source(%arg19 : memref<128x128xf32, #tpu.memory_space<vmem>>) target(%dma_start3A_413 : memref<205824x128xf32, #tpu.memory_space<hbm>>) offsets(%arg14 : memref<128xi32, #tpu.memory_space<vmem>>) semaphore(%arg28 : memref<!tpu.dma_semaphore, #tpu.memory_space<semaphore_mem>>)
      } else {
      }
      %mul3A_256 = arith.constant 4 : i32
      %mul3A_257 = arith.muli %while3A_187, %mul3A_256 : i32
      %add3A_258 = arith.constant 3 : i32
      %add3A_259 = arith.addi %mul3A_257, %add3A_258 : i32
      %ge3A_260 = arith.constant 2 : i32
      %ge3A_261 = arith.cmpi sge, %add3A_259, %ge3A_260 : i32
      %add3A_262 = arith.constant 2 : i32
      %add3A_263 = arith.addi %select_n3A_122, %add3A_262 : i32
      %lt3A_264 = arith.cmpi slt, %add3A_259, %add3A_263 : i32
      %and3A_265 = arith.andi %ge3A_261, %lt3A_264 : i1
      %convert_element_type3A_266 = arith.extui %and3A_265 : i1 to i32
      %cond3A_267 = arith.constant 0 : i32
      %cond3A_268 = arith.cmpi ne, %convert_element_type3A_266, %cond3A_267 : i32
      scf.if %cond3A_268 {
        %dma_wait3A = arith.constant 0 : i32
        %dma_wait3A_280 = arith.constant 0 : i32
        %dma_wait3A_281 = tpu.memref_slice %arg5[%dma_wait3A, %dma_wait3A_280] : memref<205824x128xf32, #tpu.memory_space<hbm>> -> memref<128x128xf32, #tpu.memory_space<hbm>>
        %dma_wait3A_282 = arith.constant 0 : i32
        %dma_wait3A_283 = arith.constant 0 : i32
        %dma_wait3A_284 = tpu.memref_slice %arg5[%dma_wait3A_282, %dma_wait3A_283] : memref<205824x128xf32, #tpu.memory_space<hbm>> -> memref<128x128xf32, #tpu.memory_space<hbm>>
        tpu.wait_dma2 semaphore(%arg27 : memref<!tpu.dma_semaphore, #tpu.memory_space<semaphore_mem>>) src(%arg18 : memref<128x128xf32, #tpu.memory_space<vmem>>) dst(%dma_wait3A_284 : memref<128x128xf32, #tpu.memory_space<hbm>>)
      } else {
      }
      %add3A_269 = arith.constant 2 : i32
      %add3A_270 = arith.addi %add3A_259, %add3A_269 : i32
      %lt3A_271 = arith.cmpi slt, %add3A_270, %select_n3A_122 : i32
      %convert_element_type3A_272 = arith.extui %lt3A_271 : i1 to i32
      %cond3A_273 = arith.constant 0 : i32
      %cond3A_274 = arith.cmpi ne, %convert_element_type3A_272, %cond3A_273 : i32
      scf.if %cond3A_274 {
        %add3A_280 = arith.constant 2 : i32
        %add3A_281 = arith.addi %add3A_259, %add3A_280 : i32
        %dma_start3A = arith.constant 0 : i32
        %dma_start3A_282 = tpu.memref_slice %arg10[%add3A_281, %dma_start3A] : memref<50x128xi32, #tpu.memory_space<vmem>> -> memref<1x128xi32, #tpu.memory_space<vmem>>
        %dma_start3A_283 = tpu.memref_squeeze %dma_start3A_282 : memref<1x128xi32, #tpu.memory_space<vmem>> -> memref<128xi32, #tpu.memory_space<vmem>>
        %dma_start3A_284 = arith.constant 0 : i32
        %dma_start3A_285 = arith.constant 0 : i32
        %dma_start3A_286 = tpu.memref_slice %arg4[%dma_start3A_284, %dma_start3A_285] : memref<200000x128xf32, #tpu.memory_space<hbm>> -> memref<200000x128xf32, #tpu.memory_space<hbm>>
        tpu.enqueue_indirect_dma source(%dma_start3A_286 : memref<200000x128xf32, #tpu.memory_space<hbm>>) target(%arg18 : memref<128x128xf32, #tpu.memory_space<vmem>>) offsets(%dma_start3A_283 : memref<128xi32, #tpu.memory_space<vmem>>) semaphore(%arg23 : memref<!tpu.dma_semaphore, #tpu.memory_space<semaphore_mem>>)
      } else {
      }
      %lt3A_275 = arith.cmpi slt, %add3A_259, %select_n3A_122 : i32
      %convert_element_type3A_276 = arith.extui %lt3A_275 : i1 to i32
      %cond3A_277 = arith.constant 0 : i32
      %cond3A_278 = arith.cmpi ne, %convert_element_type3A_276, %cond3A_277 : i32
      scf.if %cond3A_278 {
        %dma_wait3A = arith.constant 0 : i32
        %dma_wait3A_280 = arith.constant 0 : i32
        %dma_wait3A_281 = tpu.memref_slice %arg4[%dma_wait3A, %dma_wait3A_280] : memref<200000x128xf32, #tpu.memory_space<hbm>> -> memref<128x128xf32, #tpu.memory_space<hbm>>
        %dma_wait3A_282 = arith.constant 0 : i32
        %dma_wait3A_283 = arith.constant 0 : i32
        %dma_wait3A_284 = tpu.memref_slice %arg4[%dma_wait3A_282, %dma_wait3A_283] : memref<200000x128xf32, #tpu.memory_space<hbm>> -> memref<128x128xf32, #tpu.memory_space<hbm>>
        tpu.wait_dma2 semaphore(%arg25 : memref<!tpu.dma_semaphore, #tpu.memory_space<semaphore_mem>>) src(%dma_wait3A_284 : memref<128x128xf32, #tpu.memory_space<hbm>>) dst(%arg20 : memref<128x128xf32, #tpu.memory_space<vmem>>)
        %mul3A_285 = arith.constant 128 : i32
        %mul3A_286 = arith.muli %add3A_259, %mul3A_285 : i32
        %add3A_287 = arith.constant 0 : i32
        %add3A_288 = arith.addi %mul3A_286, %add3A_287 : i32
        %add3A_289 = vector.broadcast %add3A_288 : i32 to vector<16xi32>
        %add3A_290 = arith.addi %add3A_289, %iota3A : vector<16xi32>
        %lt3A_291 = vector.broadcast %scan3A_92 : i32 to vector<16xi32>
        %lt3A_292 = arith.cmpi slt, %add3A_290, %lt3A_291 : vector<16xi32>
        %add3A_293 = vector.broadcast %scan3A_6#0 : i32 to vector<16xi32>
        %add3A_294 = arith.addi %add3A_293, %add3A_290 : vector<16xi32>
        %add3A_295 = arith.constant 205696 : i32
        %add3A_296 = vector.broadcast %add3A_295 : i32 to vector<16xi32>
        %add3A_297 = arith.addi %add3A_296, %iota3A : vector<16xi32>
        %select_n3A_298 = arith.select %lt3A_292, %add3A_294, %add3A_297 : vector<16xi1>, vector<16xi32>
        %swap3A = arith.constant 0 : index
        %swap3A_299 = tpu.vector_load %arg15[%swap3A] {strides = array<i32>} : memref<128xi32, #tpu.memory_space<vmem>>, vector<16xi32>,
        tpu.vector_store %arg15[%swap3A], %select_n3A_298 {strides = array<i32>} : memref<128xi32, #tpu.memory_space<vmem>>, vector<16xi32>,
        %mul3A_300 = arith.constant 128 : i32
        %mul3A_301 = arith.muli %add3A_259, %mul3A_300 : i32
        %add3A_302 = arith.constant 16 : i32
        %add3A_303 = arith.addi %mul3A_301, %add3A_302 : i32
        %add3A_304 = vector.broadcast %add3A_303 : i32 to vector<16xi32>
        %add3A_305 = arith.addi %add3A_304, %iota3A : vector<16xi32>
        %lt3A_306 = vector.broadcast %scan3A_92 : i32 to vector<16xi32>
        %lt3A_307 = arith.cmpi slt, %add3A_305, %lt3A_306 : vector<16xi32>
        %add3A_308 = vector.broadcast %scan3A_6#0 : i32 to vector<16xi32>
        %add3A_309 = arith.addi %add3A_308, %add3A_305 : vector<16xi32>
        %add3A_310 = arith.constant 205712 : i32
        %add3A_311 = vector.broadcast %add3A_310 : i32 to vector<16xi32>
        %add3A_312 = arith.addi %add3A_311, %iota3A : vector<16xi32>
        %select_n3A_313 = arith.select %lt3A_307, %add3A_309, %add3A_312 : vector<16xi1>, vector<16xi32>
        %swap3A_314 = arith.constant 16 : index
        %swap3A_315 = tpu.vector_load %arg15[%swap3A_314] {strides = array<i32>} : memref<128xi32, #tpu.memory_space<vmem>>, vector<16xi32>,
        tpu.vector_store %arg15[%swap3A_314], %select_n3A_313 {strides = array<i32>} : memref<128xi32, #tpu.memory_space<vmem>>, vector<16xi32>,
        %mul3A_316 = arith.constant 128 : i32
        %mul3A_317 = arith.muli %add3A_259, %mul3A_316 : i32
        %add3A_318 = arith.constant 32 : i32
        %add3A_319 = arith.addi %mul3A_317, %add3A_318 : i32
        %add3A_320 = vector.broadcast %add3A_319 : i32 to vector<16xi32>
        %add3A_321 = arith.addi %add3A_320, %iota3A : vector<16xi32>
        %lt3A_322 = vector.broadcast %scan3A_92 : i32 to vector<16xi32>
        %lt3A_323 = arith.cmpi slt, %add3A_321, %lt3A_322 : vector<16xi32>
        %add3A_324 = vector.broadcast %scan3A_6#0 : i32 to vector<16xi32>
        %add3A_325 = arith.addi %add3A_324, %add3A_321 : vector<16xi32>
        %add3A_326 = arith.constant 205728 : i32
        %add3A_327 = vector.broadcast %add3A_326 : i32 to vector<16xi32>
        %add3A_328 = arith.addi %add3A_327, %iota3A : vector<16xi32>
        %select_n3A_329 = arith.select %lt3A_323, %add3A_325, %add3A_328 : vector<16xi1>, vector<16xi32>
        %swap3A_330 = arith.constant 32 : index
        %swap3A_331 = tpu.vector_load %arg15[%swap3A_330] {strides = array<i32>} : memref<128xi32, #tpu.memory_space<vmem>>, vector<16xi32>,
        tpu.vector_store %arg15[%swap3A_330], %select_n3A_329 {strides = array<i32>} : memref<128xi32, #tpu.memory_space<vmem>>, vector<16xi32>,
        %mul3A_332 = arith.constant 128 : i32
        %mul3A_333 = arith.muli %add3A_259, %mul3A_332 : i32
        %add3A_334 = arith.constant 48 : i32
        %add3A_335 = arith.addi %mul3A_333, %add3A_334 : i32
        %add3A_336 = vector.broadcast %add3A_335 : i32 to vector<16xi32>
        %add3A_337 = arith.addi %add3A_336, %iota3A : vector<16xi32>
        %lt3A_338 = vector.broadcast %scan3A_92 : i32 to vector<16xi32>
        %lt3A_339 = arith.cmpi slt, %add3A_337, %lt3A_338 : vector<16xi32>
        %add3A_340 = vector.broadcast %scan3A_6#0 : i32 to vector<16xi32>
        %add3A_341 = arith.addi %add3A_340, %add3A_337 : vector<16xi32>
        %add3A_342 = arith.constant 205744 : i32
        %add3A_343 = vector.broadcast %add3A_342 : i32 to vector<16xi32>
        %add3A_344 = arith.addi %add3A_343, %iota3A : vector<16xi32>
        %select_n3A_345 = arith.select %lt3A_339, %add3A_341, %add3A_344 : vector<16xi1>, vector<16xi32>
        %swap3A_346 = arith.constant 48 : index
        %swap3A_347 = tpu.vector_load %arg15[%swap3A_346] {strides = array<i32>} : memref<128xi32, #tpu.memory_space<vmem>>, vector<16xi32>,
        tpu.vector_store %arg15[%swap3A_346], %select_n3A_345 {strides = array<i32>} : memref<128xi32, #tpu.memory_space<vmem>>, vector<16xi32>,
        %mul3A_348 = arith.constant 128 : i32
        %mul3A_349 = arith.muli %add3A_259, %mul3A_348 : i32
        %add3A_350 = arith.constant 64 : i32
        %add3A_351 = arith.addi %mul3A_349, %add3A_350 : i32
        %add3A_352 = vector.broadcast %add3A_351 : i32 to vector<16xi32>
        %add3A_353 = arith.addi %add3A_352, %iota3A : vector<16xi32>
        %lt3A_354 = vector.broadcast %scan3A_92 : i32 to vector<16xi32>
        %lt3A_355 = arith.cmpi slt, %add3A_353, %lt3A_354 : vector<16xi32>
        %add3A_356 = vector.broadcast %scan3A_6#0 : i32 to vector<16xi32>
        %add3A_357 = arith.addi %add3A_356, %add3A_353 : vector<16xi32>
        %add3A_358 = arith.constant 205760 : i32
        %add3A_359 = vector.broadcast %add3A_358 : i32 to vector<16xi32>
        %add3A_360 = arith.addi %add3A_359, %iota3A : vector<16xi32>
        %select_n3A_361 = arith.select %lt3A_355, %add3A_357, %add3A_360 : vector<16xi1>, vector<16xi32>
        %swap3A_362 = arith.constant 64 : index
        %swap3A_363 = tpu.vector_load %arg15[%swap3A_362] {strides = array<i32>} : memref<128xi32, #tpu.memory_space<vmem>>, vector<16xi32>,
        tpu.vector_store %arg15[%swap3A_362], %select_n3A_361 {strides = array<i32>} : memref<128xi32, #tpu.memory_space<vmem>>, vector<16xi32>,
        %mul3A_364 = arith.constant 128 : i32
        %mul3A_365 = arith.muli %add3A_259, %mul3A_364 : i32
        %add3A_366 = arith.constant 80 : i32
        %add3A_367 = arith.addi %mul3A_365, %add3A_366 : i32
        %add3A_368 = vector.broadcast %add3A_367 : i32 to vector<16xi32>
        %add3A_369 = arith.addi %add3A_368, %iota3A : vector<16xi32>
        %lt3A_370 = vector.broadcast %scan3A_92 : i32 to vector<16xi32>
        %lt3A_371 = arith.cmpi slt, %add3A_369, %lt3A_370 : vector<16xi32>
        %add3A_372 = vector.broadcast %scan3A_6#0 : i32 to vector<16xi32>
        %add3A_373 = arith.addi %add3A_372, %add3A_369 : vector<16xi32>
        %add3A_374 = arith.constant 205776 : i32
        %add3A_375 = vector.broadcast %add3A_374 : i32 to vector<16xi32>
        %add3A_376 = arith.addi %add3A_375, %iota3A : vector<16xi32>
        %select_n3A_377 = arith.select %lt3A_371, %add3A_373, %add3A_376 : vector<16xi1>, vector<16xi32>
        %swap3A_378 = arith.constant 80 : index
        %swap3A_379 = tpu.vector_load %arg15[%swap3A_378] {strides = array<i32>} : memref<128xi32, #tpu.memory_space<vmem>>, vector<16xi32>,
        tpu.vector_store %arg15[%swap3A_378], %select_n3A_377 {strides = array<i32>} : memref<128xi32, #tpu.memory_space<vmem>>, vector<16xi32>,
        %mul3A_380 = arith.constant 128 : i32
        %mul3A_381 = arith.muli %add3A_259, %mul3A_380 : i32
        %add3A_382 = arith.constant 96 : i32
        %add3A_383 = arith.addi %mul3A_381, %add3A_382 : i32
        %add3A_384 = vector.broadcast %add3A_383 : i32 to vector<16xi32>
        %add3A_385 = arith.addi %add3A_384, %iota3A : vector<16xi32>
        %lt3A_386 = vector.broadcast %scan3A_92 : i32 to vector<16xi32>
        %lt3A_387 = arith.cmpi slt, %add3A_385, %lt3A_386 : vector<16xi32>
        %add3A_388 = vector.broadcast %scan3A_6#0 : i32 to vector<16xi32>
        %add3A_389 = arith.addi %add3A_388, %add3A_385 : vector<16xi32>
        %add3A_390 = arith.constant 205792 : i32
        %add3A_391 = vector.broadcast %add3A_390 : i32 to vector<16xi32>
        %add3A_392 = arith.addi %add3A_391, %iota3A : vector<16xi32>
        %select_n3A_393 = arith.select %lt3A_387, %add3A_389, %add3A_392 : vector<16xi1>, vector<16xi32>
        %swap3A_394 = arith.constant 96 : index
        %swap3A_395 = tpu.vector_load %arg15[%swap3A_394] {strides = array<i32>} : memref<128xi32, #tpu.memory_space<vmem>>, vector<16xi32>,
        tpu.vector_store %arg15[%swap3A_394], %select_n3A_393 {strides = array<i32>} : memref<128xi32, #tpu.memory_space<vmem>>, vector<16xi32>,
        %mul3A_396 = arith.constant 128 : i32
        %mul3A_397 = arith.muli %add3A_259, %mul3A_396 : i32
        %add3A_398 = arith.constant 112 : i32
        %add3A_399 = arith.addi %mul3A_397, %add3A_398 : i32
        %add3A_400 = vector.broadcast %add3A_399 : i32 to vector<16xi32>
        %add3A_401 = arith.addi %add3A_400, %iota3A : vector<16xi32>
        %lt3A_402 = vector.broadcast %scan3A_92 : i32 to vector<16xi32>
        %lt3A_403 = arith.cmpi slt, %add3A_401, %lt3A_402 : vector<16xi32>
        %add3A_404 = vector.broadcast %scan3A_6#0 : i32 to vector<16xi32>
        %add3A_405 = arith.addi %add3A_404, %add3A_401 : vector<16xi32>
        %add3A_406 = arith.constant 205808 : i32
        %add3A_407 = vector.broadcast %add3A_406 : i32 to vector<16xi32>
        %add3A_408 = arith.addi %add3A_407, %iota3A : vector<16xi32>
        %select_n3A_409 = arith.select %lt3A_403, %add3A_405, %add3A_408 : vector<16xi1>, vector<16xi32>
        %swap3A_410 = arith.constant 112 : index
        %swap3A_411 = tpu.vector_load %arg15[%swap3A_410] {strides = array<i32>} : memref<128xi32, #tpu.memory_space<vmem>>, vector<16xi32>,
        tpu.vector_store %arg15[%swap3A_410], %select_n3A_409 {strides = array<i32>} : memref<128xi32, #tpu.memory_space<vmem>>, vector<16xi32>,
        %dma_start3A = arith.constant 0 : i32
        %dma_start3A_412 = arith.constant 0 : i32
        %dma_start3A_413 = tpu.memref_slice %arg5[%dma_start3A, %dma_start3A_412] : memref<205824x128xf32, #tpu.memory_space<hbm>> -> memref<205824x128xf32, #tpu.memory_space<hbm>>
        tpu.enqueue_indirect_dma source(%arg20 : memref<128x128xf32, #tpu.memory_space<vmem>>) target(%dma_start3A_413 : memref<205824x128xf32, #tpu.memory_space<hbm>>) offsets(%arg15 : memref<128xi32, #tpu.memory_space<vmem>>) semaphore(%arg29 : memref<!tpu.dma_semaphore, #tpu.memory_space<semaphore_mem>>)
      } else {
      }
      %while3A_279 = arith.constant 0 : i32
      scf.yield %while3A_279 : i32
    }
    %while3A_168 = arith.constant 1 : i32
    %while3A_169 = scf.for %while3A_187 = %while3A_165 to %while3A_161 step %while3A_168 iter_args(%while3A_188 = %while3A_167) -> (i32)  : i32 {
      %mul3A_189 = arith.constant 4 : i32
      %mul3A_190 = arith.muli %while3A_187, %mul3A_189 : i32
      %add3A_191 = arith.constant 0 : i32
      %add3A_192 = arith.addi %mul3A_190, %add3A_191 : i32
      %ge3A = arith.constant 2 : i32
      %ge3A_193 = arith.cmpi sge, %add3A_192, %ge3A : i32
      %add3A_194 = arith.constant 2 : i32
      %add3A_195 = arith.addi %select_n3A_122, %add3A_194 : i32
      %lt3A = arith.cmpi slt, %add3A_192, %add3A_195 : i32
      %and3A_196 = arith.andi %ge3A_193, %lt3A : i1
      %convert_element_type3A_197 = arith.extui %and3A_196 : i1 to i32
      %cond3A_198 = arith.constant 0 : i32
      %cond3A_199 = arith.cmpi ne, %convert_element_type3A_197, %cond3A_198 : i32
      scf.if %cond3A_199 {
        %dma_wait3A = arith.constant 0 : i32
        %dma_wait3A_280 = arith.constant 0 : i32
        %dma_wait3A_281 = tpu.memref_slice %arg5[%dma_wait3A, %dma_wait3A_280] : memref<205824x128xf32, #tpu.memory_space<hbm>> -> memref<128x128xf32, #tpu.memory_space<hbm>>
        %dma_wait3A_282 = arith.constant 0 : i32
        %dma_wait3A_283 = arith.constant 0 : i32
        %dma_wait3A_284 = tpu.memref_slice %arg5[%dma_wait3A_282, %dma_wait3A_283] : memref<205824x128xf32, #tpu.memory_space<hbm>> -> memref<128x128xf32, #tpu.memory_space<hbm>>
        tpu.wait_dma2 semaphore(%arg28 : memref<!tpu.dma_semaphore, #tpu.memory_space<semaphore_mem>>) src(%arg19 : memref<128x128xf32, #tpu.memory_space<vmem>>) dst(%dma_wait3A_284 : memref<128x128xf32, #tpu.memory_space<hbm>>)
      } else {
      }
      %add3A_200 = arith.constant 2 : i32
      %add3A_201 = arith.addi %add3A_192, %add3A_200 : i32
      %lt3A_202 = arith.cmpi slt, %add3A_201, %select_n3A_122 : i32
      %convert_element_type3A_203 = arith.extui %lt3A_202 : i1 to i32
      %cond3A_204 = arith.constant 0 : i32
      %cond3A_205 = arith.cmpi ne, %convert_element_type3A_203, %cond3A_204 : i32
      scf.if %cond3A_205 {
        %add3A_280 = arith.constant 2 : i32
        %add3A_281 = arith.addi %add3A_192, %add3A_280 : i32
        %dma_start3A = arith.constant 0 : i32
        %dma_start3A_282 = tpu.memref_slice %arg10[%add3A_281, %dma_start3A] : memref<50x128xi32, #tpu.memory_space<vmem>> -> memref<1x128xi32, #tpu.memory_space<vmem>>
        %dma_start3A_283 = tpu.memref_squeeze %dma_start3A_282 : memref<1x128xi32, #tpu.memory_space<vmem>> -> memref<128xi32, #tpu.memory_space<vmem>>
        %dma_start3A_284 = arith.constant 0 : i32
        %dma_start3A_285 = arith.constant 0 : i32
        %dma_start3A_286 = tpu.memref_slice %arg4[%dma_start3A_284, %dma_start3A_285] : memref<200000x128xf32, #tpu.memory_space<hbm>> -> memref<200000x128xf32, #tpu.memory_space<hbm>>
        tpu.enqueue_indirect_dma source(%dma_start3A_286 : memref<200000x128xf32, #tpu.memory_space<hbm>>) target(%arg19 : memref<128x128xf32, #tpu.memory_space<vmem>>) offsets(%dma_start3A_283 : memref<128xi32, #tpu.memory_space<vmem>>) semaphore(%arg24 : memref<!tpu.dma_semaphore, #tpu.memory_space<semaphore_mem>>)
      } else {
      }
      %lt3A_206 = arith.cmpi slt, %add3A_192, %select_n3A_122 : i32
      %convert_element_type3A_207 = arith.extui %lt3A_206 : i1 to i32
      %cond3A_208 = arith.constant 0 : i32
      %cond3A_209 = arith.cmpi ne, %convert_element_type3A_207, %cond3A_208 : i32
      scf.if %cond3A_209 {
        %dma_wait3A = arith.constant 0 : i32
        %dma_wait3A_280 = arith.constant 0 : i32
        %dma_wait3A_281 = tpu.memref_slice %arg4[%dma_wait3A, %dma_wait3A_280] : memref<200000x128xf32, #tpu.memory_space<hbm>> -> memref<128x128xf32, #tpu.memory_space<hbm>>
        %dma_wait3A_282 = arith.constant 0 : i32
        %dma_wait3A_283 = arith.constant 0 : i32
        %dma_wait3A_284 = tpu.memref_slice %arg4[%dma_wait3A_282, %dma_wait3A_283] : memref<200000x128xf32, #tpu.memory_space<hbm>> -> memref<128x128xf32, #tpu.memory_space<hbm>>
        tpu.wait_dma2 semaphore(%arg22 : memref<!tpu.dma_semaphore, #tpu.memory_space<semaphore_mem>>) src(%dma_wait3A_284 : memref<128x128xf32, #tpu.memory_space<hbm>>) dst(%arg17 : memref<128x128xf32, #tpu.memory_space<vmem>>)
        %mul3A_285 = arith.constant 128 : i32
        %mul3A_286 = arith.muli %add3A_192, %mul3A_285 : i32
        %add3A_287 = arith.constant 0 : i32
        %add3A_288 = arith.addi %mul3A_286, %add3A_287 : i32
        %add3A_289 = vector.broadcast %add3A_288 : i32 to vector<16xi32>
        %add3A_290 = arith.addi %add3A_289, %iota3A : vector<16xi32>
        %lt3A_291 = vector.broadcast %scan3A_92 : i32 to vector<16xi32>
        %lt3A_292 = arith.cmpi slt, %add3A_290, %lt3A_291 : vector<16xi32>
        %add3A_293 = vector.broadcast %scan3A_6#0 : i32 to vector<16xi32>
        %add3A_294 = arith.addi %add3A_293, %add3A_290 : vector<16xi32>
        %add3A_295 = arith.constant 205696 : i32
        %add3A_296 = vector.broadcast %add3A_295 : i32 to vector<16xi32>
        %add3A_297 = arith.addi %add3A_296, %iota3A : vector<16xi32>
        %select_n3A_298 = arith.select %lt3A_292, %add3A_294, %add3A_297 : vector<16xi1>, vector<16xi32>
        %swap3A = arith.constant 0 : index
        %swap3A_299 = tpu.vector_load %arg12[%swap3A] {strides = array<i32>} : memref<128xi32, #tpu.memory_space<vmem>>, vector<16xi32>,
        tpu.vector_store %arg12[%swap3A], %select_n3A_298 {strides = array<i32>} : memref<128xi32, #tpu.memory_space<vmem>>, vector<16xi32>,
        %mul3A_300 = arith.constant 128 : i32
        %mul3A_301 = arith.muli %add3A_192, %mul3A_300 : i32
        %add3A_302 = arith.constant 16 : i32
        %add3A_303 = arith.addi %mul3A_301, %add3A_302 : i32
        %add3A_304 = vector.broadcast %add3A_303 : i32 to vector<16xi32>
        %add3A_305 = arith.addi %add3A_304, %iota3A : vector<16xi32>
        %lt3A_306 = vector.broadcast %scan3A_92 : i32 to vector<16xi32>
        %lt3A_307 = arith.cmpi slt, %add3A_305, %lt3A_306 : vector<16xi32>
        %add3A_308 = vector.broadcast %scan3A_6#0 : i32 to vector<16xi32>
        %add3A_309 = arith.addi %add3A_308, %add3A_305 : vector<16xi32>
        %add3A_310 = arith.constant 205712 : i32
        %add3A_311 = vector.broadcast %add3A_310 : i32 to vector<16xi32>
        %add3A_312 = arith.addi %add3A_311, %iota3A : vector<16xi32>
        %select_n3A_313 = arith.select %lt3A_307, %add3A_309, %add3A_312 : vector<16xi1>, vector<16xi32>
        %swap3A_314 = arith.constant 16 : index
        %swap3A_315 = tpu.vector_load %arg12[%swap3A_314] {strides = array<i32>} : memref<128xi32, #tpu.memory_space<vmem>>, vector<16xi32>,
        tpu.vector_store %arg12[%swap3A_314], %select_n3A_313 {strides = array<i32>} : memref<128xi32, #tpu.memory_space<vmem>>, vector<16xi32>,
        %mul3A_316 = arith.constant 128 : i32
        %mul3A_317 = arith.muli %add3A_192, %mul3A_316 : i32
        %add3A_318 = arith.constant 32 : i32
        %add3A_319 = arith.addi %mul3A_317, %add3A_318 : i32
        %add3A_320 = vector.broadcast %add3A_319 : i32 to vector<16xi32>
        %add3A_321 = arith.addi %add3A_320, %iota3A : vector<16xi32>
        %lt3A_322 = vector.broadcast %scan3A_92 : i32 to vector<16xi32>
        %lt3A_323 = arith.cmpi slt, %add3A_321, %lt3A_322 : vector<16xi32>
        %add3A_324 = vector.broadcast %scan3A_6#0 : i32 to vector<16xi32>
        %add3A_325 = arith.addi %add3A_324, %add3A_321 : vector<16xi32>
        %add3A_326 = arith.constant 205728 : i32
        %add3A_327 = vector.broadcast %add3A_326 : i32 to vector<16xi32>
        %add3A_328 = arith.addi %add3A_327, %iota3A : vector<16xi32>
        %select_n3A_329 = arith.select %lt3A_323, %add3A_325, %add3A_328 : vector<16xi1>, vector<16xi32>
        %swap3A_330 = arith.constant 32 : index
        %swap3A_331 = tpu.vector_load %arg12[%swap3A_330] {strides = array<i32>} : memref<128xi32, #tpu.memory_space<vmem>>, vector<16xi32>,
        tpu.vector_store %arg12[%swap3A_330], %select_n3A_329 {strides = array<i32>} : memref<128xi32, #tpu.memory_space<vmem>>, vector<16xi32>,
        %mul3A_332 = arith.constant 128 : i32
        %mul3A_333 = arith.muli %add3A_192, %mul3A_332 : i32
        %add3A_334 = arith.constant 48 : i32
        %add3A_335 = arith.addi %mul3A_333, %add3A_334 : i32
        %add3A_336 = vector.broadcast %add3A_335 : i32 to vector<16xi32>
        %add3A_337 = arith.addi %add3A_336, %iota3A : vector<16xi32>
        %lt3A_338 = vector.broadcast %scan3A_92 : i32 to vector<16xi32>
        %lt3A_339 = arith.cmpi slt, %add3A_337, %lt3A_338 : vector<16xi32>
        %add3A_340 = vector.broadcast %scan3A_6#0 : i32 to vector<16xi32>
        %add3A_341 = arith.addi %add3A_340, %add3A_337 : vector<16xi32>
        %add3A_342 = arith.constant 205744 : i32
        %add3A_343 = vector.broadcast %add3A_342 : i32 to vector<16xi32>
        %add3A_344 = arith.addi %add3A_343, %iota3A : vector<16xi32>
        %select_n3A_345 = arith.select %lt3A_339, %add3A_341, %add3A_344 : vector<16xi1>, vector<16xi32>
        %swap3A_346 = arith.constant 48 : index
        %swap3A_347 = tpu.vector_load %arg12[%swap3A_346] {strides = array<i32>} : memref<128xi32, #tpu.memory_space<vmem>>, vector<16xi32>,
        tpu.vector_store %arg12[%swap3A_346], %select_n3A_345 {strides = array<i32>} : memref<128xi32, #tpu.memory_space<vmem>>, vector<16xi32>,
        %mul3A_348 = arith.constant 128 : i32
        %mul3A_349 = arith.muli %add3A_192, %mul3A_348 : i32
        %add3A_350 = arith.constant 64 : i32
        %add3A_351 = arith.addi %mul3A_349, %add3A_350 : i32
        %add3A_352 = vector.broadcast %add3A_351 : i32 to vector<16xi32>
        %add3A_353 = arith.addi %add3A_352, %iota3A : vector<16xi32>
        %lt3A_354 = vector.broadcast %scan3A_92 : i32 to vector<16xi32>
        %lt3A_355 = arith.cmpi slt, %add3A_353, %lt3A_354 : vector<16xi32>
        %add3A_356 = vector.broadcast %scan3A_6#0 : i32 to vector<16xi32>
        %add3A_357 = arith.addi %add3A_356, %add3A_353 : vector<16xi32>
        %add3A_358 = arith.constant 205760 : i32
        %add3A_359 = vector.broadcast %add3A_358 : i32 to vector<16xi32>
        %add3A_360 = arith.addi %add3A_359, %iota3A : vector<16xi32>
        %select_n3A_361 = arith.select %lt3A_355, %add3A_357, %add3A_360 : vector<16xi1>, vector<16xi32>
        %swap3A_362 = arith.constant 64 : index
        %swap3A_363 = tpu.vector_load %arg12[%swap3A_362] {strides = array<i32>} : memref<128xi32, #tpu.memory_space<vmem>>, vector<16xi32>,
        tpu.vector_store %arg12[%swap3A_362], %select_n3A_361 {strides = array<i32>} : memref<128xi32, #tpu.memory_space<vmem>>, vector<16xi32>,
        %mul3A_364 = arith.constant 128 : i32
        %mul3A_365 = arith.muli %add3A_192, %mul3A_364 : i32
        %add3A_366 = arith.constant 80 : i32
        %add3A_367 = arith.addi %mul3A_365, %add3A_366 : i32
        %add3A_368 = vector.broadcast %add3A_367 : i32 to vector<16xi32>
        %add3A_369 = arith.addi %add3A_368, %iota3A : vector<16xi32>
        %lt3A_370 = vector.broadcast %scan3A_92 : i32 to vector<16xi32>
        %lt3A_371 = arith.cmpi slt, %add3A_369, %lt3A_370 : vector<16xi32>
        %add3A_372 = vector.broadcast %scan3A_6#0 : i32 to vector<16xi32>
        %add3A_373 = arith.addi %add3A_372, %add3A_369 : vector<16xi32>
        %add3A_374 = arith.constant 205776 : i32
        %add3A_375 = vector.broadcast %add3A_374 : i32 to vector<16xi32>
        %add3A_376 = arith.addi %add3A_375, %iota3A : vector<16xi32>
        %select_n3A_377 = arith.select %lt3A_371, %add3A_373, %add3A_376 : vector<16xi1>, vector<16xi32>
        %swap3A_378 = arith.constant 80 : index
        %swap3A_379 = tpu.vector_load %arg12[%swap3A_378] {strides = array<i32>} : memref<128xi32, #tpu.memory_space<vmem>>, vector<16xi32>,
        tpu.vector_store %arg12[%swap3A_378], %select_n3A_377 {strides = array<i32>} : memref<128xi32, #tpu.memory_space<vmem>>, vector<16xi32>,
        %mul3A_380 = arith.constant 128 : i32
        %mul3A_381 = arith.muli %add3A_192, %mul3A_380 : i32
        %add3A_382 = arith.constant 96 : i32
        %add3A_383 = arith.addi %mul3A_381, %add3A_382 : i32
        %add3A_384 = vector.broadcast %add3A_383 : i32 to vector<16xi32>
        %add3A_385 = arith.addi %add3A_384, %iota3A : vector<16xi32>
        %lt3A_386 = vector.broadcast %scan3A_92 : i32 to vector<16xi32>
        %lt3A_387 = arith.cmpi slt, %add3A_385, %lt3A_386 : vector<16xi32>
        %add3A_388 = vector.broadcast %scan3A_6#0 : i32 to vector<16xi32>
        %add3A_389 = arith.addi %add3A_388, %add3A_385 : vector<16xi32>
        %add3A_390 = arith.constant 205792 : i32
        %add3A_391 = vector.broadcast %add3A_390 : i32 to vector<16xi32>
        %add3A_392 = arith.addi %add3A_391, %iota3A : vector<16xi32>
        %select_n3A_393 = arith.select %lt3A_387, %add3A_389, %add3A_392 : vector<16xi1>, vector<16xi32>
        %swap3A_394 = arith.constant 96 : index
        %swap3A_395 = tpu.vector_load %arg12[%swap3A_394] {strides = array<i32>} : memref<128xi32, #tpu.memory_space<vmem>>, vector<16xi32>,
        tpu.vector_store %arg12[%swap3A_394], %select_n3A_393 {strides = array<i32>} : memref<128xi32, #tpu.memory_space<vmem>>, vector<16xi32>,
        %mul3A_396 = arith.constant 128 : i32
        %mul3A_397 = arith.muli %add3A_192, %mul3A_396 : i32
        %add3A_398 = arith.constant 112 : i32
        %add3A_399 = arith.addi %mul3A_397, %add3A_398 : i32
        %add3A_400 = vector.broadcast %add3A_399 : i32 to vector<16xi32>
        %add3A_401 = arith.addi %add3A_400, %iota3A : vector<16xi32>
        %lt3A_402 = vector.broadcast %scan3A_92 : i32 to vector<16xi32>
        %lt3A_403 = arith.cmpi slt, %add3A_401, %lt3A_402 : vector<16xi32>
        %add3A_404 = vector.broadcast %scan3A_6#0 : i32 to vector<16xi32>
        %add3A_405 = arith.addi %add3A_404, %add3A_401 : vector<16xi32>
        %add3A_406 = arith.constant 205808 : i32
        %add3A_407 = vector.broadcast %add3A_406 : i32 to vector<16xi32>
        %add3A_408 = arith.addi %add3A_407, %iota3A : vector<16xi32>
        %select_n3A_409 = arith.select %lt3A_403, %add3A_405, %add3A_408 : vector<16xi1>, vector<16xi32>
        %swap3A_410 = arith.constant 112 : index
        %swap3A_411 = tpu.vector_load %arg12[%swap3A_410] {strides = array<i32>} : memref<128xi32, #tpu.memory_space<vmem>>, vector<16xi32>,
        tpu.vector_store %arg12[%swap3A_410], %select_n3A_409 {strides = array<i32>} : memref<128xi32, #tpu.memory_space<vmem>>, vector<16xi32>,
        %dma_start3A = arith.constant 0 : i32
        %dma_start3A_412 = arith.constant 0 : i32
        %dma_start3A_413 = tpu.memref_slice %arg5[%dma_start3A, %dma_start3A_412] : memref<205824x128xf32, #tpu.memory_space<hbm>> -> memref<205824x128xf32, #tpu.memory_space<hbm>>
        tpu.enqueue_indirect_dma source(%arg17 : memref<128x128xf32, #tpu.memory_space<vmem>>) target(%dma_start3A_413 : memref<205824x128xf32, #tpu.memory_space<hbm>>) offsets(%arg12 : memref<128xi32, #tpu.memory_space<vmem>>) semaphore(%arg26 : memref<!tpu.dma_semaphore, #tpu.memory_space<semaphore_mem>>)
      } else {
      }
      %mul3A_210 = arith.constant 4 : i32
      %mul3A_211 = arith.muli %while3A_187, %mul3A_210 : i32
      %add3A_212 = arith.constant 1 : i32
      %add3A_213 = arith.addi %mul3A_211, %add3A_212 : i32
      %ge3A_214 = arith.constant 2 : i32
      %ge3A_215 = arith.cmpi sge, %add3A_213, %ge3A_214 : i32
      %add3A_216 = arith.constant 2 : i32
      %add3A_217 = arith.addi %select_n3A_122, %add3A_216 : i32
      %lt3A_218 = arith.cmpi slt, %add3A_213, %add3A_217 : i32
      %and3A_219 = arith.andi %ge3A_215, %lt3A_218 : i1
      %convert_element_type3A_220 = arith.extui %and3A_219 : i1 to i32
      %cond3A_221 = arith.constant 0 : i32
      %cond3A_222 = arith.cmpi ne, %convert_element_type3A_220, %cond3A_221 : i32
      scf.if %cond3A_222 {
        %dma_wait3A = arith.constant 0 : i32
        %dma_wait3A_280 = arith.constant 0 : i32
        %dma_wait3A_281 = tpu.memref_slice %arg5[%dma_wait3A, %dma_wait3A_280] : memref<205824x128xf32, #tpu.memory_space<hbm>> -> memref<128x128xf32, #tpu.memory_space<hbm>>
        %dma_wait3A_282 = arith.constant 0 : i32
        %dma_wait3A_283 = arith.constant 0 : i32
        %dma_wait3A_284 = tpu.memref_slice %arg5[%dma_wait3A_282, %dma_wait3A_283] : memref<205824x128xf32, #tpu.memory_space<hbm>> -> memref<128x128xf32, #tpu.memory_space<hbm>>
        tpu.wait_dma2 semaphore(%arg29 : memref<!tpu.dma_semaphore, #tpu.memory_space<semaphore_mem>>) src(%arg20 : memref<128x128xf32, #tpu.memory_space<vmem>>) dst(%dma_wait3A_284 : memref<128x128xf32, #tpu.memory_space<hbm>>)
      } else {
      }
      %add3A_223 = arith.constant 2 : i32
      %add3A_224 = arith.addi %add3A_213, %add3A_223 : i32
      %lt3A_225 = arith.cmpi slt, %add3A_224, %select_n3A_122 : i32
      %convert_element_type3A_226 = arith.extui %lt3A_225 : i1 to i32
      %cond3A_227 = arith.constant 0 : i32
      %cond3A_228 = arith.cmpi ne, %convert_element_type3A_226, %cond3A_227 : i32
      scf.if %cond3A_228 {
        %add3A_280 = arith.constant 2 : i32
        %add3A_281 = arith.addi %add3A_213, %add3A_280 : i32
        %dma_start3A = arith.constant 0 : i32
        %dma_start3A_282 = tpu.memref_slice %arg10[%add3A_281, %dma_start3A] : memref<50x128xi32, #tpu.memory_space<vmem>> -> memref<1x128xi32, #tpu.memory_space<vmem>>
        %dma_start3A_283 = tpu.memref_squeeze %dma_start3A_282 : memref<1x128xi32, #tpu.memory_space<vmem>> -> memref<128xi32, #tpu.memory_space<vmem>>
        %dma_start3A_284 = arith.constant 0 : i32
        %dma_start3A_285 = arith.constant 0 : i32
        %dma_start3A_286 = tpu.memref_slice %arg4[%dma_start3A_284, %dma_start3A_285] : memref<200000x128xf32, #tpu.memory_space<hbm>> -> memref<200000x128xf32, #tpu.memory_space<hbm>>
        tpu.enqueue_indirect_dma source(%dma_start3A_286 : memref<200000x128xf32, #tpu.memory_space<hbm>>) target(%arg20 : memref<128x128xf32, #tpu.memory_space<vmem>>) offsets(%dma_start3A_283 : memref<128xi32, #tpu.memory_space<vmem>>) semaphore(%arg25 : memref<!tpu.dma_semaphore, #tpu.memory_space<semaphore_mem>>)
      } else {
      }
      %lt3A_229 = arith.cmpi slt, %add3A_213, %select_n3A_122 : i32
      %convert_element_type3A_230 = arith.extui %lt3A_229 : i1 to i32
      %cond3A_231 = arith.constant 0 : i32
      %cond3A_232 = arith.cmpi ne, %convert_element_type3A_230, %cond3A_231 : i32
      scf.if %cond3A_232 {
        %dma_wait3A = arith.constant 0 : i32
        %dma_wait3A_280 = arith.constant 0 : i32
        %dma_wait3A_281 = tpu.memref_slice %arg4[%dma_wait3A, %dma_wait3A_280] : memref<200000x128xf32, #tpu.memory_space<hbm>> -> memref<128x128xf32, #tpu.memory_space<hbm>>
        %dma_wait3A_282 = arith.constant 0 : i32
        %dma_wait3A_283 = arith.constant 0 : i32
        %dma_wait3A_284 = tpu.memref_slice %arg4[%dma_wait3A_282, %dma_wait3A_283] : memref<200000x128xf32, #tpu.memory_space<hbm>> -> memref<128x128xf32, #tpu.memory_space<hbm>>
        tpu.wait_dma2 semaphore(%arg23 : memref<!tpu.dma_semaphore, #tpu.memory_space<semaphore_mem>>) src(%dma_wait3A_284 : memref<128x128xf32, #tpu.memory_space<hbm>>) dst(%arg18 : memref<128x128xf32, #tpu.memory_space<vmem>>)
        %mul3A_285 = arith.constant 128 : i32
        %mul3A_286 = arith.muli %add3A_213, %mul3A_285 : i32
        %add3A_287 = arith.constant 0 : i32
        %add3A_288 = arith.addi %mul3A_286, %add3A_287 : i32
        %add3A_289 = vector.broadcast %add3A_288 : i32 to vector<16xi32>
        %add3A_290 = arith.addi %add3A_289, %iota3A : vector<16xi32>
        %lt3A_291 = vector.broadcast %scan3A_92 : i32 to vector<16xi32>
        %lt3A_292 = arith.cmpi slt, %add3A_290, %lt3A_291 : vector<16xi32>
        %add3A_293 = vector.broadcast %scan3A_6#0 : i32 to vector<16xi32>
        %add3A_294 = arith.addi %add3A_293, %add3A_290 : vector<16xi32>
        %add3A_295 = arith.constant 205696 : i32
        %add3A_296 = vector.broadcast %add3A_295 : i32 to vector<16xi32>
        %add3A_297 = arith.addi %add3A_296, %iota3A : vector<16xi32>
        %select_n3A_298 = arith.select %lt3A_292, %add3A_294, %add3A_297 : vector<16xi1>, vector<16xi32>
        %swap3A = arith.constant 0 : index
        %swap3A_299 = tpu.vector_load %arg13[%swap3A] {strides = array<i32>} : memref<128xi32, #tpu.memory_space<vmem>>, vector<16xi32>,
        tpu.vector_store %arg13[%swap3A], %select_n3A_298 {strides = array<i32>} : memref<128xi32, #tpu.memory_space<vmem>>, vector<16xi32>,
        %mul3A_300 = arith.constant 128 : i32
        %mul3A_301 = arith.muli %add3A_213, %mul3A_300 : i32
        %add3A_302 = arith.constant 16 : i32
        %add3A_303 = arith.addi %mul3A_301, %add3A_302 : i32
        %add3A_304 = vector.broadcast %add3A_303 : i32 to vector<16xi32>
        %add3A_305 = arith.addi %add3A_304, %iota3A : vector<16xi32>
        %lt3A_306 = vector.broadcast %scan3A_92 : i32 to vector<16xi32>
        %lt3A_307 = arith.cmpi slt, %add3A_305, %lt3A_306 : vector<16xi32>
        %add3A_308 = vector.broadcast %scan3A_6#0 : i32 to vector<16xi32>
        %add3A_309 = arith.addi %add3A_308, %add3A_305 : vector<16xi32>
        %add3A_310 = arith.constant 205712 : i32
        %add3A_311 = vector.broadcast %add3A_310 : i32 to vector<16xi32>
        %add3A_312 = arith.addi %add3A_311, %iota3A : vector<16xi32>
        %select_n3A_313 = arith.select %lt3A_307, %add3A_309, %add3A_312 : vector<16xi1>, vector<16xi32>
        %swap3A_314 = arith.constant 16 : index
        %swap3A_315 = tpu.vector_load %arg13[%swap3A_314] {strides = array<i32>} : memref<128xi32, #tpu.memory_space<vmem>>, vector<16xi32>,
        tpu.vector_store %arg13[%swap3A_314], %select_n3A_313 {strides = array<i32>} : memref<128xi32, #tpu.memory_space<vmem>>, vector<16xi32>,
        %mul3A_316 = arith.constant 128 : i32
        %mul3A_317 = arith.muli %add3A_213, %mul3A_316 : i32
        %add3A_318 = arith.constant 32 : i32
        %add3A_319 = arith.addi %mul3A_317, %add3A_318 : i32
        %add3A_320 = vector.broadcast %add3A_319 : i32 to vector<16xi32>
        %add3A_321 = arith.addi %add3A_320, %iota3A : vector<16xi32>
        %lt3A_322 = vector.broadcast %scan3A_92 : i32 to vector<16xi32>
        %lt3A_323 = arith.cmpi slt, %add3A_321, %lt3A_322 : vector<16xi32>
        %add3A_324 = vector.broadcast %scan3A_6#0 : i32 to vector<16xi32>
        %add3A_325 = arith.addi %add3A_324, %add3A_321 : vector<16xi32>
        %add3A_326 = arith.constant 205728 : i32
        %add3A_327 = vector.broadcast %add3A_326 : i32 to vector<16xi32>
        %add3A_328 = arith.addi %add3A_327, %iota3A : vector<16xi32>
        %select_n3A_329 = arith.select %lt3A_323, %add3A_325, %add3A_328 : vector<16xi1>, vector<16xi32>
        %swap3A_330 = arith.constant 32 : index
        %swap3A_331 = tpu.vector_load %arg13[%swap3A_330] {strides = array<i32>} : memref<128xi32, #tpu.memory_space<vmem>>, vector<16xi32>,
        tpu.vector_store %arg13[%swap3A_330], %select_n3A_329 {strides = array<i32>} : memref<128xi32, #tpu.memory_space<vmem>>, vector<16xi32>,
        %mul3A_332 = arith.constant 128 : i32
        %mul3A_333 = arith.muli %add3A_213, %mul3A_332 : i32
        %add3A_334 = arith.constant 48 : i32
        %add3A_335 = arith.addi %mul3A_333, %add3A_334 : i32
        %add3A_336 = vector.broadcast %add3A_335 : i32 to vector<16xi32>
        %add3A_337 = arith.addi %add3A_336, %iota3A : vector<16xi32>
        %lt3A_338 = vector.broadcast %scan3A_92 : i32 to vector<16xi32>
        %lt3A_339 = arith.cmpi slt, %add3A_337, %lt3A_338 : vector<16xi32>
        %add3A_340 = vector.broadcast %scan3A_6#0 : i32 to vector<16xi32>
        %add3A_341 = arith.addi %add3A_340, %add3A_337 : vector<16xi32>
        %add3A_342 = arith.constant 205744 : i32
        %add3A_343 = vector.broadcast %add3A_342 : i32 to vector<16xi32>
        %add3A_344 = arith.addi %add3A_343, %iota3A : vector<16xi32>
        %select_n3A_345 = arith.select %lt3A_339, %add3A_341, %add3A_344 : vector<16xi1>, vector<16xi32>
        %swap3A_346 = arith.constant 48 : index
        %swap3A_347 = tpu.vector_load %arg13[%swap3A_346] {strides = array<i32>} : memref<128xi32, #tpu.memory_space<vmem>>, vector<16xi32>,
        tpu.vector_store %arg13[%swap3A_346], %select_n3A_345 {strides = array<i32>} : memref<128xi32, #tpu.memory_space<vmem>>, vector<16xi32>,
        %mul3A_348 = arith.constant 128 : i32
        %mul3A_349 = arith.muli %add3A_213, %mul3A_348 : i32
        %add3A_350 = arith.constant 64 : i32
        %add3A_351 = arith.addi %mul3A_349, %add3A_350 : i32
        %add3A_352 = vector.broadcast %add3A_351 : i32 to vector<16xi32>
        %add3A_353 = arith.addi %add3A_352, %iota3A : vector<16xi32>
        %lt3A_354 = vector.broadcast %scan3A_92 : i32 to vector<16xi32>
        %lt3A_355 = arith.cmpi slt, %add3A_353, %lt3A_354 : vector<16xi32>
        %add3A_356 = vector.broadcast %scan3A_6#0 : i32 to vector<16xi32>
        %add3A_357 = arith.addi %add3A_356, %add3A_353 : vector<16xi32>
        %add3A_358 = arith.constant 205760 : i32
        %add3A_359 = vector.broadcast %add3A_358 : i32 to vector<16xi32>
        %add3A_360 = arith.addi %add3A_359, %iota3A : vector<16xi32>
        %select_n3A_361 = arith.select %lt3A_355, %add3A_357, %add3A_360 : vector<16xi1>, vector<16xi32>
        %swap3A_362 = arith.constant 64 : index
        %swap3A_363 = tpu.vector_load %arg13[%swap3A_362] {strides = array<i32>} : memref<128xi32, #tpu.memory_space<vmem>>, vector<16xi32>,
        tpu.vector_store %arg13[%swap3A_362], %select_n3A_361 {strides = array<i32>} : memref<128xi32, #tpu.memory_space<vmem>>, vector<16xi32>,
        %mul3A_364 = arith.constant 128 : i32
        %mul3A_365 = arith.muli %add3A_213, %mul3A_364 : i32
        %add3A_366 = arith.constant 80 : i32
        %add3A_367 = arith.addi %mul3A_365, %add3A_366 : i32
        %add3A_368 = vector.broadcast %add3A_367 : i32 to vector<16xi32>
        %add3A_369 = arith.addi %add3A_368, %iota3A : vector<16xi32>
        %lt3A_370 = vector.broadcast %scan3A_92 : i32 to vector<16xi32>
        %lt3A_371 = arith.cmpi slt, %add3A_369, %lt3A_370 : vector<16xi32>
        %add3A_372 = vector.broadcast %scan3A_6#0 : i32 to vector<16xi32>
        %add3A_373 = arith.addi %add3A_372, %add3A_369 : vector<16xi32>
        %add3A_374 = arith.constant 205776 : i32
        %add3A_375 = vector.broadcast %add3A_374 : i32 to vector<16xi32>
        %add3A_376 = arith.addi %add3A_375, %iota3A : vector<16xi32>
        %select_n3A_377 = arith.select %lt3A_371, %add3A_373, %add3A_376 : vector<16xi1>, vector<16xi32>
        %swap3A_378 = arith.constant 80 : index
        %swap3A_379 = tpu.vector_load %arg13[%swap3A_378] {strides = array<i32>} : memref<128xi32, #tpu.memory_space<vmem>>, vector<16xi32>,
        tpu.vector_store %arg13[%swap3A_378], %select_n3A_377 {strides = array<i32>} : memref<128xi32, #tpu.memory_space<vmem>>, vector<16xi32>,
        %mul3A_380 = arith.constant 128 : i32
        %mul3A_381 = arith.muli %add3A_213, %mul3A_380 : i32
        %add3A_382 = arith.constant 96 : i32
        %add3A_383 = arith.addi %mul3A_381, %add3A_382 : i32
        %add3A_384 = vector.broadcast %add3A_383 : i32 to vector<16xi32>
        %add3A_385 = arith.addi %add3A_384, %iota3A : vector<16xi32>
        %lt3A_386 = vector.broadcast %scan3A_92 : i32 to vector<16xi32>
        %lt3A_387 = arith.cmpi slt, %add3A_385, %lt3A_386 : vector<16xi32>
        %add3A_388 = vector.broadcast %scan3A_6#0 : i32 to vector<16xi32>
        %add3A_389 = arith.addi %add3A_388, %add3A_385 : vector<16xi32>
        %add3A_390 = arith.constant 205792 : i32
        %add3A_391 = vector.broadcast %add3A_390 : i32 to vector<16xi32>
        %add3A_392 = arith.addi %add3A_391, %iota3A : vector<16xi32>
        %select_n3A_393 = arith.select %lt3A_387, %add3A_389, %add3A_392 : vector<16xi1>, vector<16xi32>
        %swap3A_394 = arith.constant 96 : index
        %swap3A_395 = tpu.vector_load %arg13[%swap3A_394] {strides = array<i32>} : memref<128xi32, #tpu.memory_space<vmem>>, vector<16xi32>,
        tpu.vector_store %arg13[%swap3A_394], %select_n3A_393 {strides = array<i32>} : memref<128xi32, #tpu.memory_space<vmem>>, vector<16xi32>,
        %mul3A_396 = arith.constant 128 : i32
        %mul3A_397 = arith.muli %add3A_213, %mul3A_396 : i32
        %add3A_398 = arith.constant 112 : i32
        %add3A_399 = arith.addi %mul3A_397, %add3A_398 : i32
        %add3A_400 = vector.broadcast %add3A_399 : i32 to vector<16xi32>
        %add3A_401 = arith.addi %add3A_400, %iota3A : vector<16xi32>
        %lt3A_402 = vector.broadcast %scan3A_92 : i32 to vector<16xi32>
        %lt3A_403 = arith.cmpi slt, %add3A_401, %lt3A_402 : vector<16xi32>
        %add3A_404 = vector.broadcast %scan3A_6#0 : i32 to vector<16xi32>
        %add3A_405 = arith.addi %add3A_404, %add3A_401 : vector<16xi32>
        %add3A_406 = arith.constant 205808 : i32
        %add3A_407 = vector.broadcast %add3A_406 : i32 to vector<16xi32>
        %add3A_408 = arith.addi %add3A_407, %iota3A : vector<16xi32>
        %select_n3A_409 = arith.select %lt3A_403, %add3A_405, %add3A_408 : vector<16xi1>, vector<16xi32>
        %swap3A_410 = arith.constant 112 : index
        %swap3A_411 = tpu.vector_load %arg13[%swap3A_410] {strides = array<i32>} : memref<128xi32, #tpu.memory_space<vmem>>, vector<16xi32>,
        tpu.vector_store %arg13[%swap3A_410], %select_n3A_409 {strides = array<i32>} : memref<128xi32, #tpu.memory_space<vmem>>, vector<16xi32>,
        %dma_start3A = arith.constant 0 : i32
        %dma_start3A_412 = arith.constant 0 : i32
        %dma_start3A_413 = tpu.memref_slice %arg5[%dma_start3A, %dma_start3A_412] : memref<205824x128xf32, #tpu.memory_space<hbm>> -> memref<205824x128xf32, #tpu.memory_space<hbm>>
        tpu.enqueue_indirect_dma source(%arg18 : memref<128x128xf32, #tpu.memory_space<vmem>>) target(%dma_start3A_413 : memref<205824x128xf32, #tpu.memory_space<hbm>>) offsets(%arg13 : memref<128xi32, #tpu.memory_space<vmem>>) semaphore(%arg27 : memref<!tpu.dma_semaphore, #tpu.memory_space<semaphore_mem>>)
      } else {
      }
      %mul3A_233 = arith.constant 4 : i32
      %mul3A_234 = arith.muli %while3A_187, %mul3A_233 : i32
      %add3A_235 = arith.constant 2 : i32
      %add3A_236 = arith.addi %mul3A_234, %add3A_235 : i32
      %ge3A_237 = arith.constant 2 : i32
      %ge3A_238 = arith.cmpi sge, %add3A_236, %ge3A_237 : i32
      %add3A_239 = arith.constant 2 : i32
      %add3A_240 = arith.addi %select_n3A_122, %add3A_239 : i32
      %lt3A_241 = arith.cmpi slt, %add3A_236, %add3A_240 : i32
      %and3A_242 = arith.andi %ge3A_238, %lt3A_241 : i1
      %convert_element_type3A_243 = arith.extui %and3A_242 : i1 to i32
      %cond3A_244 = arith.constant 0 : i32
      %cond3A_245 = arith.cmpi ne, %convert_element_type3A_243, %cond3A_244 : i32
      scf.if %cond3A_245 {
        %dma_wait3A = arith.constant 0 : i32
        %dma_wait3A_280 = arith.constant 0 : i32
        %dma_wait3A_281 = tpu.memref_slice %arg5[%dma_wait3A, %dma_wait3A_280] : memref<205824x128xf32, #tpu.memory_space<hbm>> -> memref<128x128xf32, #tpu.memory_space<hbm>>
        %dma_wait3A_282 = arith.constant 0 : i32
        %dma_wait3A_283 = arith.constant 0 : i32
        %dma_wait3A_284 = tpu.memref_slice %arg5[%dma_wait3A_282, %dma_wait3A_283] : memref<205824x128xf32, #tpu.memory_space<hbm>> -> memref<128x128xf32, #tpu.memory_space<hbm>>
        tpu.wait_dma2 semaphore(%arg26 : memref<!tpu.dma_semaphore, #tpu.memory_space<semaphore_mem>>) src(%arg17 : memref<128x128xf32, #tpu.memory_space<vmem>>) dst(%dma_wait3A_284 : memref<128x128xf32, #tpu.memory_space<hbm>>)
      } else {
      }
      %add3A_246 = arith.constant 2 : i32
      %add3A_247 = arith.addi %add3A_236, %add3A_246 : i32
      %lt3A_248 = arith.cmpi slt, %add3A_247, %select_n3A_122 : i32
      %convert_element_type3A_249 = arith.extui %lt3A_248 : i1 to i32
      %cond3A_250 = arith.constant 0 : i32
      %cond3A_251 = arith.cmpi ne, %convert_element_type3A_249, %cond3A_250 : i32
      scf.if %cond3A_251 {
        %add3A_280 = arith.constant 2 : i32
        %add3A_281 = arith.addi %add3A_236, %add3A_280 : i32
        %dma_start3A = arith.constant 0 : i32
        %dma_start3A_282 = tpu.memref_slice %arg10[%add3A_281, %dma_start3A] : memref<50x128xi32, #tpu.memory_space<vmem>> -> memref<1x128xi32, #tpu.memory_space<vmem>>
        %dma_start3A_283 = tpu.memref_squeeze %dma_start3A_282 : memref<1x128xi32, #tpu.memory_space<vmem>> -> memref<128xi32, #tpu.memory_space<vmem>>
        %dma_start3A_284 = arith.constant 0 : i32
        %dma_start3A_285 = arith.constant 0 : i32
        %dma_start3A_286 = tpu.memref_slice %arg4[%dma_start3A_284, %dma_start3A_285] : memref<200000x128xf32, #tpu.memory_space<hbm>> -> memref<200000x128xf32, #tpu.memory_space<hbm>>
        tpu.enqueue_indirect_dma source(%dma_start3A_286 : memref<200000x128xf32, #tpu.memory_space<hbm>>) target(%arg17 : memref<128x128xf32, #tpu.memory_space<vmem>>) offsets(%dma_start3A_283 : memref<128xi32, #tpu.memory_space<vmem>>) semaphore(%arg22 : memref<!tpu.dma_semaphore, #tpu.memory_space<semaphore_mem>>)
      } else {
      }
      %lt3A_252 = arith.cmpi slt, %add3A_236, %select_n3A_122 : i32
      %convert_element_type3A_253 = arith.extui %lt3A_252 : i1 to i32
      %cond3A_254 = arith.constant 0 : i32
      %cond3A_255 = arith.cmpi ne, %convert_element_type3A_253, %cond3A_254 : i32
      scf.if %cond3A_255 {
        %dma_wait3A = arith.constant 0 : i32
        %dma_wait3A_280 = arith.constant 0 : i32
        %dma_wait3A_281 = tpu.memref_slice %arg4[%dma_wait3A, %dma_wait3A_280] : memref<200000x128xf32, #tpu.memory_space<hbm>> -> memref<128x128xf32, #tpu.memory_space<hbm>>
        %dma_wait3A_282 = arith.constant 0 : i32
        %dma_wait3A_283 = arith.constant 0 : i32
        %dma_wait3A_284 = tpu.memref_slice %arg4[%dma_wait3A_282, %dma_wait3A_283] : memref<200000x128xf32, #tpu.memory_space<hbm>> -> memref<128x128xf32, #tpu.memory_space<hbm>>
        tpu.wait_dma2 semaphore(%arg24 : memref<!tpu.dma_semaphore, #tpu.memory_space<semaphore_mem>>) src(%dma_wait3A_284 : memref<128x128xf32, #tpu.memory_space<hbm>>) dst(%arg19 : memref<128x128xf32, #tpu.memory_space<vmem>>)
        %mul3A_285 = arith.constant 128 : i32
        %mul3A_286 = arith.muli %add3A_236, %mul3A_285 : i32
        %add3A_287 = arith.constant 0 : i32
        %add3A_288 = arith.addi %mul3A_286, %add3A_287 : i32
        %add3A_289 = vector.broadcast %add3A_288 : i32 to vector<16xi32>
        %add3A_290 = arith.addi %add3A_289, %iota3A : vector<16xi32>
        %lt3A_291 = vector.broadcast %scan3A_92 : i32 to vector<16xi32>
        %lt3A_292 = arith.cmpi slt, %add3A_290, %lt3A_291 : vector<16xi32>
        %add3A_293 = vector.broadcast %scan3A_6#0 : i32 to vector<16xi32>
        %add3A_294 = arith.addi %add3A_293, %add3A_290 : vector<16xi32>
        %add3A_295 = arith.constant 205696 : i32
        %add3A_296 = vector.broadcast %add3A_295 : i32 to vector<16xi32>
        %add3A_297 = arith.addi %add3A_296, %iota3A : vector<16xi32>
        %select_n3A_298 = arith.select %lt3A_292, %add3A_294, %add3A_297 : vector<16xi1>, vector<16xi32>
        %swap3A = arith.constant 0 : index
        %swap3A_299 = tpu.vector_load %arg14[%swap3A] {strides = array<i32>} : memref<128xi32, #tpu.memory_space<vmem>>, vector<16xi32>,
        tpu.vector_store %arg14[%swap3A], %select_n3A_298 {strides = array<i32>} : memref<128xi32, #tpu.memory_space<vmem>>, vector<16xi32>,
        %mul3A_300 = arith.constant 128 : i32
        %mul3A_301 = arith.muli %add3A_236, %mul3A_300 : i32
        %add3A_302 = arith.constant 16 : i32
        %add3A_303 = arith.addi %mul3A_301, %add3A_302 : i32
        %add3A_304 = vector.broadcast %add3A_303 : i32 to vector<16xi32>
        %add3A_305 = arith.addi %add3A_304, %iota3A : vector<16xi32>
        %lt3A_306 = vector.broadcast %scan3A_92 : i32 to vector<16xi32>
        %lt3A_307 = arith.cmpi slt, %add3A_305, %lt3A_306 : vector<16xi32>
        %add3A_308 = vector.broadcast %scan3A_6#0 : i32 to vector<16xi32>
        %add3A_309 = arith.addi %add3A_308, %add3A_305 : vector<16xi32>
        %add3A_310 = arith.constant 205712 : i32
        %add3A_311 = vector.broadcast %add3A_310 : i32 to vector<16xi32>
        %add3A_312 = arith.addi %add3A_311, %iota3A : vector<16xi32>
        %select_n3A_313 = arith.select %lt3A_307, %add3A_309, %add3A_312 : vector<16xi1>, vector<16xi32>
        %swap3A_314 = arith.constant 16 : index
        %swap3A_315 = tpu.vector_load %arg14[%swap3A_314] {strides = array<i32>} : memref<128xi32, #tpu.memory_space<vmem>>, vector<16xi32>,
        tpu.vector_store %arg14[%swap3A_314], %select_n3A_313 {strides = array<i32>} : memref<128xi32, #tpu.memory_space<vmem>>, vector<16xi32>,
        %mul3A_316 = arith.constant 128 : i32
        %mul3A_317 = arith.muli %add3A_236, %mul3A_316 : i32
        %add3A_318 = arith.constant 32 : i32
        %add3A_319 = arith.addi %mul3A_317, %add3A_318 : i32
        %add3A_320 = vector.broadcast %add3A_319 : i32 to vector<16xi32>
        %add3A_321 = arith.addi %add3A_320, %iota3A : vector<16xi32>
        %lt3A_322 = vector.broadcast %scan3A_92 : i32 to vector<16xi32>
        %lt3A_323 = arith.cmpi slt, %add3A_321, %lt3A_322 : vector<16xi32>
        %add3A_324 = vector.broadcast %scan3A_6#0 : i32 to vector<16xi32>
        %add3A_325 = arith.addi %add3A_324, %add3A_321 : vector<16xi32>
        %add3A_326 = arith.constant 205728 : i32
        %add3A_327 = vector.broadcast %add3A_326 : i32 to vector<16xi32>
        %add3A_328 = arith.addi %add3A_327, %iota3A : vector<16xi32>
        %select_n3A_329 = arith.select %lt3A_323, %add3A_325, %add3A_328 : vector<16xi1>, vector<16xi32>
        %swap3A_330 = arith.constant 32 : index
        %swap3A_331 = tpu.vector_load %arg14[%swap3A_330] {strides = array<i32>} : memref<128xi32, #tpu.memory_space<vmem>>, vector<16xi32>,
        tpu.vector_store %arg14[%swap3A_330], %select_n3A_329 {strides = array<i32>} : memref<128xi32, #tpu.memory_space<vmem>>, vector<16xi32>,
        %mul3A_332 = arith.constant 128 : i32
        %mul3A_333 = arith.muli %add3A_236, %mul3A_332 : i32
        %add3A_334 = arith.constant 48 : i32
        %add3A_335 = arith.addi %mul3A_333, %add3A_334 : i32
        %add3A_336 = vector.broadcast %add3A_335 : i32 to vector<16xi32>
        %add3A_337 = arith.addi %add3A_336, %iota3A : vector<16xi32>
        %lt3A_338 = vector.broadcast %scan3A_92 : i32 to vector<16xi32>
        %lt3A_339 = arith.cmpi slt, %add3A_337, %lt3A_338 : vector<16xi32>
        %add3A_340 = vector.broadcast %scan3A_6#0 : i32 to vector<16xi32>
        %add3A_341 = arith.addi %add3A_340, %add3A_337 : vector<16xi32>
        %add3A_342 = arith.constant 205744 : i32
        %add3A_343 = vector.broadcast %add3A_342 : i32 to vector<16xi32>
        %add3A_344 = arith.addi %add3A_343, %iota3A : vector<16xi32>
        %select_n3A_345 = arith.select %lt3A_339, %add3A_341, %add3A_344 : vector<16xi1>, vector<16xi32>
        %swap3A_346 = arith.constant 48 : index
        %swap3A_347 = tpu.vector_load %arg14[%swap3A_346] {strides = array<i32>} : memref<128xi32, #tpu.memory_space<vmem>>, vector<16xi32>,
        tpu.vector_store %arg14[%swap3A_346], %select_n3A_345 {strides = array<i32>} : memref<128xi32, #tpu.memory_space<vmem>>, vector<16xi32>,
        %mul3A_348 = arith.constant 128 : i32
        %mul3A_349 = arith.muli %add3A_236, %mul3A_348 : i32
        %add3A_350 = arith.constant 64 : i32
        %add3A_351 = arith.addi %mul3A_349, %add3A_350 : i32
        %add3A_352 = vector.broadcast %add3A_351 : i32 to vector<16xi32>
        %add3A_353 = arith.addi %add3A_352, %iota3A : vector<16xi32>
        %lt3A_354 = vector.broadcast %scan3A_92 : i32 to vector<16xi32>
        %lt3A_355 = arith.cmpi slt, %add3A_353, %lt3A_354 : vector<16xi32>
        %add3A_356 = vector.broadcast %scan3A_6#0 : i32 to vector<16xi32>
        %add3A_357 = arith.addi %add3A_356, %add3A_353 : vector<16xi32>
        %add3A_358 = arith.constant 205760 : i32
        %add3A_359 = vector.broadcast %add3A_358 : i32 to vector<16xi32>
        %add3A_360 = arith.addi %add3A_359, %iota3A : vector<16xi32>
        %select_n3A_361 = arith.select %lt3A_355, %add3A_357, %add3A_360 : vector<16xi1>, vector<16xi32>
        %swap3A_362 = arith.constant 64 : index
        %swap3A_363 = tpu.vector_load %arg14[%swap3A_362] {strides = array<i32>} : memref<128xi32, #tpu.memory_space<vmem>>, vector<16xi32>,
        tpu.vector_store %arg14[%swap3A_362], %select_n3A_361 {strides = array<i32>} : memref<128xi32, #tpu.memory_space<vmem>>, vector<16xi32>,
        %mul3A_364 = arith.constant 128 : i32
        %mul3A_365 = arith.muli %add3A_236, %mul3A_364 : i32
        %add3A_366 = arith.constant 80 : i32
        %add3A_367 = arith.addi %mul3A_365, %add3A_366 : i32
        %add3A_368 = vector.broadcast %add3A_367 : i32 to vector<16xi32>
        %add3A_369 = arith.addi %add3A_368, %iota3A : vector<16xi32>
        %lt3A_370 = vector.broadcast %scan3A_92 : i32 to vector<16xi32>
        %lt3A_371 = arith.cmpi slt, %add3A_369, %lt3A_370 : vector<16xi32>
        %add3A_372 = vector.broadcast %scan3A_6#0 : i32 to vector<16xi32>
        %add3A_373 = arith.addi %add3A_372, %add3A_369 : vector<16xi32>
        %add3A_374 = arith.constant 205776 : i32
        %add3A_375 = vector.broadcast %add3A_374 : i32 to vector<16xi32>
        %add3A_376 = arith.addi %add3A_375, %iota3A : vector<16xi32>
        %select_n3A_377 = arith.select %lt3A_371, %add3A_373, %add3A_376 : vector<16xi1>, vector<16xi32>
        %swap3A_378 = arith.constant 80 : index
        %swap3A_379 = tpu.vector_load %arg14[%swap3A_378] {strides = array<i32>} : memref<128xi32, #tpu.memory_space<vmem>>, vector<16xi32>,
        tpu.vector_store %arg14[%swap3A_378], %select_n3A_377 {strides = array<i32>} : memref<128xi32, #tpu.memory_space<vmem>>, vector<16xi32>,
        %mul3A_380 = arith.constant 128 : i32
        %mul3A_381 = arith.muli %add3A_236, %mul3A_380 : i32
        %add3A_382 = arith.constant 96 : i32
        %add3A_383 = arith.addi %mul3A_381, %add3A_382 : i32
        %add3A_384 = vector.broadcast %add3A_383 : i32 to vector<16xi32>
        %add3A_385 = arith.addi %add3A_384, %iota3A : vector<16xi32>
        %lt3A_386 = vector.broadcast %scan3A_92 : i32 to vector<16xi32>
        %lt3A_387 = arith.cmpi slt, %add3A_385, %lt3A_386 : vector<16xi32>
        %add3A_388 = vector.broadcast %scan3A_6#0 : i32 to vector<16xi32>
        %add3A_389 = arith.addi %add3A_388, %add3A_385 : vector<16xi32>
        %add3A_390 = arith.constant 205792 : i32
        %add3A_391 = vector.broadcast %add3A_390 : i32 to vector<16xi32>
        %add3A_392 = arith.addi %add3A_391, %iota3A : vector<16xi32>
        %select_n3A_393 = arith.select %lt3A_387, %add3A_389, %add3A_392 : vector<16xi1>, vector<16xi32>
        %swap3A_394 = arith.constant 96 : index
        %swap3A_395 = tpu.vector_load %arg14[%swap3A_394] {strides = array<i32>} : memref<128xi32, #tpu.memory_space<vmem>>, vector<16xi32>,
        tpu.vector_store %arg14[%swap3A_394], %select_n3A_393 {strides = array<i32>} : memref<128xi32, #tpu.memory_space<vmem>>, vector<16xi32>,
        %mul3A_396 = arith.constant 128 : i32
        %mul3A_397 = arith.muli %add3A_236, %mul3A_396 : i32
        %add3A_398 = arith.constant 112 : i32
        %add3A_399 = arith.addi %mul3A_397, %add3A_398 : i32
        %add3A_400 = vector.broadcast %add3A_399 : i32 to vector<16xi32>
        %add3A_401 = arith.addi %add3A_400, %iota3A : vector<16xi32>
        %lt3A_402 = vector.broadcast %scan3A_92 : i32 to vector<16xi32>
        %lt3A_403 = arith.cmpi slt, %add3A_401, %lt3A_402 : vector<16xi32>
        %add3A_404 = vector.broadcast %scan3A_6#0 : i32 to vector<16xi32>
        %add3A_405 = arith.addi %add3A_404, %add3A_401 : vector<16xi32>
        %add3A_406 = arith.constant 205808 : i32
        %add3A_407 = vector.broadcast %add3A_406 : i32 to vector<16xi32>
        %add3A_408 = arith.addi %add3A_407, %iota3A : vector<16xi32>
        %select_n3A_409 = arith.select %lt3A_403, %add3A_405, %add3A_408 : vector<16xi1>, vector<16xi32>
        %swap3A_410 = arith.constant 112 : index
        %swap3A_411 = tpu.vector_load %arg14[%swap3A_410] {strides = array<i32>} : memref<128xi32, #tpu.memory_space<vmem>>, vector<16xi32>,
        tpu.vector_store %arg14[%swap3A_410], %select_n3A_409 {strides = array<i32>} : memref<128xi32, #tpu.memory_space<vmem>>, vector<16xi32>,
        %dma_start3A = arith.constant 0 : i32
        %dma_start3A_412 = arith.constant 0 : i32
        %dma_start3A_413 = tpu.memref_slice %arg5[%dma_start3A, %dma_start3A_412] : memref<205824x128xf32, #tpu.memory_space<hbm>> -> memref<205824x128xf32, #tpu.memory_space<hbm>>
        tpu.enqueue_indirect_dma source(%arg19 : memref<128x128xf32, #tpu.memory_space<vmem>>) target(%dma_start3A_413 : memref<205824x128xf32, #tpu.memory_space<hbm>>) offsets(%arg14 : memref<128xi32, #tpu.memory_space<vmem>>) semaphore(%arg28 : memref<!tpu.dma_semaphore, #tpu.memory_space<semaphore_mem>>)
      } else {
      }
      %mul3A_256 = arith.constant 4 : i32
      %mul3A_257 = arith.muli %while3A_187, %mul3A_256 : i32
      %add3A_258 = arith.constant 3 : i32
      %add3A_259 = arith.addi %mul3A_257, %add3A_258 : i32
      %ge3A_260 = arith.constant 2 : i32
      %ge3A_261 = arith.cmpi sge, %add3A_259, %ge3A_260 : i32
      %add3A_262 = arith.constant 2 : i32
      %add3A_263 = arith.addi %select_n3A_122, %add3A_262 : i32
      %lt3A_264 = arith.cmpi slt, %add3A_259, %add3A_263 : i32
      %and3A_265 = arith.andi %ge3A_261, %lt3A_264 : i1
      %convert_element_type3A_266 = arith.extui %and3A_265 : i1 to i32
      %cond3A_267 = arith.constant 0 : i32
      %cond3A_268 = arith.cmpi ne, %convert_element_type3A_266, %cond3A_267 : i32
      scf.if %cond3A_268 {
        %dma_wait3A = arith.constant 0 : i32
        %dma_wait3A_280 = arith.constant 0 : i32
        %dma_wait3A_281 = tpu.memref_slice %arg5[%dma_wait3A, %dma_wait3A_280] : memref<205824x128xf32, #tpu.memory_space<hbm>> -> memref<128x128xf32, #tpu.memory_space<hbm>>
        %dma_wait3A_282 = arith.constant 0 : i32
        %dma_wait3A_283 = arith.constant 0 : i32
        %dma_wait3A_284 = tpu.memref_slice %arg5[%dma_wait3A_282, %dma_wait3A_283] : memref<205824x128xf32, #tpu.memory_space<hbm>> -> memref<128x128xf32, #tpu.memory_space<hbm>>
        tpu.wait_dma2 semaphore(%arg27 : memref<!tpu.dma_semaphore, #tpu.memory_space<semaphore_mem>>) src(%arg18 : memref<128x128xf32, #tpu.memory_space<vmem>>) dst(%dma_wait3A_284 : memref<128x128xf32, #tpu.memory_space<hbm>>)
      } else {
      }
      %add3A_269 = arith.constant 2 : i32
      %add3A_270 = arith.addi %add3A_259, %add3A_269 : i32
      %lt3A_271 = arith.cmpi slt, %add3A_270, %select_n3A_122 : i32
      %convert_element_type3A_272 = arith.extui %lt3A_271 : i1 to i32
      %cond3A_273 = arith.constant 0 : i32
      %cond3A_274 = arith.cmpi ne, %convert_element_type3A_272, %cond3A_273 : i32
      scf.if %cond3A_274 {
        %add3A_280 = arith.constant 2 : i32
        %add3A_281 = arith.addi %add3A_259, %add3A_280 : i32
        %dma_start3A = arith.constant 0 : i32
        %dma_start3A_282 = tpu.memref_slice %arg10[%add3A_281, %dma_start3A] : memref<50x128xi32, #tpu.memory_space<vmem>> -> memref<1x128xi32, #tpu.memory_space<vmem>>
        %dma_start3A_283 = tpu.memref_squeeze %dma_start3A_282 : memref<1x128xi32, #tpu.memory_space<vmem>> -> memref<128xi32, #tpu.memory_space<vmem>>
        %dma_start3A_284 = arith.constant 0 : i32
        %dma_start3A_285 = arith.constant 0 : i32
        %dma_start3A_286 = tpu.memref_slice %arg4[%dma_start3A_284, %dma_start3A_285] : memref<200000x128xf32, #tpu.memory_space<hbm>> -> memref<200000x128xf32, #tpu.memory_space<hbm>>
        tpu.enqueue_indirect_dma source(%dma_start3A_286 : memref<200000x128xf32, #tpu.memory_space<hbm>>) target(%arg18 : memref<128x128xf32, #tpu.memory_space<vmem>>) offsets(%dma_start3A_283 : memref<128xi32, #tpu.memory_space<vmem>>) semaphore(%arg23 : memref<!tpu.dma_semaphore, #tpu.memory_space<semaphore_mem>>)
      } else {
      }
      %lt3A_275 = arith.cmpi slt, %add3A_259, %select_n3A_122 : i32
      %convert_element_type3A_276 = arith.extui %lt3A_275 : i1 to i32
      %cond3A_277 = arith.constant 0 : i32
      %cond3A_278 = arith.cmpi ne, %convert_element_type3A_276, %cond3A_277 : i32
      scf.if %cond3A_278 {
        %dma_wait3A = arith.constant 0 : i32
        %dma_wait3A_280 = arith.constant 0 : i32
        %dma_wait3A_281 = tpu.memref_slice %arg4[%dma_wait3A, %dma_wait3A_280] : memref<200000x128xf32, #tpu.memory_space<hbm>> -> memref<128x128xf32, #tpu.memory_space<hbm>>
        %dma_wait3A_282 = arith.constant 0 : i32
        %dma_wait3A_283 = arith.constant 0 : i32
        %dma_wait3A_284 = tpu.memref_slice %arg4[%dma_wait3A_282, %dma_wait3A_283] : memref<200000x128xf32, #tpu.memory_space<hbm>> -> memref<128x128xf32, #tpu.memory_space<hbm>>
        tpu.wait_dma2 semaphore(%arg25 : memref<!tpu.dma_semaphore, #tpu.memory_space<semaphore_mem>>) src(%dma_wait3A_284 : memref<128x128xf32, #tpu.memory_space<hbm>>) dst(%arg20 : memref<128x128xf32, #tpu.memory_space<vmem>>)
        %mul3A_285 = arith.constant 128 : i32
        %mul3A_286 = arith.muli %add3A_259, %mul3A_285 : i32
        %add3A_287 = arith.constant 0 : i32
        %add3A_288 = arith.addi %mul3A_286, %add3A_287 : i32
        %add3A_289 = vector.broadcast %add3A_288 : i32 to vector<16xi32>
        %add3A_290 = arith.addi %add3A_289, %iota3A : vector<16xi32>
        %lt3A_291 = vector.broadcast %scan3A_92 : i32 to vector<16xi32>
        %lt3A_292 = arith.cmpi slt, %add3A_290, %lt3A_291 : vector<16xi32>
        %add3A_293 = vector.broadcast %scan3A_6#0 : i32 to vector<16xi32>
        %add3A_294 = arith.addi %add3A_293, %add3A_290 : vector<16xi32>
        %add3A_295 = arith.constant 205696 : i32
        %add3A_296 = vector.broadcast %add3A_295 : i32 to vector<16xi32>
        %add3A_297 = arith.addi %add3A_296, %iota3A : vector<16xi32>
        %select_n3A_298 = arith.select %lt3A_292, %add3A_294, %add3A_297 : vector<16xi1>, vector<16xi32>
        %swap3A = arith.constant 0 : index
        %swap3A_299 = tpu.vector_load %arg15[%swap3A] {strides = array<i32>} : memref<128xi32, #tpu.memory_space<vmem>>, vector<16xi32>,
        tpu.vector_store %arg15[%swap3A], %select_n3A_298 {strides = array<i32>} : memref<128xi32, #tpu.memory_space<vmem>>, vector<16xi32>,
        %mul3A_300 = arith.constant 128 : i32
        %mul3A_301 = arith.muli %add3A_259, %mul3A_300 : i32
        %add3A_302 = arith.constant 16 : i32
        %add3A_303 = arith.addi %mul3A_301, %add3A_302 : i32
        %add3A_304 = vector.broadcast %add3A_303 : i32 to vector<16xi32>
        %add3A_305 = arith.addi %add3A_304, %iota3A : vector<16xi32>
        %lt3A_306 = vector.broadcast %scan3A_92 : i32 to vector<16xi32>
        %lt3A_307 = arith.cmpi slt, %add3A_305, %lt3A_306 : vector<16xi32>
        %add3A_308 = vector.broadcast %scan3A_6#0 : i32 to vector<16xi32>
        %add3A_309 = arith.addi %add3A_308, %add3A_305 : vector<16xi32>
        %add3A_310 = arith.constant 205712 : i32
        %add3A_311 = vector.broadcast %add3A_310 : i32 to vector<16xi32>
        %add3A_312 = arith.addi %add3A_311, %iota3A : vector<16xi32>
        %select_n3A_313 = arith.select %lt3A_307, %add3A_309, %add3A_312 : vector<16xi1>, vector<16xi32>
        %swap3A_314 = arith.constant 16 : index
        %swap3A_315 = tpu.vector_load %arg15[%swap3A_314] {strides = array<i32>} : memref<128xi32, #tpu.memory_space<vmem>>, vector<16xi32>,
        tpu.vector_store %arg15[%swap3A_314], %select_n3A_313 {strides = array<i32>} : memref<128xi32, #tpu.memory_space<vmem>>, vector<16xi32>,
        %mul3A_316 = arith.constant 128 : i32
        %mul3A_317 = arith.muli %add3A_259, %mul3A_316 : i32
        %add3A_318 = arith.constant 32 : i32
        %add3A_319 = arith.addi %mul3A_317, %add3A_318 : i32
        %add3A_320 = vector.broadcast %add3A_319 : i32 to vector<16xi32>
        %add3A_321 = arith.addi %add3A_320, %iota3A : vector<16xi32>
        %lt3A_322 = vector.broadcast %scan3A_92 : i32 to vector<16xi32>
        %lt3A_323 = arith.cmpi slt, %add3A_321, %lt3A_322 : vector<16xi32>
        %add3A_324 = vector.broadcast %scan3A_6#0 : i32 to vector<16xi32>
        %add3A_325 = arith.addi %add3A_324, %add3A_321 : vector<16xi32>
        %add3A_326 = arith.constant 205728 : i32
        %add3A_327 = vector.broadcast %add3A_326 : i32 to vector<16xi32>
        %add3A_328 = arith.addi %add3A_327, %iota3A : vector<16xi32>
        %select_n3A_329 = arith.select %lt3A_323, %add3A_325, %add3A_328 : vector<16xi1>, vector<16xi32>
        %swap3A_330 = arith.constant 32 : index
        %swap3A_331 = tpu.vector_load %arg15[%swap3A_330] {strides = array<i32>} : memref<128xi32, #tpu.memory_space<vmem>>, vector<16xi32>,
        tpu.vector_store %arg15[%swap3A_330], %select_n3A_329 {strides = array<i32>} : memref<128xi32, #tpu.memory_space<vmem>>, vector<16xi32>,
        %mul3A_332 = arith.constant 128 : i32
        %mul3A_333 = arith.muli %add3A_259, %mul3A_332 : i32
        %add3A_334 = arith.constant 48 : i32
        %add3A_335 = arith.addi %mul3A_333, %add3A_334 : i32
        %add3A_336 = vector.broadcast %add3A_335 : i32 to vector<16xi32>
        %add3A_337 = arith.addi %add3A_336, %iota3A : vector<16xi32>
        %lt3A_338 = vector.broadcast %scan3A_92 : i32 to vector<16xi32>
        %lt3A_339 = arith.cmpi slt, %add3A_337, %lt3A_338 : vector<16xi32>
        %add3A_340 = vector.broadcast %scan3A_6#0 : i32 to vector<16xi32>
        %add3A_341 = arith.addi %add3A_340, %add3A_337 : vector<16xi32>
        %add3A_342 = arith.constant 205744 : i32
        %add3A_343 = vector.broadcast %add3A_342 : i32 to vector<16xi32>
        %add3A_344 = arith.addi %add3A_343, %iota3A : vector<16xi32>
        %select_n3A_345 = arith.select %lt3A_339, %add3A_341, %add3A_344 : vector<16xi1>, vector<16xi32>
        %swap3A_346 = arith.constant 48 : index
        %swap3A_347 = tpu.vector_load %arg15[%swap3A_346] {strides = array<i32>} : memref<128xi32, #tpu.memory_space<vmem>>, vector<16xi32>,
        tpu.vector_store %arg15[%swap3A_346], %select_n3A_345 {strides = array<i32>} : memref<128xi32, #tpu.memory_space<vmem>>, vector<16xi32>,
        %mul3A_348 = arith.constant 128 : i32
        %mul3A_349 = arith.muli %add3A_259, %mul3A_348 : i32
        %add3A_350 = arith.constant 64 : i32
        %add3A_351 = arith.addi %mul3A_349, %add3A_350 : i32
        %add3A_352 = vector.broadcast %add3A_351 : i32 to vector<16xi32>
        %add3A_353 = arith.addi %add3A_352, %iota3A : vector<16xi32>
        %lt3A_354 = vector.broadcast %scan3A_92 : i32 to vector<16xi32>
        %lt3A_355 = arith.cmpi slt, %add3A_353, %lt3A_354 : vector<16xi32>
        %add3A_356 = vector.broadcast %scan3A_6#0 : i32 to vector<16xi32>
        %add3A_357 = arith.addi %add3A_356, %add3A_353 : vector<16xi32>
        %add3A_358 = arith.constant 205760 : i32
        %add3A_359 = vector.broadcast %add3A_358 : i32 to vector<16xi32>
        %add3A_360 = arith.addi %add3A_359, %iota3A : vector<16xi32>
        %select_n3A_361 = arith.select %lt3A_355, %add3A_357, %add3A_360 : vector<16xi1>, vector<16xi32>
        %swap3A_362 = arith.constant 64 : index
        %swap3A_363 = tpu.vector_load %arg15[%swap3A_362] {strides = array<i32>} : memref<128xi32, #tpu.memory_space<vmem>>, vector<16xi32>,
        tpu.vector_store %arg15[%swap3A_362], %select_n3A_361 {strides = array<i32>} : memref<128xi32, #tpu.memory_space<vmem>>, vector<16xi32>,
        %mul3A_364 = arith.constant 128 : i32
        %mul3A_365 = arith.muli %add3A_259, %mul3A_364 : i32
        %add3A_366 = arith.constant 80 : i32
        %add3A_367 = arith.addi %mul3A_365, %add3A_366 : i32
        %add3A_368 = vector.broadcast %add3A_367 : i32 to vector<16xi32>
        %add3A_369 = arith.addi %add3A_368, %iota3A : vector<16xi32>
        %lt3A_370 = vector.broadcast %scan3A_92 : i32 to vector<16xi32>
        %lt3A_371 = arith.cmpi slt, %add3A_369, %lt3A_370 : vector<16xi32>
        %add3A_372 = vector.broadcast %scan3A_6#0 : i32 to vector<16xi32>
        %add3A_373 = arith.addi %add3A_372, %add3A_369 : vector<16xi32>
        %add3A_374 = arith.constant 205776 : i32
        %add3A_375 = vector.broadcast %add3A_374 : i32 to vector<16xi32>
        %add3A_376 = arith.addi %add3A_375, %iota3A : vector<16xi32>
        %select_n3A_377 = arith.select %lt3A_371, %add3A_373, %add3A_376 : vector<16xi1>, vector<16xi32>
        %swap3A_378 = arith.constant 80 : index
        %swap3A_379 = tpu.vector_load %arg15[%swap3A_378] {strides = array<i32>} : memref<128xi32, #tpu.memory_space<vmem>>, vector<16xi32>,
        tpu.vector_store %arg15[%swap3A_378], %select_n3A_377 {strides = array<i32>} : memref<128xi32, #tpu.memory_space<vmem>>, vector<16xi32>,
        %mul3A_380 = arith.constant 128 : i32
        %mul3A_381 = arith.muli %add3A_259, %mul3A_380 : i32
        %add3A_382 = arith.constant 96 : i32
        %add3A_383 = arith.addi %mul3A_381, %add3A_382 : i32
        %add3A_384 = vector.broadcast %add3A_383 : i32 to vector<16xi32>
        %add3A_385 = arith.addi %add3A_384, %iota3A : vector<16xi32>
        %lt3A_386 = vector.broadcast %scan3A_92 : i32 to vector<16xi32>
        %lt3A_387 = arith.cmpi slt, %add3A_385, %lt3A_386 : vector<16xi32>
        %add3A_388 = vector.broadcast %scan3A_6#0 : i32 to vector<16xi32>
        %add3A_389 = arith.addi %add3A_388, %add3A_385 : vector<16xi32>
        %add3A_390 = arith.constant 205792 : i32
        %add3A_391 = vector.broadcast %add3A_390 : i32 to vector<16xi32>
        %add3A_392 = arith.addi %add3A_391, %iota3A : vector<16xi32>
        %select_n3A_393 = arith.select %lt3A_387, %add3A_389, %add3A_392 : vector<16xi1>, vector<16xi32>
        %swap3A_394 = arith.constant 96 : index
        %swap3A_395 = tpu.vector_load %arg15[%swap3A_394] {strides = array<i32>} : memref<128xi32, #tpu.memory_space<vmem>>, vector<16xi32>,
        tpu.vector_store %arg15[%swap3A_394], %select_n3A_393 {strides = array<i32>} : memref<128xi32, #tpu.memory_space<vmem>>, vector<16xi32>,
        %mul3A_396 = arith.constant 128 : i32
        %mul3A_397 = arith.muli %add3A_259, %mul3A_396 : i32
        %add3A_398 = arith.constant 112 : i32
        %add3A_399 = arith.addi %mul3A_397, %add3A_398 : i32
        %add3A_400 = vector.broadcast %add3A_399 : i32 to vector<16xi32>
        %add3A_401 = arith.addi %add3A_400, %iota3A : vector<16xi32>
        %lt3A_402 = vector.broadcast %scan3A_92 : i32 to vector<16xi32>
        %lt3A_403 = arith.cmpi slt, %add3A_401, %lt3A_402 : vector<16xi32>
        %add3A_404 = vector.broadcast %scan3A_6#0 : i32 to vector<16xi32>
        %add3A_405 = arith.addi %add3A_404, %add3A_401 : vector<16xi32>
        %add3A_406 = arith.constant 205808 : i32
        %add3A_407 = vector.broadcast %add3A_406 : i32 to vector<16xi32>
        %add3A_408 = arith.addi %add3A_407, %iota3A : vector<16xi32>
        %select_n3A_409 = arith.select %lt3A_403, %add3A_405, %add3A_408 : vector<16xi1>, vector<16xi32>
        %swap3A_410 = arith.constant 112 : index
        %swap3A_411 = tpu.vector_load %arg15[%swap3A_410] {strides = array<i32>} : memref<128xi32, #tpu.memory_space<vmem>>, vector<16xi32>,
        tpu.vector_store %arg15[%swap3A_410], %select_n3A_409 {strides = array<i32>} : memref<128xi32, #tpu.memory_space<vmem>>, vector<16xi32>,
        %dma_start3A = arith.constant 0 : i32
        %dma_start3A_412 = arith.constant 0 : i32
        %dma_start3A_413 = tpu.memref_slice %arg5[%dma_start3A, %dma_start3A_412] : memref<205824x128xf32, #tpu.memory_space<hbm>> -> memref<205824x128xf32, #tpu.memory_space<hbm>>
        tpu.enqueue_indirect_dma source(%arg20 : memref<128x128xf32, #tpu.memory_space<vmem>>) target(%dma_start3A_413 : memref<205824x128xf32, #tpu.memory_space<hbm>>) offsets(%arg15 : memref<128xi32, #tpu.memory_space<vmem>>) semaphore(%arg29 : memref<!tpu.dma_semaphore, #tpu.memory_space<semaphore_mem>>)
      } else {
      }
      %while3A_279 = arith.constant 0 : i32
      scf.yield %while3A_279 : i32
    }
    %while3A_170 = arith.constant 0 : i32
    %while3A_171 = arith.constant 0 : i32
    %while3A_172 = arith.subi %while3A_70#1, %while3A_170 : i32
    %while3A_173 = arith.addi %while3A_170, %while3A_172 : i32
    %while3A_174 = arith.constant 1 : i32
    %while3A_175 = arith.divsi %while3A_172, %while3A_174 : i32
    %while3A_176 = arith.muli %while3A_175, %while3A_174 : i32
    %while3A_177 = arith.addi %while3A_170, %while3A_176 : i32
    %while3A_178 = arith.constant 1 : i32
    %while3A_179 = scf.for %while3A_187 = %while3A_170 to %while3A_177 step %while3A_178 iter_args(%while3A_188 = %while3A_171) -> (i32)  : i32 {
      %dma_wait3A = arith.constant 0 : i32
      %dma_wait3A_189 = arith.constant 0 : i32
      %dma_wait3A_190 = tpu.memref_slice %arg5[%dma_wait3A, %dma_wait3A_189] : memref<205824x128xf32, #tpu.memory_space<hbm>> -> memref<128x128xf32, #tpu.memory_space<hbm>>
      %dma_wait3A_191 = arith.constant 0 : i32
      %dma_wait3A_192 = arith.constant 0 : i32
      %dma_wait3A_193 = tpu.memref_slice %arg5[%dma_wait3A_191, %dma_wait3A_192] : memref<205824x128xf32, #tpu.memory_space<hbm>> -> memref<128x128xf32, #tpu.memory_space<hbm>>
      tpu.wait_dma2 semaphore(%arg30 : memref<!tpu.dma_semaphore, #tpu.memory_space<semaphore_mem>>) src(%arg21 : memref<128x128xf32, #tpu.memory_space<vmem>>) dst(%dma_wait3A_193 : memref<128x128xf32, #tpu.memory_space<hbm>>)
      %while3A_194 = arith.constant 0 : i32
      scf.yield %while3A_194 : i32
    }
    %while3A_180 = arith.constant 1 : i32
    %while3A_181 = scf.for %while3A_187 = %while3A_177 to %while3A_173 step %while3A_180 iter_args(%while3A_188 = %while3A_179) -> (i32)  : i32 {
      %dma_wait3A = arith.constant 0 : i32
      %dma_wait3A_189 = arith.constant 0 : i32
      %dma_wait3A_190 = tpu.memref_slice %arg5[%dma_wait3A, %dma_wait3A_189] : memref<205824x128xf32, #tpu.memory_space<hbm>> -> memref<128x128xf32, #tpu.memory_space<hbm>>
      %dma_wait3A_191 = arith.constant 0 : i32
      %dma_wait3A_192 = arith.constant 0 : i32
      %dma_wait3A_193 = tpu.memref_slice %arg5[%dma_wait3A_191, %dma_wait3A_192] : memref<205824x128xf32, #tpu.memory_space<hbm>> -> memref<128x128xf32, #tpu.memory_space<hbm>>
      tpu.wait_dma2 semaphore(%arg30 : memref<!tpu.dma_semaphore, #tpu.memory_space<semaphore_mem>>) src(%arg21 : memref<128x128xf32, #tpu.memory_space<vmem>>) dst(%dma_wait3A_193 : memref<128x128xf32, #tpu.memory_space<hbm>>)
      %while3A_194 = arith.constant 0 : i32
      scf.yield %while3A_194 : i32
    }
    %eq3A_182 = arith.constant 0 : i32
    %eq3A_183 = arith.cmpi eq, %add3A, %eq3A_182 : i32
    %convert_element_type3A_184 = arith.extui %eq3A_183 : i1 to i32
    %cond3A_185 = arith.constant 0 : i32
    %cond3A_186 = arith.cmpi ne, %convert_element_type3A_184, %cond3A_185 : i32
    scf.if %cond3A_186 {
      %dma_wait3A = arith.constant 0 : i32
      %dma_wait3A_187 = arith.constant 0 : i32
      %dma_wait3A_188 = tpu.memref_slice %arg5[%dma_wait3A, %dma_wait3A_187] : memref<205824x128xf32, #tpu.memory_space<hbm>> -> memref<128x128xf32, #tpu.memory_space<hbm>>
      %dma_wait3A_189 = arith.constant 0 : i32
      %dma_wait3A_190 = arith.constant 0 : i32
      %dma_wait3A_191 = tpu.memref_slice %arg5[%dma_wait3A_189, %dma_wait3A_190] : memref<205824x128xf32, #tpu.memory_space<hbm>> -> memref<128x128xf32, #tpu.memory_space<hbm>>
      tpu.wait_dma2 semaphore(%arg30 : memref<!tpu.dma_semaphore, #tpu.memory_space<semaphore_mem>>) src(%arg21 : memref<128x128xf32, #tpu.memory_space<vmem>>) dst(%dma_wait3A_191 : memref<128x128xf32, #tpu.memory_space<hbm>>)
    } else {
    }
    return
  }
}

#map = affine_map<(d0, d1) -> (0)>
module attributes {stable_mosaic.version = 14 : i64} {
  func.func @_k1(%arg0: i32, %arg1: i32, %arg2: memref<204800xi32, #tpu.memory_space<hbm>>, %arg3: memref<1024xi32, #tpu.memory_space<hbm>>, %arg4: memref<100000xi32, #tpu.memory_space<hbm>>, %arg5: memref<100000xi32, #tpu.memory_space<hbm>>, %arg6: memref<204800xi32, #tpu.memory_space<hbm>>, %arg7: memref<400384xi32, #tpu.memory_space<hbm>>, %arg8: memref<6400xi32, #tpu.memory_space<vmem>>, %arg9: memref<6400xi32, #tpu.memory_space<vmem>>, %arg10: memref<32xi32, #tpu.memory_space<vmem>>, %arg11: memref<32xi32, #tpu.memory_space<vmem>>, %arg12: memref<6400xi32, #tpu.memory_space<vmem>>, %arg13: memref<6256xi32, #tpu.memory_space<vmem>>, %arg14: memref<200192xi32, #tpu.memory_space<vmem_shared>>, %arg15: memref<!tpu.dma_semaphore, #tpu.memory_space<semaphore_mem>>, %arg16: memref<!tpu.dma_semaphore, #tpu.memory_space<semaphore_mem>>) attributes {dimension_semantics = [#tpu.dimension_semantics<core_parallel>, #tpu.dimension_semantics<subcore_parallel>], iteration_bounds = array<i64: 2, 16>, scalar_prefetch = 0 : i64, scratch_operands = 9 : i64, tpu.core_type = #tpu.core_type<sc_vector_subcore>, window_params = [{transform_indices = #map}, {transform_indices = #map}, {transform_indices = #map}, {transform_indices = #map}, {transform_indices = #map}, {transform_indices = #map}]} {
    %mul3A = arith.constant 2 : i32
    %mul3A_0 = arith.muli %arg1, %mul3A : i32
    %add3A = arith.addi %mul3A_0, %arg0 : i32
    %scan3A = arith.constant 0 : i32
    %scan3A_1 = arith.constant 0 : i32
    %scan3A_2 = arith.constant 391 : i32
    %scan3A_3 = arith.addi %scan3A_1, %scan3A_2 : i32
    %scan3A_4 = arith.constant 1 : i32
    %scan3A_5 = scf.for %scan3A_91 = %scan3A_1 to %scan3A_3 step %scan3A_4 iter_args(%scan3A_92 = %scan3A) -> (i32)  : i32 {
      %broadcast_in_dim3A = arith.constant 0 : i32
      %broadcast_in_dim3A_93 = vector.broadcast %broadcast_in_dim3A : i32 to vector<16xi32>
      %mul3A_94 = arith.constant 16 : i32
      %mul3A_95 = arith.muli %scan3A_91, %mul3A_94 : i32
      %swap3A = arith.index_cast %mul3A_95 : i32 to index
      %swap3A_96 = tpu.vector_load %arg13[%swap3A] {strides = array<i32>} : memref<6256xi32, #tpu.memory_space<vmem>>, vector<16xi32>,
      tpu.vector_store %arg13[%swap3A], %broadcast_in_dim3A_93 {strides = array<i32>} : memref<6256xi32, #tpu.memory_space<vmem>>, vector<16xi32>,
      %scan3A_97 = arith.constant 0 : i32
      scf.yield %scan3A_97 : i32
    }
    %scan3A_6 = arith.constant 391 : i32
    %mul3A_7 = arith.constant 2 : i32
    %mul3A_8 = arith.muli %arg1, %mul3A_7 : i32
    %mul3A_9 = arith.constant 6256 : i32
    %mul3A_10 = arith.muli %mul3A_8, %mul3A_9 : i32
    %multiple_of3A = tpu.assume_multiple %mul3A_10, 8 : i32
    "tpu.region"() ({
      %run_scoped3A = tpu.sem_alloc : memref<!tpu.dma_semaphore, #tpu.memory_space<semaphore_mem>>
      %dma_start3A_91 = tpu.memref_slice %arg14[%multiple_of3A] : memref<200192xi32, #tpu.memory_space<vmem_shared>> -> memref<6256xi32, #tpu.memory_space<vmem_shared>>
      %dma_start3A_92 = tpu.memref_slice %arg14[%multiple_of3A] : memref<200192xi32, #tpu.memory_space<vmem_shared>> -> memref<6256xi32, #tpu.memory_space<vmem_shared>>
      tpu.enqueue_dma source(%arg13 : memref<6256xi32, #tpu.memory_space<vmem>>) target(%dma_start3A_92 : memref<6256xi32, #tpu.memory_space<vmem_shared>>) target_semaphore(%run_scoped3A : memref<!tpu.dma_semaphore, #tpu.memory_space<semaphore_mem>>)
      %dma_wait3A_93 = tpu.memref_slice %arg14[%multiple_of3A] : memref<200192xi32, #tpu.memory_space<vmem_shared>> -> memref<6256xi32, #tpu.memory_space<vmem_shared>>
      %dma_wait3A_94 = tpu.memref_slice %arg14[%multiple_of3A] : memref<200192xi32, #tpu.memory_space<vmem_shared>> -> memref<6256xi32, #tpu.memory_space<vmem_shared>>
      tpu.wait_dma2 semaphore(%run_scoped3A : memref<!tpu.dma_semaphore, #tpu.memory_space<semaphore_mem>>) src(%arg13 : memref<6256xi32, #tpu.memory_space<vmem>>) dst(%dma_wait3A_94 : memref<6256xi32, #tpu.memory_space<vmem_shared>>)
      tpu.yield
    }) : () -> ()
    %mul3A_11 = arith.constant 2 : i32
    %mul3A_12 = arith.muli %arg1, %mul3A_11 : i32
    %mul3A_13 = arith.constant 6256 : i32
    %mul3A_14 = arith.muli %mul3A_12, %mul3A_13 : i32
    %add3A_15 = arith.constant 6256 : i32
    %add3A_16 = arith.addi %mul3A_14, %add3A_15 : i32
    %multiple_of3A_17 = tpu.assume_multiple %add3A_16, 8 : i32
    "tpu.region"() ({
      %run_scoped3A = tpu.sem_alloc : memref<!tpu.dma_semaphore, #tpu.memory_space<semaphore_mem>>
      %dma_start3A_91 = tpu.memref_slice %arg14[%multiple_of3A_17] : memref<200192xi32, #tpu.memory_space<vmem_shared>> -> memref<6256xi32, #tpu.memory_space<vmem_shared>>
      %dma_start3A_92 = tpu.memref_slice %arg14[%multiple_of3A_17] : memref<200192xi32, #tpu.memory_space<vmem_shared>> -> memref<6256xi32, #tpu.memory_space<vmem_shared>>
      tpu.enqueue_dma source(%arg13 : memref<6256xi32, #tpu.memory_space<vmem>>) target(%dma_start3A_92 : memref<6256xi32, #tpu.memory_space<vmem_shared>>) target_semaphore(%run_scoped3A : memref<!tpu.dma_semaphore, #tpu.memory_space<semaphore_mem>>)
      %dma_wait3A_93 = tpu.memref_slice %arg14[%multiple_of3A_17] : memref<200192xi32, #tpu.memory_space<vmem_shared>> -> memref<6256xi32, #tpu.memory_space<vmem_shared>>
      %dma_wait3A_94 = tpu.memref_slice %arg14[%multiple_of3A_17] : memref<200192xi32, #tpu.memory_space<vmem_shared>> -> memref<6256xi32, #tpu.memory_space<vmem_shared>>
      tpu.wait_dma2 semaphore(%run_scoped3A : memref<!tpu.dma_semaphore, #tpu.memory_space<semaphore_mem>>) src(%arg13 : memref<6256xi32, #tpu.memory_space<vmem>>) dst(%dma_wait3A_94 : memref<6256xi32, #tpu.memory_space<vmem_shared>>)
      tpu.yield
    }) : () -> ()
    %scan3A_18 = arith.constant 0 : i32
    %scan3A_19 = arith.constant 0 : i32
    %scan3A_20 = arith.constant 400 : i32
    %scan3A_21 = arith.addi %scan3A_19, %scan3A_20 : i32
    %scan3A_22 = arith.constant 1 : i32
    %scan3A_23 = scf.for %scan3A_91 = %scan3A_19 to %scan3A_21 step %scan3A_22 iter_args(%scan3A_92 = %scan3A_18) -> (i32)  : i32 {
      %broadcast_in_dim3A = arith.constant 1 : i32
      %broadcast_in_dim3A_93 = vector.broadcast %broadcast_in_dim3A : i32 to vector<16xi32>
      %mul3A_94 = arith.constant 16 : i32
      %mul3A_95 = arith.muli %scan3A_91, %mul3A_94 : i32
      %swap3A = arith.index_cast %mul3A_95 : i32 to index
      %swap3A_96 = tpu.vector_load %arg12[%swap3A] {strides = array<i32>} : memref<6400xi32, #tpu.memory_space<vmem>>, vector<16xi32>,
      tpu.vector_store %arg12[%swap3A], %broadcast_in_dim3A_93 {strides = array<i32>} : memref<6400xi32, #tpu.memory_space<vmem>>, vector<16xi32>,
      %scan3A_97 = arith.constant 0 : i32
      scf.yield %scan3A_97 : i32
    }
    %scan3A_24 = arith.constant 400 : i32
    %mul3A_25 = arith.constant 6400 : i32
    %mul3A_26 = arith.muli %add3A, %mul3A_25 : i32
    %multiple_of3A_27 = tpu.assume_multiple %mul3A_26, 8 : i32
    "tpu.region"() ({
      %run_scoped3A = tpu.sem_alloc : memref<!tpu.dma_semaphore, #tpu.memory_space<semaphore_mem>>
      %dma_start3A_91 = tpu.memref_slice %arg2[%multiple_of3A_27] : memref<204800xi32, #tpu.memory_space<hbm>> -> memref<6400xi32, #tpu.memory_space<hbm>>
      %dma_start3A_92 = tpu.memref_slice %arg2[%multiple_of3A_27] : memref<204800xi32, #tpu.memory_space<hbm>> -> memref<6400xi32, #tpu.memory_space<hbm>>
      tpu.enqueue_dma source(%dma_start3A_92 : memref<6400xi32, #tpu.memory_space<hbm>>) target(%arg8 : memref<6400xi32, #tpu.memory_space<vmem>>) target_semaphore(%run_scoped3A : memref<!tpu.dma_semaphore, #tpu.memory_space<semaphore_mem>>)
      %dma_wait3A_93 = tpu.memref_slice %arg2[%multiple_of3A_27] : memref<204800xi32, #tpu.memory_space<hbm>> -> memref<6400xi32, #tpu.memory_space<hbm>>
      %dma_wait3A_94 = tpu.memref_slice %arg2[%multiple_of3A_27] : memref<204800xi32, #tpu.memory_space<hbm>> -> memref<6400xi32, #tpu.memory_space<hbm>>
      tpu.wait_dma2 semaphore(%run_scoped3A : memref<!tpu.dma_semaphore, #tpu.memory_space<semaphore_mem>>) src(%dma_wait3A_94 : memref<6400xi32, #tpu.memory_space<hbm>>) dst(%arg8 : memref<6400xi32, #tpu.memory_space<vmem>>)
      tpu.yield
    }) : () -> ()
    %dma_start3A = arith.constant 0 : i32
    %dma_start3A_28 = tpu.memref_slice %arg4[%dma_start3A] : memref<100000xi32, #tpu.memory_space<hbm>> -> memref<100000xi32, #tpu.memory_space<hbm>>
    tpu.enqueue_indirect_dma source(%dma_start3A_28 : memref<100000xi32, #tpu.memory_space<hbm>>) target(%arg9 : memref<6400xi32, #tpu.memory_space<vmem>>) offsets(%arg8 : memref<6400xi32, #tpu.memory_space<vmem>>) semaphore(%arg15 : memref<!tpu.dma_semaphore, #tpu.memory_space<semaphore_mem>>)
    %mul3A_29 = arith.constant 32 : i32
    %mul3A_30 = arith.muli %add3A, %mul3A_29 : i32
    %multiple_of3A_31 = tpu.assume_multiple %mul3A_30, 8 : i32
    "tpu.region"() ({
      %run_scoped3A = tpu.sem_alloc : memref<!tpu.dma_semaphore, #tpu.memory_space<semaphore_mem>>
      %dma_start3A_91 = tpu.memref_slice %arg3[%multiple_of3A_31] : memref<1024xi32, #tpu.memory_space<hbm>> -> memref<32xi32, #tpu.memory_space<hbm>>
      %dma_start3A_92 = tpu.memref_slice %arg3[%multiple_of3A_31] : memref<1024xi32, #tpu.memory_space<hbm>> -> memref<32xi32, #tpu.memory_space<hbm>>
      tpu.enqueue_dma source(%dma_start3A_92 : memref<32xi32, #tpu.memory_space<hbm>>) target(%arg10 : memref<32xi32, #tpu.memory_space<vmem>>) target_semaphore(%run_scoped3A : memref<!tpu.dma_semaphore, #tpu.memory_space<semaphore_mem>>)
      %dma_wait3A_93 = tpu.memref_slice %arg3[%multiple_of3A_31] : memref<1024xi32, #tpu.memory_space<hbm>> -> memref<32xi32, #tpu.memory_space<hbm>>
      %dma_wait3A_94 = tpu.memref_slice %arg3[%multiple_of3A_31] : memref<1024xi32, #tpu.memory_space<hbm>> -> memref<32xi32, #tpu.memory_space<hbm>>
      tpu.wait_dma2 semaphore(%run_scoped3A : memref<!tpu.dma_semaphore, #tpu.memory_space<semaphore_mem>>) src(%dma_wait3A_94 : memref<32xi32, #tpu.memory_space<hbm>>) dst(%arg10 : memref<32xi32, #tpu.memory_space<vmem>>)
      tpu.yield
    }) : () -> ()
    %dma_start3A_32 = arith.constant 0 : i32
    %dma_start3A_33 = tpu.memref_slice %arg5[%dma_start3A_32] : memref<100000xi32, #tpu.memory_space<hbm>> -> memref<100000xi32, #tpu.memory_space<hbm>>
    tpu.enqueue_indirect_dma source(%dma_start3A_33 : memref<100000xi32, #tpu.memory_space<hbm>>) target(%arg11 : memref<32xi32, #tpu.memory_space<vmem>>) offsets(%arg10 : memref<32xi32, #tpu.memory_space<vmem>>) semaphore(%arg16 : memref<!tpu.dma_semaphore, #tpu.memory_space<semaphore_mem>>)
    %dma_wait3A = arith.constant 0 : i32
    %dma_wait3A_34 = tpu.memref_slice %arg5[%dma_wait3A] : memref<100000xi32, #tpu.memory_space<hbm>> -> memref<100000xi32, #tpu.memory_space<hbm>>
    tpu.wait_indirect_dma semaphore(%arg16 : memref<!tpu.dma_semaphore, #tpu.memory_space<semaphore_mem>>) src(%dma_wait3A_34 : memref<100000xi32, #tpu.memory_space<hbm>>) dst(%arg11 : memref<32xi32, #tpu.memory_space<vmem>>)
    %dma_wait3A_35 = arith.constant 0 : i32
    %dma_wait3A_36 = tpu.memref_slice %arg4[%dma_wait3A_35] : memref<100000xi32, #tpu.memory_space<hbm>> -> memref<100000xi32, #tpu.memory_space<hbm>>
    tpu.wait_indirect_dma semaphore(%arg15 : memref<!tpu.dma_semaphore, #tpu.memory_space<semaphore_mem>>) src(%dma_wait3A_36 : memref<100000xi32, #tpu.memory_space<hbm>>) dst(%arg9 : memref<6400xi32, #tpu.memory_space<vmem>>)
    %mul3A_37 = arith.constant 6400 : i32
    %mul3A_38 = arith.muli %add3A, %mul3A_37 : i32
    %multiple_of3A_39 = tpu.assume_multiple %mul3A_38, 8 : i32
    %dma_start3A_40 = tpu.memref_slice %arg6[%multiple_of3A_39] : memref<204800xi32, #tpu.memory_space<hbm>> -> memref<6400xi32, #tpu.memory_space<hbm>>
    %dma_start3A_41 = tpu.memref_slice %arg6[%multiple_of3A_39] : memref<204800xi32, #tpu.memory_space<hbm>> -> memref<6400xi32, #tpu.memory_space<hbm>>
    tpu.enqueue_dma source(%arg9 : memref<6400xi32, #tpu.memory_space<vmem>>) target(%dma_start3A_41 : memref<6400xi32, #tpu.memory_space<hbm>>) target_semaphore(%arg16 : memref<!tpu.dma_semaphore, #tpu.memory_space<semaphore_mem>>)
    %barrier3A = arith.constant 0 : index
    tpu.barrier barrier_id(%barrier3A)
    %dma_start3A_42 = arith.constant 0 : i32
    %dma_start3A_43 = tpu.memref_slice %arg14[%dma_start3A_42] : memref<200192xi32, #tpu.memory_space<vmem_shared>> -> memref<200192xi32, #tpu.memory_space<vmem_shared>>
    tpu.enqueue_indirect_dma source(%arg12 : memref<6400xi32, #tpu.memory_space<vmem>>) target(%dma_start3A_43 : memref<200192xi32, #tpu.memory_space<vmem_shared>>) offsets(%arg9 : memref<6400xi32, #tpu.memory_space<vmem>>) semaphore(%arg15 : memref<!tpu.dma_semaphore, #tpu.memory_space<semaphore_mem>>) {add = true}
    %dma_start3A_44 = arith.constant 0 : i32
    %dma_start3A_45 = tpu.memref_slice %arg12[%dma_start3A_44] : memref<6400xi32, #tpu.memory_space<vmem>> -> memref<32xi32, #tpu.memory_space<vmem>>
    %dma_start3A_46 = arith.constant 0 : i32
    %dma_start3A_47 = tpu.memref_slice %arg14[%dma_start3A_46] : memref<200192xi32, #tpu.memory_space<vmem_shared>> -> memref<200192xi32, #tpu.memory_space<vmem_shared>>
    tpu.enqueue_indirect_dma source(%dma_start3A_45 : memref<32xi32, #tpu.memory_space<vmem>>) target(%dma_start3A_47 : memref<200192xi32, #tpu.memory_space<vmem_shared>>) offsets(%arg11 : memref<32xi32, #tpu.memory_space<vmem>>) semaphore(%arg15 : memref<!tpu.dma_semaphore, #tpu.memory_space<semaphore_mem>>) {add = true}
    %dma_wait3A_48 = arith.constant 0 : i32
    %dma_wait3A_49 = tpu.memref_slice %arg4[%dma_wait3A_48] : memref<100000xi32, #tpu.memory_space<hbm>> -> memref<32xi32, #tpu.memory_space<hbm>>
    %dma_wait3A_50 = arith.constant 0 : i32
    %dma_wait3A_51 = tpu.memref_slice %arg4[%dma_wait3A_50] : memref<100000xi32, #tpu.memory_space<hbm>> -> memref<32xi32, #tpu.memory_space<hbm>>
    tpu.wait_dma2 semaphore(%arg15 : memref<!tpu.dma_semaphore, #tpu.memory_space<semaphore_mem>>) src(%dma_wait3A_51 : memref<32xi32, #tpu.memory_space<hbm>>) dst(%arg10 : memref<32xi32, #tpu.memory_space<vmem>>)
    %dma_wait3A_52 = arith.constant 0 : i32
    %dma_wait3A_53 = tpu.memref_slice %arg4[%dma_wait3A_52] : memref<100000xi32, #tpu.memory_space<hbm>> -> memref<6400xi32, #tpu.memory_space<hbm>>
    %dma_wait3A_54 = arith.constant 0 : i32
    %dma_wait3A_55 = tpu.memref_slice %arg4[%dma_wait3A_54] : memref<100000xi32, #tpu.memory_space<hbm>> -> memref<6400xi32, #tpu.memory_space<hbm>>
    tpu.wait_dma2 semaphore(%arg15 : memref<!tpu.dma_semaphore, #tpu.memory_space<semaphore_mem>>) src(%dma_wait3A_55 : memref<6400xi32, #tpu.memory_space<hbm>>) dst(%arg12 : memref<6400xi32, #tpu.memory_space<vmem>>)
    %dma_wait3A_56 = arith.constant 0 : i32
    %dma_wait3A_57 = tpu.memref_slice %arg6[%dma_wait3A_56] : memref<204800xi32, #tpu.memory_space<hbm>> -> memref<6400xi32, #tpu.memory_space<hbm>>
    %dma_wait3A_58 = arith.constant 0 : i32
    %dma_wait3A_59 = tpu.memref_slice %arg6[%dma_wait3A_58] : memref<204800xi32, #tpu.memory_space<hbm>> -> memref<6400xi32, #tpu.memory_space<hbm>>
    tpu.wait_dma2 semaphore(%arg16 : memref<!tpu.dma_semaphore, #tpu.memory_space<semaphore_mem>>) src(%arg9 : memref<6400xi32, #tpu.memory_space<vmem>>) dst(%dma_wait3A_59 : memref<6400xi32, #tpu.memory_space<hbm>>)
    %barrier3A_60 = arith.constant 0 : index
    tpu.barrier barrier_id(%barrier3A_60)
    %mul3A_61 = arith.constant 2 : i32
    %mul3A_62 = arith.muli %arg1, %mul3A_61 : i32
    %mul3A_63 = arith.constant 6256 : i32
    %mul3A_64 = arith.muli %mul3A_62, %mul3A_63 : i32
    %multiple_of3A_65 = tpu.assume_multiple %mul3A_64, 8 : i32
    "tpu.region"() ({
      %run_scoped3A = tpu.sem_alloc : memref<!tpu.dma_semaphore, #tpu.memory_space<semaphore_mem>>
      %dma_start3A_91 = tpu.memref_slice %arg14[%multiple_of3A_65] : memref<200192xi32, #tpu.memory_space<vmem_shared>> -> memref<6256xi32, #tpu.memory_space<vmem_shared>>
      %dma_start3A_92 = tpu.memref_slice %arg14[%multiple_of3A_65] : memref<200192xi32, #tpu.memory_space<vmem_shared>> -> memref<6256xi32, #tpu.memory_space<vmem_shared>>
      tpu.enqueue_dma source(%dma_start3A_92 : memref<6256xi32, #tpu.memory_space<vmem_shared>>) target(%arg13 : memref<6256xi32, #tpu.memory_space<vmem>>) target_semaphore(%run_scoped3A : memref<!tpu.dma_semaphore, #tpu.memory_space<semaphore_mem>>)
      %dma_wait3A_93 = tpu.memref_slice %arg14[%multiple_of3A_65] : memref<200192xi32, #tpu.memory_space<vmem_shared>> -> memref<6256xi32, #tpu.memory_space<vmem_shared>>
      %dma_wait3A_94 = tpu.memref_slice %arg14[%multiple_of3A_65] : memref<200192xi32, #tpu.memory_space<vmem_shared>> -> memref<6256xi32, #tpu.memory_space<vmem_shared>>
      tpu.wait_dma2 semaphore(%run_scoped3A : memref<!tpu.dma_semaphore, #tpu.memory_space<semaphore_mem>>) src(%dma_wait3A_94 : memref<6256xi32, #tpu.memory_space<vmem_shared>>) dst(%arg13 : memref<6256xi32, #tpu.memory_space<vmem>>)
      tpu.yield
    }) : () -> ()
    %mul3A_66 = arith.constant 200192 : i32
    %mul3A_67 = arith.muli %arg0, %mul3A_66 : i32
    %mul3A_68 = arith.constant 2 : i32
    %mul3A_69 = arith.muli %arg1, %mul3A_68 : i32
    %mul3A_70 = arith.constant 6256 : i32
    %mul3A_71 = arith.muli %mul3A_69, %mul3A_70 : i32
    %add3A_72 = arith.addi %mul3A_67, %mul3A_71 : i32
    %multiple_of3A_73 = tpu.assume_multiple %add3A_72, 8 : i32
    "tpu.region"() ({
      %run_scoped3A = tpu.sem_alloc : memref<!tpu.dma_semaphore, #tpu.memory_space<semaphore_mem>>
      %dma_start3A_91 = tpu.memref_slice %arg7[%multiple_of3A_73] : memref<400384xi32, #tpu.memory_space<hbm>> -> memref<6256xi32, #tpu.memory_space<hbm>>
      %dma_start3A_92 = tpu.memref_slice %arg7[%multiple_of3A_73] : memref<400384xi32, #tpu.memory_space<hbm>> -> memref<6256xi32, #tpu.memory_space<hbm>>
      tpu.enqueue_dma source(%arg13 : memref<6256xi32, #tpu.memory_space<vmem>>) target(%dma_start3A_92 : memref<6256xi32, #tpu.memory_space<hbm>>) target_semaphore(%run_scoped3A : memref<!tpu.dma_semaphore, #tpu.memory_space<semaphore_mem>>)
      %dma_wait3A_93 = tpu.memref_slice %arg7[%multiple_of3A_73] : memref<400384xi32, #tpu.memory_space<hbm>> -> memref<6256xi32, #tpu.memory_space<hbm>>
      %dma_wait3A_94 = tpu.memref_slice %arg7[%multiple_of3A_73] : memref<400384xi32, #tpu.memory_space<hbm>> -> memref<6256xi32, #tpu.memory_space<hbm>>
      tpu.wait_dma2 semaphore(%run_scoped3A : memref<!tpu.dma_semaphore, #tpu.memory_space<semaphore_mem>>) src(%arg13 : memref<6256xi32, #tpu.memory_space<vmem>>) dst(%dma_wait3A_94 : memref<6256xi32, #tpu.memory_space<hbm>>)
      tpu.yield
    }) : () -> ()
    %mul3A_74 = arith.constant 2 : i32
    %mul3A_75 = arith.muli %arg1, %mul3A_74 : i32
    %mul3A_76 = arith.constant 6256 : i32
    %mul3A_77 = arith.muli %mul3A_75, %mul3A_76 : i32
    %add3A_78 = arith.constant 6256 : i32
    %add3A_79 = arith.addi %mul3A_77, %add3A_78 : i32
    %multiple_of3A_80 = tpu.assume_multiple %add3A_79, 8 : i32
    "tpu.region"() ({
      %run_scoped3A = tpu.sem_alloc : memref<!tpu.dma_semaphore, #tpu.memory_space<semaphore_mem>>
      %dma_start3A_91 = tpu.memref_slice %arg14[%multiple_of3A_80] : memref<200192xi32, #tpu.memory_space<vmem_shared>> -> memref<6256xi32, #tpu.memory_space<vmem_shared>>
      %dma_start3A_92 = tpu.memref_slice %arg14[%multiple_of3A_80] : memref<200192xi32, #tpu.memory_space<vmem_shared>> -> memref<6256xi32, #tpu.memory_space<vmem_shared>>
      tpu.enqueue_dma source(%dma_start3A_92 : memref<6256xi32, #tpu.memory_space<vmem_shared>>) target(%arg13 : memref<6256xi32, #tpu.memory_space<vmem>>) target_semaphore(%run_scoped3A : memref<!tpu.dma_semaphore, #tpu.memory_space<semaphore_mem>>)
      %dma_wait3A_93 = tpu.memref_slice %arg14[%multiple_of3A_80] : memref<200192xi32, #tpu.memory_space<vmem_shared>> -> memref<6256xi32, #tpu.memory_space<vmem_shared>>
      %dma_wait3A_94 = tpu.memref_slice %arg14[%multiple_of3A_80] : memref<200192xi32, #tpu.memory_space<vmem_shared>> -> memref<6256xi32, #tpu.memory_space<vmem_shared>>
      tpu.wait_dma2 semaphore(%run_scoped3A : memref<!tpu.dma_semaphore, #tpu.memory_space<semaphore_mem>>) src(%dma_wait3A_94 : memref<6256xi32, #tpu.memory_space<vmem_shared>>) dst(%arg13 : memref<6256xi32, #tpu.memory_space<vmem>>)
      tpu.yield
    }) : () -> ()
    %mul3A_81 = arith.constant 200192 : i32
    %mul3A_82 = arith.muli %arg0, %mul3A_81 : i32
    %mul3A_83 = arith.constant 2 : i32
    %mul3A_84 = arith.muli %arg1, %mul3A_83 : i32
    %mul3A_85 = arith.constant 6256 : i32
    %mul3A_86 = arith.muli %mul3A_84, %mul3A_85 : i32
    %add3A_87 = arith.addi %mul3A_82, %mul3A_86 : i32
    %add3A_88 = arith.constant 6256 : i32
    %add3A_89 = arith.addi %add3A_87, %add3A_88 : i32
    %multiple_of3A_90 = tpu.assume_multiple %add3A_89, 8 : i32
    "tpu.region"() ({
      %run_scoped3A = tpu.sem_alloc : memref<!tpu.dma_semaphore, #tpu.memory_space<semaphore_mem>>
      %dma_start3A_91 = tpu.memref_slice %arg7[%multiple_of3A_90] : memref<400384xi32, #tpu.memory_space<hbm>> -> memref<6256xi32, #tpu.memory_space<hbm>>
      %dma_start3A_92 = tpu.memref_slice %arg7[%multiple_of3A_90] : memref<400384xi32, #tpu.memory_space<hbm>> -> memref<6256xi32, #tpu.memory_space<hbm>>
      tpu.enqueue_dma source(%arg13 : memref<6256xi32, #tpu.memory_space<vmem>>) target(%dma_start3A_92 : memref<6256xi32, #tpu.memory_space<hbm>>) target_semaphore(%run_scoped3A : memref<!tpu.dma_semaphore, #tpu.memory_space<semaphore_mem>>)
      %dma_wait3A_93 = tpu.memref_slice %arg7[%multiple_of3A_90] : memref<400384xi32, #tpu.memory_space<hbm>> -> memref<6256xi32, #tpu.memory_space<hbm>>
      %dma_wait3A_94 = tpu.memref_slice %arg7[%multiple_of3A_90] : memref<400384xi32, #tpu.memory_space<hbm>> -> memref<6256xi32, #tpu.memory_space<hbm>>
      tpu.wait_dma2 semaphore(%run_scoped3A : memref<!tpu.dma_semaphore, #tpu.memory_space<semaphore_mem>>) src(%arg13 : memref<6256xi32, #tpu.memory_space<vmem>>) dst(%dma_wait3A_94 : memref<6256xi32, #tpu.memory_space<hbm>>)
      tpu.yield
    }) : () -> ()
    return
  }
}

#map = affine_map<(d0, d1) -> (0)>
module attributes {stable_mosaic.version = 14 : i64} {
  func.func @_k2(%arg0: i32, %arg1: i32, %arg2: memref<400384xi32, #tpu.memory_space<hbm>>, %arg3: memref<512xi32, #tpu.memory_space<hbm>>, %arg4: memref<6256xi32, #tpu.memory_space<vmem>>, %arg5: memref<6256xi32, #tpu.memory_space<vmem>>, %arg6: memref<16xi32, #tpu.memory_space<vmem>>) attributes {dimension_semantics = [#tpu.dimension_semantics<core_parallel>, #tpu.dimension_semantics<subcore_parallel>], iteration_bounds = array<i64: 2, 16>, scalar_prefetch = 0 : i64, scratch_operands = 3 : i64, tpu.core_type = #tpu.core_type<sc_vector_subcore>, window_params = [{transform_indices = #map}, {transform_indices = #map}]} {
    %mul3A = arith.constant 2 : i32
    %mul3A_0 = arith.muli %arg1, %mul3A : i32
    %add3A = arith.addi %mul3A_0, %arg0 : i32
    %mul3A_1 = arith.constant 6256 : i32
    %mul3A_2 = arith.muli %add3A, %mul3A_1 : i32
    %multiple_of3A = tpu.assume_multiple %mul3A_2, 8 : i32
    "tpu.region"() ({
      %run_scoped3A = tpu.sem_alloc : memref<!tpu.dma_semaphore, #tpu.memory_space<semaphore_mem>>
      %dma_start3A = tpu.memref_slice %arg2[%multiple_of3A] : memref<400384xi32, #tpu.memory_space<hbm>> -> memref<6256xi32, #tpu.memory_space<hbm>>
      %dma_start3A_18 = tpu.memref_slice %arg2[%multiple_of3A] : memref<400384xi32, #tpu.memory_space<hbm>> -> memref<6256xi32, #tpu.memory_space<hbm>>
      tpu.enqueue_dma source(%dma_start3A_18 : memref<6256xi32, #tpu.memory_space<hbm>>) target(%arg4 : memref<6256xi32, #tpu.memory_space<vmem>>) target_semaphore(%run_scoped3A : memref<!tpu.dma_semaphore, #tpu.memory_space<semaphore_mem>>)
      %dma_wait3A = tpu.memref_slice %arg2[%multiple_of3A] : memref<400384xi32, #tpu.memory_space<hbm>> -> memref<6256xi32, #tpu.memory_space<hbm>>
      %dma_wait3A_19 = tpu.memref_slice %arg2[%multiple_of3A] : memref<400384xi32, #tpu.memory_space<hbm>> -> memref<6256xi32, #tpu.memory_space<hbm>>
      tpu.wait_dma2 semaphore(%run_scoped3A : memref<!tpu.dma_semaphore, #tpu.memory_space<semaphore_mem>>) src(%dma_wait3A_19 : memref<6256xi32, #tpu.memory_space<hbm>>) dst(%arg4 : memref<6256xi32, #tpu.memory_space<vmem>>)
      tpu.yield
    }) : () -> ()
    %mul3A_3 = arith.constant 6256 : i32
    %mul3A_4 = arith.muli %add3A, %mul3A_3 : i32
    %add3A_5 = arith.constant 200192 : i32
    %add3A_6 = arith.addi %add3A_5, %mul3A_4 : i32
    %multiple_of3A_7 = tpu.assume_multiple %add3A_6, 8 : i32
    "tpu.region"() ({
      %run_scoped3A = tpu.sem_alloc : memref<!tpu.dma_semaphore, #tpu.memory_space<semaphore_mem>>
      %dma_start3A = tpu.memref_slice %arg2[%multiple_of3A_7] : memref<400384xi32, #tpu.memory_space<hbm>> -> memref<6256xi32, #tpu.memory_space<hbm>>
      %dma_start3A_18 = tpu.memref_slice %arg2[%multiple_of3A_7] : memref<400384xi32, #tpu.memory_space<hbm>> -> memref<6256xi32, #tpu.memory_space<hbm>>
      tpu.enqueue_dma source(%dma_start3A_18 : memref<6256xi32, #tpu.memory_space<hbm>>) target(%arg5 : memref<6256xi32, #tpu.memory_space<vmem>>) target_semaphore(%run_scoped3A : memref<!tpu.dma_semaphore, #tpu.memory_space<semaphore_mem>>)
      %dma_wait3A = tpu.memref_slice %arg2[%multiple_of3A_7] : memref<400384xi32, #tpu.memory_space<hbm>> -> memref<6256xi32, #tpu.memory_space<hbm>>
      %dma_wait3A_19 = tpu.memref_slice %arg2[%multiple_of3A_7] : memref<400384xi32, #tpu.memory_space<hbm>> -> memref<6256xi32, #tpu.memory_space<hbm>>
      tpu.wait_dma2 semaphore(%run_scoped3A : memref<!tpu.dma_semaphore, #tpu.memory_space<semaphore_mem>>) src(%dma_wait3A_19 : memref<6256xi32, #tpu.memory_space<hbm>>) dst(%arg5 : memref<6256xi32, #tpu.memory_space<vmem>>)
      tpu.yield
    }) : () -> ()
    %scan3A = arith.constant 0 : i32
    %scan3A_8 = arith.constant 0 : i32
    %scan3A_9 = arith.constant 391 : i32
    %scan3A_10 = arith.addi %scan3A_8, %scan3A_9 : i32
    %scan3A_11 = arith.constant 1 : i32
    %scan3A_12 = scf.for %scan3A_18 = %scan3A_8 to %scan3A_10 step %scan3A_11 iter_args(%scan3A_19 = %scan3A) -> (i32)  : i32 {
      %mul3A_20 = arith.constant 16 : i32
      %mul3A_21 = arith.muli %scan3A_18, %mul3A_20 : i32
      %get3A = arith.index_cast %mul3A_21 : i32 to index
      %get3A_22 = tpu.vector_load %arg4[%get3A] {strides = array<i32>} : memref<6256xi32, #tpu.memory_space<vmem>>, vector<16xi32>,
      %mul3A_23 = arith.constant 16 : i32
      %mul3A_24 = arith.muli %scan3A_18, %mul3A_23 : i32
      %get3A_25 = arith.index_cast %mul3A_24 : i32 to index
      %get3A_26 = tpu.vector_load %arg5[%get3A_25] {strides = array<i32>} : memref<6256xi32, #tpu.memory_space<vmem>>, vector<16xi32>,
      %add3A_27 = arith.addi %get3A_22, %get3A_26 : vector<16xi32>
      %gt3A = arith.constant 0 : i32
      %gt3A_28 = vector.broadcast %gt3A : i32 to vector<16xi32>
      %gt3A_29 = arith.cmpi sgt, %add3A_27, %gt3A_28 : vector<16xi32>
      %jit3A = arith.constant 1 : i32
      %jit3A_30 = arith.constant 0 : i32
      %broadcast_in_dim3A_31 = vector.broadcast %jit3A : i32 to vector<16xi32>
      %broadcast_in_dim3A_32 = vector.broadcast %jit3A_30 : i32 to vector<16xi32>
      %select_n3A = arith.select %gt3A_29, %broadcast_in_dim3A_31, %broadcast_in_dim3A_32 : vector<16xi1>, vector<16xi32>
      %reduce_sum3A = arith.constant true
      %reduce_sum3A_33 = vector.broadcast %reduce_sum3A : i1 to vector<16xi1>
      %reduce_sum3A_34 = tpu.scan <sum>, %select_n3A masked %reduce_sum3A_33 : vector<16xi32>, vector<16xi1> -> vector<16xi32>
      %reduce_sum3A_35 = vector.extract %reduce_sum3A_34[15] : i32 from vector<16xi32>
      %add3A_36 = arith.addi %scan3A_19, %reduce_sum3A_35 : i32
      scf.yield %add3A_36 : i32
    }
    %scan3A_13 = arith.constant 391 : i32
    %broadcast_in_dim3A = vector.broadcast %scan3A_12 : i32 to vector<16xi32>
    %swap3A = arith.constant 0 : index
    %swap3A_14 = tpu.vector_load %arg6[%swap3A] {strides = array<i32>} : memref<16xi32, #tpu.memory_space<vmem>>, vector<16xi32>,
    tpu.vector_store %arg6[%swap3A], %broadcast_in_dim3A {strides = array<i32>} : memref<16xi32, #tpu.memory_space<vmem>>, vector<16xi32>,
    %mul3A_15 = arith.constant 16 : i32
    %mul3A_16 = arith.muli %add3A, %mul3A_15 : i32
    %multiple_of3A_17 = tpu.assume_multiple %mul3A_16, 8 : i32
    "tpu.region"() ({
      %run_scoped3A = tpu.sem_alloc : memref<!tpu.dma_semaphore, #tpu.memory_space<semaphore_mem>>
      %dma_start3A = tpu.memref_slice %arg3[%multiple_of3A_17] : memref<512xi32, #tpu.memory_space<hbm>> -> memref<16xi32, #tpu.memory_space<hbm>>
      %dma_start3A_18 = tpu.memref_slice %arg3[%multiple_of3A_17] : memref<512xi32, #tpu.memory_space<hbm>> -> memref<16xi32, #tpu.memory_space<hbm>>
      tpu.enqueue_dma source(%arg6 : memref<16xi32, #tpu.memory_space<vmem>>) target(%dma_start3A_18 : memref<16xi32, #tpu.memory_space<hbm>>) target_semaphore(%run_scoped3A : memref<!tpu.dma_semaphore, #tpu.memory_space<semaphore_mem>>)
      %dma_wait3A = tpu.memref_slice %arg3[%multiple_of3A_17] : memref<512xi32, #tpu.memory_space<hbm>> -> memref<16xi32, #tpu.memory_space<hbm>>
      %dma_wait3A_19 = tpu.memref_slice %arg3[%multiple_of3A_17] : memref<512xi32, #tpu.memory_space<hbm>> -> memref<16xi32, #tpu.memory_space<hbm>>
      tpu.wait_dma2 semaphore(%run_scoped3A : memref<!tpu.dma_semaphore, #tpu.memory_space<semaphore_mem>>) src(%arg6 : memref<16xi32, #tpu.memory_space<vmem>>) dst(%dma_wait3A_19 : memref<16xi32, #tpu.memory_space<hbm>>)
      tpu.yield
    }) : () -> ()
    return
  }
}

#map = affine_map<(d0, d1) -> (0)>
module attributes {stable_mosaic.version = 14 : i64} {
  func.func @_k4(%arg0: i32, %arg1: i32, %arg2: memref<204800xi32, #tpu.memory_space<hbm>>, %arg3: memref<200192xi32, #tpu.memory_space<hbm>>, %arg4: memref<204800xi32, #tpu.memory_space<hbm>>, %arg5: memref<6400xi32, #tpu.memory_space<vmem>>, %arg6: memref<6400xi32, #tpu.memory_space<vmem>>, %arg7: memref<!tpu.dma_semaphore, #tpu.memory_space<semaphore_mem>>) attributes {dimension_semantics = [#tpu.dimension_semantics<core_parallel>, #tpu.dimension_semantics<subcore_parallel>], iteration_bounds = array<i64: 2, 16>, scalar_prefetch = 0 : i64, scratch_operands = 3 : i64, tpu.core_type = #tpu.core_type<sc_vector_subcore>, window_params = [{transform_indices = #map}, {transform_indices = #map}, {transform_indices = #map}]} {
    %mul3A = arith.constant 2 : i32
    %mul3A_0 = arith.muli %arg1, %mul3A : i32
    %add3A = arith.addi %mul3A_0, %arg0 : i32
    %mul3A_1 = arith.constant 6400 : i32
    %mul3A_2 = arith.muli %add3A, %mul3A_1 : i32
    %multiple_of3A = tpu.assume_multiple %mul3A_2, 8 : i32
    "tpu.region"() ({
      %run_scoped3A = tpu.sem_alloc : memref<!tpu.dma_semaphore, #tpu.memory_space<semaphore_mem>>
      %dma_start3A_8 = tpu.memref_slice %arg2[%multiple_of3A] : memref<204800xi32, #tpu.memory_space<hbm>> -> memref<6400xi32, #tpu.memory_space<hbm>>
      %dma_start3A_9 = tpu.memref_slice %arg2[%multiple_of3A] : memref<204800xi32, #tpu.memory_space<hbm>> -> memref<6400xi32, #tpu.memory_space<hbm>>
      tpu.enqueue_dma source(%dma_start3A_9 : memref<6400xi32, #tpu.memory_space<hbm>>) target(%arg5 : memref<6400xi32, #tpu.memory_space<vmem>>) target_semaphore(%run_scoped3A : memref<!tpu.dma_semaphore, #tpu.memory_space<semaphore_mem>>)
      %dma_wait3A_10 = tpu.memref_slice %arg2[%multiple_of3A] : memref<204800xi32, #tpu.memory_space<hbm>> -> memref<6400xi32, #tpu.memory_space<hbm>>
      %dma_wait3A_11 = tpu.memref_slice %arg2[%multiple_of3A] : memref<204800xi32, #tpu.memory_space<hbm>> -> memref<6400xi32, #tpu.memory_space<hbm>>
      tpu.wait_dma2 semaphore(%run_scoped3A : memref<!tpu.dma_semaphore, #tpu.memory_space<semaphore_mem>>) src(%dma_wait3A_11 : memref<6400xi32, #tpu.memory_space<hbm>>) dst(%arg5 : memref<6400xi32, #tpu.memory_space<vmem>>)
      tpu.yield
    }) : () -> ()
    %dma_start3A = arith.constant 0 : i32
    %dma_start3A_3 = tpu.memref_slice %arg3[%dma_start3A] : memref<200192xi32, #tpu.memory_space<hbm>> -> memref<200192xi32, #tpu.memory_space<hbm>>
    tpu.enqueue_indirect_dma source(%dma_start3A_3 : memref<200192xi32, #tpu.memory_space<hbm>>) target(%arg6 : memref<6400xi32, #tpu.memory_space<vmem>>) offsets(%arg5 : memref<6400xi32, #tpu.memory_space<vmem>>) semaphore(%arg7 : memref<!tpu.dma_semaphore, #tpu.memory_space<semaphore_mem>>)
    %dma_wait3A = arith.constant 0 : i32
    %dma_wait3A_4 = tpu.memref_slice %arg3[%dma_wait3A] : memref<200192xi32, #tpu.memory_space<hbm>> -> memref<200192xi32, #tpu.memory_space<hbm>>
    tpu.wait_indirect_dma semaphore(%arg7 : memref<!tpu.dma_semaphore, #tpu.memory_space<semaphore_mem>>) src(%dma_wait3A_4 : memref<200192xi32, #tpu.memory_space<hbm>>) dst(%arg6 : memref<6400xi32, #tpu.memory_space<vmem>>)
    %mul3A_5 = arith.constant 6400 : i32
    %mul3A_6 = arith.muli %add3A, %mul3A_5 : i32
    %multiple_of3A_7 = tpu.assume_multiple %mul3A_6, 8 : i32
    "tpu.region"() ({
      %run_scoped3A = tpu.sem_alloc : memref<!tpu.dma_semaphore, #tpu.memory_space<semaphore_mem>>
      %dma_start3A_8 = tpu.memref_slice %arg4[%multiple_of3A_7] : memref<204800xi32, #tpu.memory_space<hbm>> -> memref<6400xi32, #tpu.memory_space<hbm>>
      %dma_start3A_9 = tpu.memref_slice %arg4[%multiple_of3A_7] : memref<204800xi32, #tpu.memory_space<hbm>> -> memref<6400xi32, #tpu.memory_space<hbm>>
      tpu.enqueue_dma source(%arg6 : memref<6400xi32, #tpu.memory_space<vmem>>) target(%dma_start3A_9 : memref<6400xi32, #tpu.memory_space<hbm>>) target_semaphore(%run_scoped3A : memref<!tpu.dma_semaphore, #tpu.memory_space<semaphore_mem>>)
      %dma_wait3A_10 = tpu.memref_slice %arg4[%multiple_of3A_7] : memref<204800xi32, #tpu.memory_space<hbm>> -> memref<6400xi32, #tpu.memory_space<hbm>>
      %dma_wait3A_11 = tpu.memref_slice %arg4[%multiple_of3A_7] : memref<204800xi32, #tpu.memory_space<hbm>> -> memref<6400xi32, #tpu.memory_space<hbm>>
      tpu.wait_dma2 semaphore(%run_scoped3A : memref<!tpu.dma_semaphore, #tpu.memory_space<semaphore_mem>>) src(%arg6 : memref<6400xi32, #tpu.memory_space<vmem>>) dst(%dma_wait3A_11 : memref<6400xi32, #tpu.memory_space<hbm>>)
      tpu.yield
    }) : () -> ()
    return
  }
}

</mosaic_0001>

<sc_bundles>
// kernel: kernel.12.cloned.1.call-start
scs
__scs_entry_jumppad:
0x0: {  	(pc) =	sbr.rel $0x88, $3  }
0x1: {  	(tag) =	ssettag $0x0;
	lr =	simm.s32 $0x1  }
0x2: {  	[smem:$0x3F9C] =	sst lr;
	_ =	strace $0xD0000000  }
0x3: {  	_ = 	snop  }
0x4: {  	_ = 	snop  }
0x5: {  	_ = 	snop  }
0x6: {  	_ = 	snop  }
0x7: {  	_ = 	snop  }
__scs_overlays_trampoline_lowered:
0x8: {  	[smem:$0x3FAB] =	sst s0  }
0x9: {  	[smem:$0x3FAC] =	sst s1  }
0xa: {  	[smem:$0x3FAD] =	sst s2  }
0xb: {  	[smem:$0x3FAE] =	sst s3  }
0xc: {  	[smem:$0x3FAF] =	sst s4  }
0xd: {  	[smem:$0x3FB0] =	sst s5  }
0xe: {  	[smem:$0x3FB1] =	sst s6  }
0xf: {  	[smem:$0x3FB2] =	sst s7  }
0x10: {  	[smem:$0x3FB3] =	sst s8  }
0x11: {  	[smem:$0x3FB4] =	sst s9;
	s0 =	simm.s32 @!p0 $0x0  }
0x12: {  	s1 =	sld [smem:$0x3F9A];
	s0 =	simm.s32 @p0 $0x1  }
0x13: {  	[smem:$0x3FB5] =	sst s0;
	s0 =	simm.s32 @!p1 $0x0  }
0x14: {  	s2 =	sld [smem:$0x3F99];
	s0 =	simm.s32 @p1 $0x1  }
0x15: {  	[smem:$0x3FB6] =	sst s0;
	s0 =	simm.s32 @!p2 $0x0  }
0x16: {  	s3 =	sld [smem:$0x3FDB];
	s0 =	simm.s32 @p2 $0x1  }
0x17: {  	s4 =	simm.s32 $0x1BF5;
	[smem:$0x3FB8] =	sst s0  }
0x18: {  	s0 =	sld [smem:$0x3F9B];
	_ =	swait.ge [sflag:s4], $0x0  }
0x19: {  	s7 =	sld [smem:$0x3F9C]  }
0x1a: {  	s8 =	sadd.s32 $0xFFFFE003, lr  }
0x1b: {  	s9 =	sadd.s32 $0xFFFFFEF7, lr;
	s5 =	simm.s32 $0xFFFFFFFF;
	p2 =	slt.u32 s8, $0xFFFFF086  }
0x1c: {  	p1 =	slt.u32 s9, $0xF7A;
	s5 =	simm.s32 @!p2 $0x0  }
0x1d: {  	s5 =	simm.s32 @p1 $0x1;
	p0 =	seq.s32 s7, s2  }
0x1e: {  	s7 =	smul.u32 @!p0 $0xF7A, s2;
	p2 =	seq.s32 @!p0 s5, $0x0  }
0x1f: {  	s9 =	smul.u32 $0xF7A, s1;
	s8 =	simm.s32 @!p0 $0x1BF5;
	p2 =	por !p2, p0  }
0x20: {  	[sflag:s8] =	ssyncset.s32 @!p0 $0xFFFFF086;
	s6 =	sadd.s32 @!p0 s3, s7;
	s7 =	simm.s32 @!p0 $0x108  }
0x21: {  	s3 =	sadd.s32 s3, s9;
	s6 =	sadd.s32 @!p0 $0x88, s6;
	s7 =	simm.s32 @p2 $0x1082  }
0x22: {  	[simem:s7], [sflag:s8] =	dma.local @!p0 [hbm:s6], $0xF7A  }
0x23: {  	s9 =	sor.u32 $0xD0000000, s2;
	s6 =	simm.s32 $0x108;
	_ =	swait.ge @!p0 [sflag:s8], $0x0  }
0x24: {  	s3 =	sadd.s32 $0x88, s3;
	s6 =	simm.s32 @!p1 $0x1082;
	[sflag:s4] =	ssyncset.s32 $0xFFFFF086  }
0x25: {  	[simem:s6], [sflag:s4] =	dma.local [hbm:s3], $0xF7A  }
0x26: {  	[smem:$0x3F9C] =	sst s1;
	(tag) =	ssettag s2;
	_ =	strace s9  }
0x27: {  	s1 =	sld [smem:$0x3FAC]  }
0x28: {  	s2 =	sld [smem:$0x3FAD]  }
0x29: {  	s4 =	sld [smem:$0x3FAF]  }
0x2a: {  	p0 =	seq.s32 s5, $0x0;
	s5 =	sld [smem:$0x3FB0]  }
0x2b: {  	s6 =	sld [smem:$0x3FB1]  }
0x2c: {  	s7 =	sld [smem:$0x3FB2]  }
0x2d: {  	s3 =	simm.s32 $0x108;
	s8 =	sld [smem:$0x3FB3]  }
0x2e: {  	s3 =	simm.s32 @!p0 $0x1082;
	s9 =	sld [smem:$0x3FB4]  }
0x2f: {  	lr =	sadd.s32 s0, s3;
	s0 =	sld [smem:$0x3FAB]  }
0x30: {  	s3 =	sld [smem:$0x3FAE]  }
0x31: {  	[smem:$0x3FB7] =	sst s10  }
0x32: {  	s10 =	sld [smem:$0x3FB5];
	_ =	sdelay $0x3  }
0x33: {  	p0 =	seq.s32 s10, $0x1;
	s10 =	sld [smem:$0x3FB7];
	_ =	sdelay $0x3  }
0x34: {  	[smem:$0x3FB7] =	sst s10  }
0x35: {  	s10 =	sld [smem:$0x3FB6];
	_ =	sdelay $0x3  }
0x36: {  	p1 =	seq.s32 s10, $0x1;
	s10 =	sld [smem:$0x3FB7];
	_ =	sdelay $0x3  }
0x37: {  	[smem:$0x3FB7] =	sst s10  }
0x38: {  	s10 =	sld [smem:$0x3FB8]  }
0x39: {  	_ = 	snop;
	(pc) =	sbr.ind lr, $3  }
0x3a: {  	_ = 	snop  }
0x3b: {  	_ = 	snop  }
0x3c: {  	p2 =	seq.s32 s10, $0x1;
	s10 =	sld [smem:$0x3FB7]  }
0x3d: {  	_ =	shalt  }
0x3e: {  	_ =	shalt  }
0x3f: {  	_ =	shalt  }
0x40: {  	_ =	shalt  }
0x41: {  	_ =	shalt  }
0x42: {  	_ =	shalt  }
0x43: {  	_ =	shalt  }
0x44: {  	_ =	shalt  }
0x45: {  	_ =	shalt  }
0x46: {  	_ =	shalt  }
0x47: {  	_ =	shalt  }
0x48: {  	_ =	shalt  }
0x49: {  	_ =	shalt  }
0x4a: {  	_ =	shalt  }
0x4b: {  	_ =	shalt  }
0x4c: {  	_ =	shalt  }
0x4d: {  	_ =	shalt  }
0x4e: {  	_ =	shalt  }
0x4f: {  	_ =	shalt  }
0x50: {  	_ =	shalt  }
0x51: {  	_ =	shalt  }
0x52: {  	_ =	shalt  }
0x53: {  	_ =	shalt  }
0x54: {  	_ =	shalt  }
0x55: {  	_ =	shalt  }
0x56: {  	_ =	shalt  }
0x57: {  	_ =	shalt  }
0x58: {  	_ =	shalt  }
0x59: {  	_ =	shalt  }
0x5a: {  	_ =	shalt  }
0x5b: {  	_ =	shalt  }
0x5c: {  	_ =	shalt  }
0x5d: {  	_ =	shalt  }
0x5e: {  	_ =	shalt  }
0x5f: {  	_ =	shalt  }
0x60: {  	_ =	shalt  }
0x61: {  	_ =	shalt  }
0x62: {  	_ =	shalt  }
0x63: {  	_ =	shalt  }
0x64: {  	_ =	shalt  }
0x65: {  	_ =	shalt  }
0x66: {  	_ =	shalt  }
0x67: {  	_ =	shalt  }
0x68: {  	_ =	shalt  }
0x69: {  	_ =	shalt  }
0x6a: {  	_ =	shalt  }
0x6b: {  	_ =	shalt  }
0x6c: {  	_ =	shalt  }
0x6d: {  	_ =	shalt  }
0x6e: {  	_ =	shalt  }
0x6f: {  	_ =	shalt  }
0x70: {  	_ =	shalt  }
0x71: {  	_ =	shalt  }
0x72: {  	_ =	shalt  }
0x73: {  	_ =	shalt  }
0x74: {  	_ =	shalt  }
0x75: {  	_ =	shalt  }
0x76: {  	_ =	shalt  }
0x77: {  	_ =	shalt  }
0x78: {  	_ =	shalt  }
0x79: {  	_ =	shalt  }
0x7a: {  	_ =	shalt  }
0x7b: {  	_ =	shalt  }
0x7c: {  	_ =	shalt  }
0x7d: {  	_ =	shalt  }
0x7e: {  	_ =	shalt  }
0x7f: {  	_ =	shalt  }
0x80: {  	_ =	shalt  }
0x81: {  	_ =	shalt  }
0x82: {  	_ =	shalt  }
0x83: {  	_ =	shalt  }
0x84: {  	_ =	shalt  }
0x85: {  	_ =	shalt  }
0x86: {  	_ =	shalt  }
0x87: {  	_ =	shalt  }
.Lfunc_end0:
.L_simem_size_0:
called_computation.2_lowered:
.L_overlay_start_0:
0x88: {  	s2 =	sld [smem:$0x3FD9]  }
0x89: {  	s3 =	sld [smem:$0x3FFE];
	_ =	sdelay $0x1  }
0x8a: {  	s1 =	srdreg.scid  }
0x8b: {  	s0 =	sand.u32 $0x1, s1  }
0x8c: {  	s14 =	sshll.u32 s0, $0xA;
	s2 =	sadd.s32 s3, s2  }
0x8d: {  	s2 =	sadd.s32 s2, s14  }
0x8e: {  	[smem:$0x3FC3] =	sst s2  }
0x8f: {  	_ = 	snop  }
0x90: {  	s2 =	sld [smem:$0x3FD0];
	_ =	sdelay $0x2  }
0x91: {  	s4 =	simm.s32 $0xA;
	s5 =	simm.s32 $0x10;
	s15 =	sld [smem:$0x3FC5]  }
0x92: {  	[smem:s5], [sflag:s4] =	dma.local [hbm:s2], $0x1  }
0x93: {  	_ =	swait.eq [sflag:s4], $0x1  }
0x94: {  	[sflag:s4] =	ssyncset.done $0x0  }
0x95: {  	s16 =	sld [smem:$0x10];
	[sflag:s4] =	ssyncadd.s32 $0xFFFFFFFF  }
0x96: {  	s17 =	sld [smem:$0x11];
	(tm) =	ssettm $0x1  }
0x97: {  	s18 =	sld [smem:$0x3FFB];
	_ =	sdelay $0x3  }
0x98: {  	_ =	strace s18  }
0x99: {  	s5 =	sld [smem:$0x3FFC];
	_ =	sdelay $0x3  }
0x9a: {  	_ =	strace s5  }
0x9b: {  	s5 =	sld [smem:$0x3FFD];
	_ =	sdelay $0x3  }
0x9c: {  	_ =	strace s5  }
0x9d: {  	_ =	strace $0x8FFFFFFF  }
0x9e: {  	s19 =	sld [smem:$0x3FDB];
	_ =	sdelay $0x1  }
0x9f: {  	s6 =	simm.s32 $_scs_section_size  }
0xa0: {  	s7 =	simm.s32 $_size__tile_overlayer_lowered;
	s8 =	simm.s32 $_tile_overlayer_lowered  }
0xa1: {  	s22 =	simm.s32 $0x1BFF;
	s21 =	sshll.u32 s8, $0x1;
	s5 =	sadd.s32 s6, s19  }
0xa2: {  	s9 =	simm.s32 $0x0;
	s20 =	sshll.u32 s7, $0x1;
	s7 =	sadd.s32 s21, s5  }
0xa3: {  	[timem:s9], [sflag:s22] =	dma.local [hbm:s7], s20  }
0xa4: {  	_ =	swait.ge [sflag:s22], s20  }
0xa5: {  	s6 =	ssub.s32 $0x0, s20;
	[sflag:s22] =	ssyncset.done $0x0  }
0xa6: {  	[sflag:s22] =	ssyncadd.s32 s6;
	_ =	sdelay $0x1  }
0xa7: {  	s23 =	simm.s32 $0x1B8B  }
0xa8: {  	_ =	swait.ge [sflag:s23], $0x1  }
0xa9: {  	[sflag:s23] =	ssyncset.done $0x0  }
0xaa: {  	s25 =	simm.s32 $0x1B8E;
	s24 =	sld [smem:$0x3FFE];
	[sflag:s23] =	ssyncadd.s32 $0xFFFFFFFF  }
0xab: {  	s26 =	simm.s32 $execute0_lowered;
	[smem:$0x3FD2] =	sst s25  }
0xac: {  	s7 =	sshll.u32 s26, $0x1;
	_ =	strace $0x8000004C;
	[dreg:$0x1] =	wrdreg $0xFFFFFFFF  }
0xad: {  	s28 =	simm.s32 $_size_execute0_lowered;
	s5 =	sadd.s32 s5, s7;
	[dreg:$0x0] =	wrdreg $0x0  }
0xae: {  	s7 =	sshll.u32 s28, $0x1;
	[dreg:$0x2] =	wrdreg s5  }
0xaf: {  	[dreg:$0x3] =	wrdreg s7  }
0xb0: {  	[dreg:$0x4] =	wrdreg $0xC0  }
0xb1: {  	_ =	task [dreg:s9], $0x5FFFF  }
0xb2: {  	[dreg:$0x1] =	wrdreg $0xFFFFFFFF  }
0xb3: {  	[dreg:$0x0] =	wrdreg $0x60  }
0xb4: {  	[dreg:$0x2] =	wrdreg s24  }
0xb5: {  	[dreg:$0x3] =	wrdreg s17  }
0xb6: {  	[dreg:$0x4] =	wrdreg s15  }
0xb7: {  	[dreg:$0x5] =	wrdreg s16  }
0xb8: {  	[dreg:$0x6] =	wrdreg $0x9  }
0xb9: {  	_ =	task.clear_ibuf [dreg:s9], $0x7FFFF;
	_ =	strace $0x9000004C  }
0xba: {  	s29 =	simm.s32 $0x9;
	_ =	strace $0x8000004E  }
0xbb: {  	_ =	swait.ge [sflag:s29], $0x1  }
0xbc: {  	[sflag:s29] =	ssyncadd.s32 $0xFFFFFFFF  }
0xbd: {  	_ =	strace $0x9000004E  }
0xbe: {  	_ =	sfence  }
0xbf: {  	s30 =	sld [smem:$0x0];
	_ =	sdelay $0x2  }
0xc0: {  	s31 =	sshll.u32 s1, $0xD;
	s1 =	sshrl.u32 s1, $0x2  }
0xc1: {  	s3 =	sand.u32 $0x4000, s31;
	s1 =	sadd.s32 s1, s30  }
0xc2: {  	s0 =	sor.u32 s3, s0;
	s1 =	sshll.u32 s1, $0x11  }
0xc3: {  	s0 =	sor.u32 s1, s0  }
0xc4: {  	s0 =	sadd.s32 $0x8F2B, s0  }
0xc5: {  	[sflag:s0] =	ssyncadd.remote.s32 $0x1  }
0xc6: {  	_ =	sfence.sel $0xFFFF  }
0xc7: {  	[dreg:$0x0] =	wrdreg $0xFFFFFFFF;
	(pc) =	sbr.abs _section_cstart, $3  }
0xc8: {  	[dreg:$0x1] =	wrdreg $0xFFFFFFFF  }
0xc9: {  	_ =	task.clear_ibuf [dreg:s9], $0x2FFFF;
	_ =	strace $0x9FFFFFFF  }
0xca: {  	(tm) =	ssettm $0x7FFFFFFF  }
0xcb: {  	_ =	shalt  }
tec
execute0_lowered:
.L_overlay_start_1:
0x0: {  	(tag) =	ssettag $0x1  }
0x1: {  	s0 =	rddreg [dreg:$0x0]  }
0x2: {  	s3 =	rddreg [dreg:$0x2]  }
0x3: {  	s1 =	srdreg.scid;
	s8 =	stileid.u32  }
0x4: {  	s4 =	rddreg [dreg:$0x3];
	s5 =	simm.s32 $0x0;
	s12 =	simm.s32 $0xA  }
0x5: {  	s13 =	simm.s32 $0x16A00;
	s15 =	simm.s32 $0x4980;
	s17 =	simm.s32 $0x2  }
0x6: {  	s18 =	simm.s32 $0x80;
	s19 =	simm.s32 $0x6800;
	s20 =	simm.s32 $0xAA00  }
0x7: {  	s21 =	simm.s32 $0x3;
	s1 =	sand.u32 $0x1, s1;
	s2 =	sshll.u32 s8, $0x1  }
0x8: {  	s22 =	simm.s32 $0x6880;
	s8 =	smul.u32 $0x30E0, s8;
	s6 =	sor.u32 s1, s2  }
0x9: {  	s23 =	simm.s32 $0xEA00;
	s28 =	simm.s32 $0x9;
	s2 =	smul.u32 $0x1870, s6  }
0xa: {  	[smem:$0x7FF] =	sst s5;
	s7 =	ssub.s32 $0x2, s1;
	s1 =	smul.u32 $0x1870, s1  }
0xb: {  	s29 =	simm.s32 $0x0;
	_ =	strace $0x8000004D;
	s2 =	sshrl.u32 s2, $0x3  }
0xc: {  	s24 =	sshrl.u32 s7, $0x1;
	s31 =	sadd.s32 s1, s8;
	s0 =	sadd.s32 s2, s0  }
.Ltmp0:
0xd: {  	[dreg:$0x9] =	wrdreg s31;
	s25 =	sadd.s32 $0x1800, s0;
	(pc) =	sbr.rel .LBB2_1-.Ltmp0, $4  }
0xe: {  	v0 =	vlaneseq.u32;
	p0 =	sne.s32 s6, $0x0;
	s26 =	sadd.s32 $0x79C0, s0;
	[dreg:$0x5] =	wrdreg s25  }
0xf: {  	v1 =	vimm.s32 $0x0;
	v2 =	vor.u32 $0x32380, v0;
	v3 =	vor.u32 $0x32390, v0;
	s2 =	ssub.s32 s7, s24;
	s0 =	sadd.s32 $0x14000, s0;
	[dreg:$0x6] =	wrdreg s26  }
0x10: {  	v4 =	vor.u32 $0x323A0, v0;
	v5 =	vor.u32 $0x323B0, v0;
	v6 =	vor.u32 $0x323C0, v0;
	s24 =	simm.s32 $0x4;
	s30 =	smax.u32 s2, $0x1;
	[dreg:$0x7] =	wrdreg s0  }
0x11: {  	v7 =	vor.u32 $0x323D0, v0;
	v8 =	vor.u32 $0x323E0, v0;
	v9 =	vor.u32 $0x323F0, v0;
	[dreg:$0x8] =	wrdreg s30;
	s25 =	simm.s32 $0x6900;
	s26 =	simm.s32 $0x12A00  }
.LBB2_17:
0x12: {  	[sflag:s28] =	ssyncadd.s32 $0xFFFFC000  }
.LBB2_18:
0x13: {  	s0 =	simm.s32 @!p0 $0x9  }
0x14: {  	_ =	swait.ge @!p0 [sflag:s0], $0x4000  }
0x15: {  	s29 =	sadd.s32 $0x1, s29;
	s1 =	rddreg [dreg:$0x8]  }
0x16: {  	p1 =	sne.s32 s29, s1  }
.Ltmp1:
0x17: {  	_ = 	snop;
	(pc) =	sbr.rel @!p1 .LBB2_19-.Ltmp1, $3  }
0x18: {  	_ =	sdelay $0x1  }
0x19: {  	[sflag:s0] =	ssyncset.done @!p0 $0x0  }
0x1a: {  	[sflag:s0] =	ssyncadd.s32 @!p0 $0xFFFFC000  }
.LBB2_1:
0x1b: {  	s0 =	simm.s32 $0x6580;
	s1 =	rddreg [dreg:$0x1]  }
0x1c: {  	[tilespmem:s0], [sflag:$0xA] =	stream.linear.gather [hbm4b:s1+s5], $0x200, $0x38;
	[tilespmem:$0x1AA00] =	vst v63  }
0x1d: {  	_ =	swait.ge [sflag:s12], $0x200  }
0x1e: {  	[sflag:s12] =	ssyncset.done $0x0  }
0x1f: {  	[sflag:s12] =	ssyncadd.s32 $0xFFFFFE00  }
0x20: {  	v10 =	vld [tilespmem:s0+$0x0];
	_ =	sdelay $0x4  }
0x21: {  	v10 =	vxor.u32 $0x80000000, v10  }
0x22: {  	(xrf0) =	vmax.scan.msk.u32 $0xffff, v10;
	_ =	sdelay $0x5  }
0x23: {  	v10, _, _ =	vpop (xrf0)  }
0x24: {  	s11 =	simm.s32 $0x6590;
	(v2sf) =	vpush v10, $0xF  }
0x25: {  	s14 =	simm.s32 $0x65A0;
	v10 =	vld [tilespmem:s11+$0x0]  }
0x26: {  	v11 =	vld [tilespmem:s14+$0x0];
	_ =	sdelay $0x3  }
0x27: {  	v10 =	vxor.u32 $0x80000000, v10  }
0x28: {  	(xrf0) =	vmax.scan.msk.u32 $0xffff, v10;
	v10 =	vxor.u32 $0x80000000, v11  }
0x29: {  	(xrf0) =	vmax.scan.msk.u32 $0xffff, v10;
	_ =	sdelay $0x4  }
0x2a: {  	v11, _, _ =	vpop (xrf0)  }
0x2b: {  	s16 =	simm.s32 $0x65B0;
	(v2sf) =	vpush v11, $0xF;
	v11, _, _ =	vpop (xrf0)  }
0x2c: {  	v10 =	vld [tilespmem:s16+$0x0];
	s9 =	spop (v2sf);
	(v2sf) =	vpush v11, $0xF;
	_ =	sdelay $0x4  }
0x2d: {  	s7 =	simm.s32 $0x1;
	s2 =	simm.s32 $0x2;
	s31 =	simm.s32 $0x65C0;
	v10 =	vxor.u32 $0x80000000, v10  }
0x2e: {  	s8 =	simm.s32 $0x5;
	s30 =	simm.s32 $0x0;
	s1 =	simm.s32 $0x3;
	(xrf0) =	vmax.scan.msk.u32 $0xffff, v10  }
0x2f: {  	s0 =	simm.s32 $0x4;
	s14 =	simm.s32 $0x0;
	s16 =	simm.s32 $0x0;
	v10 =	vld [tilespmem:s31+$0x0]  }
.LBB2_2:
0x30: {  	p1 =	sne.s32 s8, $0x1F;
	s9 =	sxor.u32 $0x80000000, s9;
	p2 =	slt.u32 s30, s6  }
0x31: {  	s30 =	smov.u32 s7;
	s16 =	sadd.s32 s16, s9;
	s9 =	simm.s32 @!p2 $0x0  }
.Ltmp2:
0x32: {  	s7 =	smov.u32 s2;
	s14 =	sadd.s32 s14, s9;
	(pc) =	sbr.rel @p1 .LBB2_2-.Ltmp2, $4  }
0x33: {  	s2 =	smov.u32 s1;
	s1 =	smov.u32 s0;
	s0 =	smov.u32 s8  }
0x34: {  	v10 =	vxor.u32 $0x80000000, v10;
	v11, _, _ =	vpop (xrf0)  }
0x35: {  	s31 =	sadd.s32 $0x10, s31;
	(xrf0) =	vmax.scan.msk.u32 $0xffff, v10;
	(v2sf) =	vpush v11, $0xF;
	_ =	sdelay $0x1  }
0x36: {  	s8 =	sadd.s32 $0x1, s8;
	v10 =	vld [tilespmem:s31+$0x0];
	s9 =	spop (v2sf)  }
0x37: {  	_ =	sdelay $0x2  }
0x38: {  	v10 =	vxor.u32 $0x80000000, v10  }
0x39: {  	(xrf0) =	vmax.scan.msk.u32 $0xffff, v10;
	_ =	sdelay $0x4  }
0x3a: {  	v10, _, _ =	vpop (xrf0)  }
0x3b: {  	(v2sf) =	vpush v10, $0xF;
	v10, _, _ =	vpop (xrf0)  }
0x3c: {  	(v2sf) =	vpush v10, $0xF;
	_ =	sdelay $0xa  }
0x3d: {  	s8 =	spop (v2sf);
	s11 =	simm.s32 $0x0  }
0x3e: {  	[tilespmem:s13], [sflag:$0xA] =	stream.linear.gather [hbm4b:s3+s11], $0x80, $0x38;
	[tilespmem:$0x1AA00] =	vst v63  }
0x3f: {  	s31 =	spop (v2sf)  }
0x40: {  	s10 =	spop (v2sf)  }
0x41: {  	s11 =	spop (v2sf)  }
0x42: {  	_ =	swait.ge [sflag:s12], $0x80  }
0x43: {  	s9 =	sxor.u32 $0x80000000, s9;
	[sflag:s12] =	ssyncset.done $0x0  }
0x44: {  	p1 =	slt.u32 s30, s6;
	s16 =	sadd.s32 s16, s9;
	[sflag:s12] =	ssyncadd.s32 $0xFFFFFF80  }
0x45: {  	s9 =	simm.s32 @!p1 $0x0;
	s8 =	sxor.u32 $0x80000000, s8;
	p1 =	slt.u32 s7, s6;
	v14 =	vld [tilespmem:$0x16A00]  }
0x46: {  	s9 =	sadd.s32 s14, s9;
	s30 =	sadd.s32 s16, s8;
	s8 =	simm.s32 @!p1 $0x0;
	v16 =	vld [tilespmem:$0x16A10]  }
0x47: {  	p2 =	slt.u32 s2, s6;
	s16 =	sadd.s32 s9, s8;
	s14 =	sxor.u32 $0x80000000, s31;
	v15 =	vld [tilespmem:$0x16A20]  }
0x48: {  	s31 =	sadd.s32 s30, s14;
	s14 =	simm.s32 @!p2 $0x0;
	s8 =	sxor.u32 $0x80000000, s10;
	v17 =	vld [tilespmem:$0x16A70]  }
0x49: {  	p1 =	slt.u32 s1, s6;
	s7 =	sadd.s32 s16, s14;
	s30 =	sadd.s32 s31, s8;
	v11 =	vld [tilespmem:$0x16A30]  }
0x4a: {  	s8 =	simm.s32 @!p1 $0x0;
	p1 =	slt.u32 s0, s6;
	s2 =	sxor.u32 $0x80000000, s11;
	v12 =	vld [tilespmem:$0x16A40]  }
0x4b: {  	s31 =	sadd.s32 s7, s8;
	s1 =	sadd.s32 s30, s2;
	s2 =	simm.s32 @!p1 $0x0;
	v13 =	vld [tilespmem:$0x16A50]  }
0x4c: {  	s7 =	simm.s32 $0x0;
	s0 =	sadd.s32 s31, s2;
	s2 =	simm.s32 $0x200;
	v10 =	vld [tilespmem:$0x16A60]  }
.LBB2_4:
0x4d: {  	p1 =	sne.s32 s2, $0xFC00;
	[tilespmem:s7+$0x16AF0] =	vst v17  }
0x4e: {  	[tilespmem:s7+$0x16A80] =	vst v14  }
0x4f: {  	[tilespmem:s7+$0x16A90] =	vst v16  }
.Ltmp3:
0x50: {  	[tilespmem:s7+$0x16AA0] =	vst v15;
	(pc) =	sbr.rel @p1 .LBB2_4-.Ltmp3, $4  }
0x51: {  	[tilespmem:s7+$0x16AB0] =	vst v11  }
0x52: {  	[tilespmem:s7+$0x16AC0] =	vst v12  }
0x53: {  	[tilespmem:s7+$0x16AD0] =	vst v13  }
0x54: {  	[tilespmem:s7+$0x16AE0] =	vst v10;
	s7 =	sshra.s32 s2, $0x2;
	s2 =	sadd.s32 $0x200, s2  }
0x55: {  	s2 =	sadd.s32 $0x7F, s1  }
0x56: {  	s8 =	sand.u32 $0x7F, s2  }
0x57: {  	s9 =	sshra.s32 s2, $0x1F;
	p1 =	slt.s32 s2, $0x1;
	p2 =	sne.s32 s8, $0x0  }
0x58: {  	s16 =	sshrl.u32 s9, $0x19;
	p1 =	por !p1, !p2  }
0x59: {  	s8 =	simm.s32 $0x1;
	s2 =	sadd.s32 s16, s2;
	p1 =	por !p1, !p1  }
0x5a: {  	[tilespmem:s7+$0x16AF0] =	vst v17;
	s2 =	sshra.s32 s2, $0x7;
	s8 =	simm.s32 @!p1 $0x0  }
0x5b: {  	[tilespmem:s7+$0x16A80] =	vst v14;
	s2 =	ssub.s32 s2, s8  }
0x5c: {  	v18 =	vlaneseq.u32 @!p0;
	[tilespmem:s7+$0x16A90] =	vst v16;
	s8 =	sshll.u32 @!p0 s2, $0x7  }
0x5d: {  	[tilespmem:s7+$0x16AA0] =	vst v15;
	v14 =	vor.u32 @!p0 $0x10, v18;
	v16 =	vadd.s32 @!p0 s1, v18;
	v19 =	vor.u32 @!p0 $0x32380, v18;
	s8 =	ssub.s32 @!p0 s8, s1  }
0x5e: {  	[tilespmem:s7+$0x16AC0] =	vst v12;
	v15 =	vor.u32 @!p0 $0x32390, v18;
	v20 =	vor.u32 @!p0 $0x20, v18;
	v17 =	vmov @!p0 s8  }
0x5f: {  	[tilespmem:s7+$0x16AD0] =	vst v13;
	v13 =	vor.u32 @!p0 $0x40, v18;
	v12 =	vadd.s32 @!p0 s1, v20;
	vm0 =	vgt.s32 @!p0 v17, v18  }
0x60: {  	[tilespmem:s7+$0x16AB0] =	vst v11;
	vm1 =	vgt.s32 @!p0 v17, v14;
	v14 =	vadd.s32 @!p0 s1, v14;
	v11 =	vsel @!p0 vm0, v16, v19  }
0x61: {  	v14 =	vsel @!p0 vm1, v14, v15;
	vm0 =	vgt.s32 @!p0 v17, v20;
	v15 =	vor.u32 @!p0 $0x323A0, v18  }
0x62: {  	v16 =	vor.u32 @!p0 $0x30, v18;
	vm1 =	vgt.s32 @!p0 v17, v13;
	v12 =	vsel @!p0 vm0, v12, v15  }
0x63: {  	[tilespmem:s7+$0x16AE0] =	vst v10;
	vm0 =	vgt.s32 @!p0 v17, v16;
	v10 =	vadd.s32 @!p0 s1, v16;
	v15 =	vor.u32 @!p0 $0x323B0, v18  }
0x64: {  	[tilespmem:$0x6980] =	vst @!p0 v11;
	v11 =	vadd.s32 @!p0 s1, v13;
	v13 =	vor.u32 @!p0 $0x323C0, v18;
	v16 =	vor.u32 @!p0 $0x50, v18  }
0x65: {  	[tilespmem:$0x6990] =	vst @!p0 v14;
	v14 =	vor.u32 @!p0 $0x60, v18;
	v10 =	vsel @!p0 vm0, v10, v15;
	v11 =	vsel @!p0 vm1, v11, v13  }
0x66: {  	vm0 =	vgt.s32 @!p0 v17, v16;
	[tilespmem:$0x69A0] =	vst @!p0 v12;
	v12 =	vadd.s32 @!p0 s1, v16;
	v13 =	vor.u32 @!p0 $0x323D0, v18  }
0x67: {  	vm1 =	vgt.s32 @!p0 v17, v14;
	[tilespmem:$0x69B0] =	vst @!p0 v10;
	v10 =	vadd.s32 @!p0 s1, v14;
	v14 =	vor.u32 @!p0 $0x323E0, v18  }
0x68: {  	v12 =	vsel @!p0 vm0, v12, v13;
	[tilespmem:$0x69C0] =	vst @!p0 v11;
	v11 =	vor.u32 @!p0 $0x70, v18;
	v10 =	vsel @!p0 vm1, v10, v14  }
0x69: {  	[tilespmem:$0x69D0] =	vst @!p0 v12;
	vm0 =	vgt.s32 @!p0 v17, v11;
	v11 =	vadd.s32 @!p0 s1, v11;
	v12 =	vor.u32 @!p0 $0x323F0, v18  }
0x6a: {  	s7 =	simm.s32 @!p0 $0x6980;
	[tilespmem:$0x69E0] =	vst @!p0 v10;
	v10 =	vsel @!p0 vm0, v11, v12  }
0x6b: {  	s31 =	sadd.s32 s2, s6;
	s8 =	simm.s32 @!p0 $0x16A00;
	s1 =	simm.s32 @!p0 $0x80;
	[tilespmem:$0x69F0] =	vst @!p0 v10  }
0x6c: {  	[hbm4b:s4+s1] =	stream.indirect.scatter @!p0 [tilespmem:s8], [sflag:$0x9], $0x80, s7, s1, $0xb8;
	[tilespmem:$0x1AA00] =	vst v63  }
0x6d: {  	s8 =	sshll.u32 s31, $0x7  }
0x6e: {  	p1 =	slt.s32 s8, $0x32400  }
.Ltmp4:
0x6f: {  	_ = 	snop;
	(pc) =	sbr.rel @!p1 .LBB2_7-.Ltmp4, $2  }
0x70: {  	_ =	sdelay $0x2  }
0x71: {  	s30 =	simm.s32 $0x0;
	s1 =	simm.s32 $0x0;
	s7 =	smov.u32 s6  }
.LBB2_6:
0x72: {  	p1 =	slt.s32 s8, $0x32380  }
0x73: {  	s8 =	simm.s32 @!p1 $0x32380  }
0x74: {  	s7 =	sadd.s32 $0x20, s7;
	s8 =	sshll.u32 s8, $0x4  }
0x75: {  	s31 =	sadd.s32 s2, s7;
	s8 =	sadd.s32 s4, s8  }
0x76: {  	[hbm4b:s8+s5] =	stream.linear.scatter [tilespmem:s13], [sflag:$0x9], $0x4000, $0x38;
	[tilespmem:$0x1AA00] =	vst v63  }
0x77: {  	s8 =	sshll.u32 s31, $0x7  }
0x78: {  	p1 =	slt.s32 s8, $0x32400  }
.Ltmp5:
0x79: {  	_ = 	snop;
	(pc) =	sbr.rel @p1 .LBB2_6-.Ltmp5, $2  }
0x7a: {  	_ =	sdelay $0x2  }
0x7b: {  	s30 =	sadd.s32 $0x1, s30  }
.LBB2_7:
0x7c: {  	s2 =	sand.u32 $0x7E00, s1  }
0x7d: {  	s7 =	sand.u32 $0x70, s1;
	s8 =	sshrl.u32 s2, $0x2  }
0x7e: {  	s2 =	simm.s32 $0x40;
	s7 =	sor.u32 s7, s8  }
.LBB2_8:
0x7f: {  	p1 =	sne.s32 s2, $0x63C0  }
0x80: {  	[tilespmem:s7+$0x4980] =	vst v1;
	s1 =	sadd.s32 $0x10, s1;
	s7 =	smov.u32 s2;
	s2 =	sadd.s32 $0x40, s2  }
.Ltmp6:
0x81: {  	(pc) =	sbr.rel @p1 .LBB2_8-.Ltmp6, $4  }
0x82: {  	_ = 	snop  }
0x83: {  	s7 =	sand.u32 $0x7E00, s7  }
0x84: {  	s8 =	sand.u32 $0x70, s1;
	s7 =	sshrl.u32 s7, $0x2  }
0x85: {  	s7 =	sor.u32 s8, s7  }
0x86: {  	[tilespmem:s7+$0x4980] =	vst v1;
	s2 =	simm.s32 $0x0;
	s1 =	rddreg [dreg:$0x5]  }
0x87: {  	[tilespmem:s2], [sflag:$0xA] =	stream.linear.gather [hbm4b:s1+s2], $0x1870, $0x38;
	[tilespmem:$0x1AA00] =	vst v63  }
0x88: {  	_ =	swait.ge [sflag:s12], $0x1870  }
0x89: {  	[sflag:s12] =	ssyncset.done $0x0  }
0x8a: {  	s16 =	simm.s32 $0x1880;
	s14 =	rddreg [dreg:$0x6];
	[sflag:s12] =	ssyncadd.s32 $0xFFFFE790  }
0x8b: {  	[tilespmem:s16], [sflag:$0xA] =	stream.linear.gather [hbm4b:s14+s2], $0x1870, $0x38;
	[tilespmem:$0x1AA00] =	vst v63  }
0x8c: {  	_ =	swait.ge [sflag:s12], $0x1870  }
0x8d: {  	[sflag:s12] =	ssyncset.done $0x0  }
0x8e: {  	s1 =	simm.s32 $0x0;
	[sflag:s12] =	ssyncadd.s32 $0xFFFFE790  }
0x8f: {  	v10 =	vld [tilespmem:s1+$0x0]  }
0x90: {  	v11 =	vld [tilespmem:s1+$0x1880];
	_ =	sdelay $0x4  }
0x91: {  	v10 =	vadd.s32 v10, v11  }
0x92: {  	vm0 =	vgt.s32 v10, $0x0  }
0x93: {  	v10 =	vsel vm0, $0x1, v1  }
0x94: {  	(xrf0) =	vadd.scan.msk.s32 $0xffff, v10;
	_ =	sdelay $0x5  }
0x95: {  	v11, _, _ =	vpop (xrf0)  }
0x96: {  	(v2sf) =	vpush v11, $0xF  }
0x97: {  	v10 =	vsub.s32 v11, v10  }
0x98: {  	v12 =	vadd.s32 s2, v10  }
0x99: {  	v10 =	vshra.s32 v12, $0x1F  }
0x9a: {  	v10 =	vshrl.u32 v10, $0x19  }
0x9b: {  	v10 =	vadd.s32 v10, v12  }
0x9c: {  	v10 =	vshra.s32 v10, $0x7  }
0x9d: {  	v11 =	vshll.u32 v10, $0x7  }
0x9e: {  	vm1 =	vlt.s32 v12, $0x1;
	vm2 =	vne.s32 v12, v11  }
0x9f: {  	vm1 =	vmand vm1, vm2  }
0xa0: {  	v11 =	vsel vm1, $0xFFFFFFFF, v1  }
0xa1: {  	v11 =	vadd.s32 v11, v10  }
0xa2: {  	v13 =	vand.u32 $0x7F, v12;
	v11 =	vshll.u32 v11, $0x7  }
0xa3: {  	v11 =	vor.u32 v13, v11;
	_ =	sdelay $0x1  }
0xa4: {  	s2 =	rddreg [dreg:$0x9];
	v10 =	vmov s0;
	s31 =	spop (v2sf)  }
0xa5: {  	s7 =	simm.s32 $0x40;
	s8 =	simm.s32 $0x80;
	v12 =	vadd.s32 v10, v12;
	v13 =	vor.u32 s2, v0;
	s0 =	sadd.s32 $0x0, s31  }
.LBB2_10:
0xa6: {  	s9 =	sshra.s32 s7, $0x2  }
0xa7: {  	[tilespmem:v11+s15+$0x0] =	vst.idx.msk vm0, v13;
	s2 =	sadd.s32 $0x10, s2;
	s7 =	smov.u32 s8;
	s14 =	sadd.s32 $0x40, s8  }
0xa8: {  	p1 =	sne.s32 s8, $0x6180;
	v11 =	vld [tilespmem:s9+$0x0];
	[tilespmem:s1+$0x3100] =	vst v12;
	s1 =	smov.u32 s9  }
0xa9: {  	v12 =	vld [tilespmem:s1+$0x1880];
	_ =	sdelay $0x4  }
0xaa: {  	v11 =	vadd.s32 v11, v12  }
0xab: {  	vm0 =	vgt.s32 v11, $0x0  }
0xac: {  	v11 =	vsel vm0, $0x1, v1  }
0xad: {  	(xrf0) =	vadd.scan.msk.s32 $0xffff, v11;
	_ =	sdelay $0x5  }
0xae: {  	v12, _, _ =	vpop (xrf0)  }
0xaf: {  	v11 =	vsub.s32 v12, v11;
	(v2sf) =	vpush v12, $0xF  }
0xb0: {  	v12 =	vadd.s32 s0, v11  }
0xb1: {  	v11 =	vshra.s32 v12, $0x1F  }
0xb2: {  	v11 =	vshrl.u32 v11, $0x19  }
0xb3: {  	v11 =	vadd.s32 v11, v12  }
0xb4: {  	v11 =	vshra.s32 v11, $0x7  }
0xb5: {  	vm1 =	vlt.s32 v12, $0x1;
	v13 =	vshll.u32 v11, $0x7  }
0xb6: {  	vm2 =	vne.s32 v12, v13  }
0xb7: {  	vm1 =	vmand vm1, vm2  }
0xb8: {  	v13 =	vsel vm1, $0xFFFFFFFF, v1  }
0xb9: {  	v11 =	vadd.s32 v13, v11;
	v13 =	vand.u32 $0x7F, v12  }
0xba: {  	v11 =	vshll.u32 v11, $0x7  }
.Ltmp7:
0xbb: {  	v11 =	vor.u32 v13, v11;
	(pc) =	sbr.rel @p1 .LBB2_10-.Ltmp7, $3  }
0xbc: {  	_ =	sdelay $0x1  }
0xbd: {  	v13 =	vor.u32 s2, v0;
	s8 =	spop (v2sf)  }
0xbe: {  	v12 =	vadd.s32 v10, v12;
	s0 =	sadd.s32 s0, s8;
	s8 =	smov.u32 s14  }
0xbf: {  	_ =	sdelay $0x4  }
0xc0: {  	s7 =	sshra.s32 s7, $0x2;
	[tilespmem:v11+s15+$0x0] =	vst.idx.msk vm0, v13  }
0xc1: {  	v11 =	vld [tilespmem:s7+$0x0];
	[tilespmem:s1+$0x3100] =	vst v12  }
0xc2: {  	v12 =	vld [tilespmem:s7+$0x1880];
	_ =	sdelay $0x4  }
0xc3: {  	v11 =	vadd.s32 v11, v12  }
0xc4: {  	vm15 =	vgt.s32 v11, $0x0  }
0xc5: {  	v11 =	vsel vm15, $0x1, v1  }
0xc6: {  	(xrf0) =	vadd.scan.msk.s32 $0xffff, v11;
	_ =	sdelay $0x5  }
0xc7: {  	v58, _, _ =	vpop (xrf0)  }
0xc8: {  	v11 =	vsub.s32 v58, v11;
	(v2sf) =	vpush v58, $0xF  }
0xc9: {  	v11 =	vadd.s32 s0, v11  }
0xca: {  	v59 =	vshra.s32 v11, $0x1F  }
0xcb: {  	v12 =	vshrl.u32 v59, $0x19  }
0xcc: {  	v12 =	vadd.s32 v12, v11  }
0xcd: {  	v12 =	vshra.s32 v12, $0x7  }
0xce: {  	v60 =	vshll.u32 v12, $0x7  }
0xcf: {  	vm1 =	vlt.s32 v11, $0x1;
	vm2 =	vne.s32 v11, v60  }
0xd0: {  	vm1 =	vmand vm1, vm2  }
0xd1: {  	v61 =	vsel vm1, $0xFFFFFFFF, v1  }
0xd2: {  	v12 =	vadd.s32 v61, v12  }
0xd3: {  	v62 =	vand.u32 $0x7F, v11;
	v12 =	vshll.u32 v12, $0x7  }
0xd4: {  	v12 =	vor.u32 v62, v12;
	_ =	sdelay $0x2  }
0xd5: {  	s9 =	sadd.s32 $0x10, s2;
	s10 =	spop (v2sf)  }
0xd6: {  	v63 =	vor.u32 s9, v0;
	s1 =	sadd.s32 s0, s10  }
0xd7: {  	v11 =	vadd.s32 v10, v11;
	[tilespmem:v12+s15+$0x0] =	vst.idx.msk vm15, v63;
	s16 =	sadd.s32 $0x7F, s1  }
0xd8: {  	s11 =	rddreg [dreg:$0x7];
	s14 =	simm.s32 $0x3100;
	[tilespmem:s7+$0x3100] =	vst v11;
	s8 =	sand.u32 $0x7F, s16  }
0xd9: {  	[hbm4b:s11+s5] =	stream.linear.scatter [tilespmem:s14], [sflag:$0xA], $0x1870, $0x38;
	[tilespmem:$0x1AA00] =	vst v63  }
0xda: {  	s9 =	sshra.s32 s16, $0x1F;
	p1 =	slt.s32 s16, $0x1;
	p2 =	sne.s32 s8, $0x0  }
0xdb: {  	s10 =	sshrl.u32 s9, $0x19;
	p1 =	por !p1, !p2  }
0xdc: {  	s2 =	simm.s32 $0x1;
	s0 =	sadd.s32 s10, s16;
	p1 =	por !p1, !p1  }
0xdd: {  	_ =	swait.ge [sflag:s12], $0x1870;
	s0 =	sshra.s32 s0, $0x7;
	s2 =	simm.s32 @!p1 $0x0  }
0xde: {  	[sflag:s12] =	ssyncset.done $0x0;
	s31 =	ssub.s32 s0, s2  }
0xdf: {  	[sflag:s12] =	ssyncadd.s32 $0xFFFFE790;
	p1 =	slt.s32 s31, $0x1  }
0xe0: {  	s11 =	sadd.s32 $0x5, s31;
	s0 =	simm.s32 @!p1 $0x80;
	s2 =	simm.s32 @!p1 $0x4980  }
0xe1: {  	s7 =	simm.s32 @!p1 $0x6A00;
	p2 =	seq.s32 @!p1 s31, $0x1;
	s14 =	sand.u32 $0x3, s11  }
0xe2: {  	[tilespmem:s7], [sflag:$0x1] =	stream.indirect.gather @!p1 [hbm4b:s3+s0], $0x80, s2, s0, $0xb8;
	[tilespmem:$0x1AA00] =	vst v63  }
0xe3: {  	p5 =	slt.s32 s31, $0xFFFFFFFC;
	p1 =	por p2, p1;
	p6 =	sne.s32 s14, $0x0  }
0xe4: {  	s0 =	simm.s32 @!p1 $0x80;
	s2 =	simm.s32 @!p1 $0x4A00;
	s7 =	simm.s32 @!p1 $0xAA00  }
0xe5: {  	[tilespmem:s7], [sflag:$0x2] =	stream.indirect.gather @!p1 [hbm4b:s3+s0], $0x80, s2, s0, $0xb8;
	[tilespmem:$0x1AA00] =	vst v63  }
0xe6: {  	s16 =	sshrl.u32 s11, $0x1E;
	p1 =	por !p5, !p6  }
0xe7: {  	s0 =	sadd.s32 s16, s11;
	s2 =	simm.s32 $0x1;
	p1 =	por !p1, !p1  }
0xe8: {  	s0 =	sshra.s32 s0, $0x2;
	s2 =	simm.s32 @!p1 $0x0  }
0xe9: {  	s2 =	ssub.s32 s0, s2  }
0xea: {  	p1 =	slt.s32 s2, $0x1  }
.Ltmp8:
0xeb: {  	_ = 	snop;
	(pc) =	sbr.rel @p1 .LBB2_14-.Ltmp8, $1  }
0xec: {  	_ =	sdelay $0x3  }
0xed: {  	s0 =	sadd.s32 $0x2, s31  }
0xee: {  	v11 =	vmov s1;
	s1 =	simm.s32 $0x0;
	s14 =	simm.s32 $0x2;
	s16 =	simm.s32 $0x4B00  }
.LBB2_13:
0xef: {  	s7 =	sadd.s32 $0xFFFFFFFE, s14;
	p3 =	seq.s32 s14, $0x2  }
0xf0: {  	p1 =	sge.s32 @!p3 s7, s0  }
0xf1: {  	p4 =	por p1, p3  }
0xf2: {  	p2 =	sge.s32 s7, s31;
	s8 =	simm.s32 @!p4 $0x7  }
0xf3: {  	v12 =	vlaneseq.u32 @!p2;
	p1 =	sge.s32 s14, s31;
	s7 =	sadd.s32 @!p2 $0x10, s1;
	_ =	swait.ge @!p4 [sflag:s8], $0x4000  }
0xf4: {  	s10 =	sadd.s32 @!p2 $0x20, s1;
	v13 =	vor.u32 @!p2 s1, v12;
	v14 =	vor.u32 @!p2 s7, v12;
	s7 =	simm.s32 @!p1 $0x80;
	v15 =	vor.u32 @!p2 $0x32380, v12;
	[sflag:s8] =	ssyncset.done @!p4 $0x0  }
0xf5: {  	s9 =	simm.s32 @!p1 $0xEA00;
	v16 =	vor.u32 @!p2 $0x32390, v12;
	v17 =	vor.u32 @!p2 s10, v12;
	vm0 =	vlt.s32 @!p2 v13, v11;
	[sflag:s8] =	ssyncadd.s32 @!p4 $0xFFFFC000;
	s8 =	sadd.s32 @!p1 $0xFFFFFF80, s16  }
0xf6: {  	v13 =	vadd.s32 @!p2 v10, v13;
	vm1 =	vlt.s32 @!p2 v14, v11;
	v14 =	vadd.s32 @!p2 v10, v14;
	[tilespmem:s9], [sflag:$0x3] =	stream.indirect.gather @!p1 [hbm4b:s3+s7], $0x80, s8, s7, $0xb8;
	[tilespmem:$0x1AA00] =	vst v63  }
0xf7: {  	v13 =	vsel @!p2 vm0, v13, v15;
	v14 =	vsel @!p2 vm1, v14, v16;
	vm0 =	vlt.s32 @!p2 v17, v11;
	s7 =	simm.s32 @!p2 $0x1;
	s8 =	sadd.s32 @!p2 $0x30, s1  }
0xf8: {  	v15 =	vadd.s32 @!p2 v10, v17;
	v16 =	vor.u32 @!p2 $0x323A0, v12;
	_ =	swait.ge @!p2 [sflag:s7], $0x4000;
	v17 =	vor.u32 @!p2 s8, v12;
	s8 =	sadd.s32 @!p2 $0x40, s1  }
0xf9: {  	v18 =	vor.u32 @!p2 $0x323B0, v12;
	v15 =	vsel @!p2 vm0, v15, v16;
	[sflag:s7] =	ssyncset.done @!p2 $0x0;
	v16 =	vor.u32 @!p2 s8, v12  }
0xfa: {  	vm0 =	vlt.s32 @!p2 v17, v11;
	v17 =	vadd.s32 @!p2 v10, v17;
	[sflag:s7] =	ssyncadd.s32 @!p2 $0xFFFFC000;
	vm1 =	vlt.s32 @!p2 v16, v11;
	s7 =	sadd.s32 @!p2 $0x50, s1  }
0xfb: {  	[tilespmem:$0x6780] =	vst @!p2 v13;
	v13 =	vadd.s32 @!p2 v10, v16;
	v16 =	vor.u32 @!p2 $0x323C0, v12;
	v19 =	vor.u32 @!p2 s7, v12  }
0xfc: {  	[tilespmem:$0x6790] =	vst @!p2 v14;
	v14 =	vsel @!p2 vm0, v17, v18;
	s7 =	sadd.s32 @!p2 $0x60, s1;
	v13 =	vsel @!p2 vm1, v13, v16;
	vm0 =	vlt.s32 @!p2 v19, v11  }
0xfd: {  	[tilespmem:$0x67A0] =	vst @!p2 v15;
	v15 =	vadd.s32 @!p2 v10, v19;
	v16 =	vor.u32 @!p2 $0x323D0, v12;
	v17 =	vor.u32 @!p2 s7, v12  }
0xfe: {  	[tilespmem:$0x67B0] =	vst @!p2 v14;
	s7 =	sadd.s32 @!p2 $0x70, s1;
	vm1 =	vlt.s32 @!p2 v17, v11;
	v14 =	vadd.s32 @!p2 v10, v17;
	v17 =	vor.u32 @!p2 $0x323E0, v12  }
0xff: {  	v15 =	vsel @!p2 vm0, v15, v16;
	[tilespmem:$0x67C0] =	vst @!p2 v13;
	v13 =	vor.u32 @!p2 s7, v12;
	v12 =	vor.u32 @!p2 $0x323F0, v12  }
0x100: {  	v14 =	vsel @!p2 vm1, v14, v17;
	[tilespmem:$0x67D0] =	vst @!p2 v15;
	vm0 =	vlt.s32 @!p2 v13, v11;
	v13 =	vadd.s32 @!p2 v10, v13  }
0x101: {  	[tilespmem:$0x67E0] =	vst @!p2 v14;
	v12 =	vsel @!p2 vm0, v13, v12  }
0x102: {  	s9 =	simm.s32 @!p2 $0x6A00;
	s8 =	simm.s32 @!p2 $0x6780;
	s7 =	simm.s32 @!p2 $0x80;
	[tilespmem:$0x67F0] =	vst @!p2 v12  }
0x103: {  	[hbm4b:s4+s7] =	stream.indirect.scatter @!p2 [tilespmem:s9], [sflag:$0x5], $0x80, s8, s7, $0xb8;
	[tilespmem:$0x1AA00] =	vst v63  }
0x104: {  	s8 =	sadd.s32 $0xFFFFFFFF, s14  }
0x105: {  	p4 =	sge.s32 @!p3 s8, s0  }
0x106: {  	p4 =	por p4, p3  }
0x107: {  	s11 =	sadd.s32 $0x1, s14;
	s9 =	simm.s32 @!p4 $0x8  }
0x108: {  	p3 =	sge.s32 s11, s31;
	_ =	swait.ge @!p4 [sflag:s9], $0x4000  }
0x109: {  	s10 =	simm.s32 @!p3 $0x12A00;
	[sflag:s9] =	ssyncset.done @!p4 $0x0  }
0x10a: {  	[sflag:s9] =	ssyncadd.s32 @!p4 $0xFFFFC000;
	s9 =	simm.s32 @!p3 $0x80;
	p4 =	sge.s32 s8, s31  }
0x10b: {  	[tilespmem:s10], [sflag:$0x4] =	stream.indirect.gather @!p3 [hbm4b:s3+s9], $0x80, s16, s9, $0xb8;
	[tilespmem:$0x1AA00] =	vst v63  }
0x10c: {  	s8 =	sadd.s32 @!p4 $0x80, s1  }
0x10d: {  	v12 =	vor.u32 @!p4 s8, v0;
	s8 =	sadd.s32 @!p4 $0x90, s1  }
0x10e: {  	vm0 =	vlt.s32 @!p4 v12, v11;
	v12 =	vadd.s32 @!p4 v10, v12;
	v13 =	vor.u32 @!p4 s8, v0;
	s8 =	sadd.s32 @!p4 $0xA0, s1  }
0x10f: {  	_ =	swait.ge @!p4 [sflag:s17], $0x4000;
	v12 =	vsel @!p4 vm0, v12, v2;
	v14 =	vor.u32 @!p4 s8, v0  }
0x110: {  	[sflag:s17] =	ssyncset.done @!p4 $0x0;
	vm0 =	vlt.s32 @!p4 v13, v11;
	v13 =	vadd.s32 @!p4 v10, v13;
	vm1 =	vlt.s32 @!p4 v14, v11  }
0x111: {  	s8 =	sadd.s32 @!p4 $0xB0, s1;
	[sflag:s17] =	ssyncadd.s32 @!p4 $0xFFFFC000;
	v14 =	vadd.s32 @!p4 v10, v14;
	v13 =	vsel @!p4 vm0, v13, v3  }
0x112: {  	v15 =	vor.u32 @!p4 s8, v0;
	s8 =	sadd.s32 @!p4 $0xC0, s1;
	[tilespmem:$0x6800] =	vst @!p4 v12;
	v14 =	vsel @!p4 vm1, v14, v4  }
0x113: {  	vm0 =	vlt.s32 @!p4 v15, v11;
	v12 =	vadd.s32 @!p4 v10, v15;
	v15 =	vor.u32 @!p4 s8, v0;
	s8 =	sadd.s32 @!p4 $0xD0, s1;
	[tilespmem:$0x6810] =	vst @!p4 v13  }
0x114: {  	v12 =	vsel @!p4 vm0, v12, v5;
	vm0 =	vlt.s32 @!p4 v15, v11;
	v13 =	vor.u32 @!p4 s8, v0;
	[tilespmem:$0x6820] =	vst @!p4 v14  }
0x115: {  	v14 =	vadd.s32 @!p4 v10, v15;
	s8 =	sadd.s32 @!p4 $0xE0, s1;
	vm1 =	vlt.s32 @!p4 v13, v11;
	v13 =	vadd.s32 @!p4 v10, v13  }
0x116: {  	v14 =	vsel @!p4 vm0, v14, v6;
	[tilespmem:$0x6830] =	vst @!p4 v12;
	v12 =	vsel @!p4 vm1, v13, v7;
	v13 =	vor.u32 @!p4 s8, v0;
	s8 =	sadd.s32 @!p4 $0xF0, s1  }
0x117: {  	[tilespmem:$0x6840] =	vst @!p4 v14;
	vm0 =	vlt.s32 @!p4 v13, v11;
	v13 =	vadd.s32 @!p4 v10, v13;
	v14 =	vor.u32 @!p4 s8, v0  }
0x118: {  	[tilespmem:$0x6850] =	vst @!p4 v12;
	v12 =	vsel @!p4 vm0, v13, v8;
	vm0 =	vlt.s32 @!p4 v14, v11;
	v13 =	vadd.s32 @!p4 v10, v14  }
0x119: {  	[tilespmem:$0x6860] =	vst @!p4 v12;
	v12 =	vsel @!p4 vm0, v13, v9  }
0x11a: {  	s8 =	simm.s32 @!p2 $0x5;
	[tilespmem:$0x6870] =	vst @!p4 v12  }
0x11b: {  	[hbm4b:s4+s18] =	stream.indirect.scatter @!p4 [tilespmem:s20], [sflag:$0x6], $0x80, s19, s18, $0xb8;
	[tilespmem:$0x1AA00] =	vst v63  }
0x11c: {  	_ =	swait.ge @!p2 [sflag:s8], $0x4000  }
0x11d: {  	s10 =	sadd.s32 $0x2, s14;
	[sflag:s8] =	ssyncset.done @!p2 $0x0  }
0x11e: {  	[sflag:s8] =	ssyncadd.s32 @!p2 $0xFFFFC000;
	p2 =	sge.s32 s10, s31  }
0x11f: {  	s8 =	sadd.s32 @!p2 $0x80, s16;
	s9 =	simm.s32 @!p2 $0x80;
	s10 =	simm.s32 @!p2 $0x6A00  }
0x120: {  	[tilespmem:s10], [sflag:$0x1] =	stream.indirect.gather @!p2 [hbm4b:s3+s9], $0x80, s8, s9, $0xb8;
	[tilespmem:$0x1AA00] =	vst v63  }
0x121: {  	s8 =	sadd.s32 @!p1 $0x100, s1  }
0x122: {  	v12 =	vor.u32 @!p1 s8, v0;
	s8 =	sadd.s32 @!p1 $0x110, s1  }
0x123: {  	vm0 =	vlt.s32 @!p1 v12, v11;
	v12 =	vadd.s32 @!p1 v10, v12;
	v13 =	vor.u32 @!p1 s8, v0;
	s8 =	sadd.s32 @!p1 $0x120, s1  }
0x124: {  	_ =	swait.ge @!p1 [sflag:s21], $0x4000;
	v12 =	vsel @!p1 vm0, v12, v2;
	v14 =	vor.u32 @!p1 s8, v0  }
0x125: {  	[sflag:s21] =	ssyncset.done @!p1 $0x0;
	vm0 =	vlt.s32 @!p1 v13, v11;
	v13 =	vadd.s32 @!p1 v10, v13;
	vm1 =	vlt.s32 @!p1 v14, v11  }
0x126: {  	s8 =	sadd.s32 @!p1 $0x130, s1;
	[sflag:s21] =	ssyncadd.s32 @!p1 $0xFFFFC000;
	v14 =	vadd.s32 @!p1 v10, v14;
	v13 =	vsel @!p1 vm0, v13, v3  }
0x127: {  	v15 =	vor.u32 @!p1 s8, v0;
	s8 =	sadd.s32 @!p1 $0x140, s1;
	[tilespmem:$0x6880] =	vst @!p1 v12;
	v14 =	vsel @!p1 vm1, v14, v4  }
0x128: {  	vm0 =	vlt.s32 @!p1 v15, v11;
	v12 =	vadd.s32 @!p1 v10, v15;
	v15 =	vor.u32 @!p1 s8, v0;
	s8 =	sadd.s32 @!p1 $0x150, s1;
	[tilespmem:$0x6890] =	vst @!p1 v13  }
0x129: {  	v12 =	vsel @!p1 vm0, v12, v5;
	vm0 =	vlt.s32 @!p1 v15, v11;
	v13 =	vor.u32 @!p1 s8, v0;
	[tilespmem:$0x68A0] =	vst @!p1 v14  }
0x12a: {  	v14 =	vadd.s32 @!p1 v10, v15;
	s8 =	sadd.s32 @!p1 $0x160, s1;
	vm1 =	vlt.s32 @!p1 v13, v11;
	v13 =	vadd.s32 @!p1 v10, v13  }
0x12b: {  	v14 =	vsel @!p1 vm0, v14, v6;
	[tilespmem:$0x68B0] =	vst @!p1 v12;
	v12 =	vsel @!p1 vm1, v13, v7;
	v13 =	vor.u32 @!p1 s8, v0;
	s8 =	sadd.s32 @!p1 $0x170, s1  }
0x12c: {  	[tilespmem:$0x68C0] =	vst @!p1 v14;
	vm0 =	vlt.s32 @!p1 v13, v11;
	v13 =	vadd.s32 @!p1 v10, v13;
	v14 =	vor.u32 @!p1 s8, v0  }
0x12d: {  	[tilespmem:$0x68D0] =	vst @!p1 v12;
	v12 =	vsel @!p1 vm0, v13, v8;
	vm0 =	vlt.s32 @!p1 v14, v11;
	v13 =	vadd.s32 @!p1 v10, v14  }
0x12e: {  	[tilespmem:$0x68E0] =	vst @!p1 v12;
	v12 =	vsel @!p1 vm0, v13, v9  }
0x12f: {  	[tilespmem:$0x68F0] =	vst @!p1 v12  }
0x130: {  	[hbm4b:s4+s18] =	stream.indirect.scatter @!p1 [tilespmem:s23], [sflag:$0x7], $0x80, s22, s18, $0xb8;
	[tilespmem:$0x1AA00] =	vst v63  }
0x131: {  	p1 =	sge.s32 s11, s0  }
0x132: {  	s7 =	simm.s32 @!p1 $0x6  }
0x133: {  	_ =	swait.ge @!p1 [sflag:s7], $0x4000  }
0x134: {  	s11 =	sadd.s32 $0x3, s14;
	[sflag:s7] =	ssyncset.done @!p1 $0x0  }
0x135: {  	[sflag:s7] =	ssyncadd.s32 @!p1 $0xFFFFC000;
	p1 =	sge.s32 s11, s31  }
0x136: {  	s7 =	sadd.s32 @!p1 $0x100, s16;
	s8 =	simm.s32 @!p1 $0x80;
	s9 =	simm.s32 @!p1 $0xAA00  }
0x137: {  	[tilespmem:s9], [sflag:$0x2] =	stream.indirect.gather @!p1 [hbm4b:s3+s8], $0x80, s7, s8, $0xb8;
	[tilespmem:$0x1AA00] =	vst v63  }
0x138: {  	s7 =	sadd.s32 @!p3 $0x180, s1  }
0x139: {  	v12 =	vor.u32 @!p3 s7, v0;
	s7 =	sadd.s32 @!p3 $0x190, s1  }
0x13a: {  	vm0 =	vlt.s32 @!p3 v12, v11;
	v12 =	vadd.s32 @!p3 v10, v12;
	v13 =	vor.u32 @!p3 s7, v0;
	s7 =	sadd.s32 @!p3 $0x1A0, s1  }
0x13b: {  	_ =	swait.ge @!p3 [sflag:s24], $0x4000;
	v12 =	vsel @!p3 vm0, v12, v2;
	v14 =	vor.u32 @!p3 s7, v0  }
0x13c: {  	[sflag:s24] =	ssyncset.done @!p3 $0x0;
	vm0 =	vlt.s32 @!p3 v13, v11;
	v13 =	vadd.s32 @!p3 v10, v13;
	vm1 =	vlt.s32 @!p3 v14, v11  }
0x13d: {  	s7 =	sadd.s32 @!p3 $0x1B0, s1;
	[sflag:s24] =	ssyncadd.s32 @!p3 $0xFFFFC000;
	v14 =	vadd.s32 @!p3 v10, v14;
	v13 =	vsel @!p3 vm0, v13, v3  }
0x13e: {  	v15 =	vor.u32 @!p3 s7, v0;
	s7 =	sadd.s32 @!p3 $0x1C0, s1;
	[tilespmem:$0x6900] =	vst @!p3 v12;
	v14 =	vsel @!p3 vm1, v14, v4  }
0x13f: {  	vm0 =	vlt.s32 @!p3 v15, v11;
	v12 =	vadd.s32 @!p3 v10, v15;
	v15 =	vor.u32 @!p3 s7, v0;
	s7 =	sadd.s32 @!p3 $0x1D0, s1;
	[tilespmem:$0x6910] =	vst @!p3 v13  }
0x140: {  	v12 =	vsel @!p3 vm0, v12, v5;
	vm0 =	vlt.s32 @!p3 v15, v11;
	v13 =	vor.u32 @!p3 s7, v0;
	[tilespmem:$0x6920] =	vst @!p3 v14  }
0x141: {  	s2 =	sadd.s32 $0xFFFFFFFF, s2;
	v14 =	vadd.s32 @!p3 v10, v15;
	s7 =	sadd.s32 @!p3 $0x1E0, s1;
	vm1 =	vlt.s32 @!p3 v13, v11;
	v13 =	vadd.s32 @!p3 v10, v13  }
0x142: {  	p1 =	seq.s32 s2, $0x0;
	v14 =	vsel @!p3 vm0, v14, v6;
	[tilespmem:$0x6930] =	vst @!p3 v12;
	v12 =	vsel @!p3 vm1, v13, v7;
	v13 =	vor.u32 @!p3 s7, v0;
	s7 =	sadd.s32 @!p3 $0x1F0, s1  }
.Ltmp9:
0x143: {  	[tilespmem:$0x6940] =	vst @!p3 v14;
	vm0 =	vlt.s32 @!p3 v13, v11;
	v13 =	vadd.s32 @!p3 v10, v13;
	v14 =	vor.u32 @!p3 s7, v0;
	(pc) =	sbr.rel @!p1 .LBB2_13-.Ltmp9, $4  }
0x144: {  	[tilespmem:$0x6950] =	vst @!p3 v12;
	v12 =	vsel @!p3 vm0, v13, v8;
	vm0 =	vlt.s32 @!p3 v14, v11;
	v13 =	vadd.s32 @!p3 v10, v14  }
0x145: {  	[tilespmem:$0x6960] =	vst @!p3 v12;
	v12 =	vsel @!p3 vm0, v13, v9  }
0x146: {  	s14 =	sadd.s32 $0x4, s14;
	s16 =	sadd.s32 $0x200, s16;
	s1 =	sadd.s32 $0x200, s1;
	[tilespmem:$0x6970] =	vst @!p3 v12  }
0x147: {  	[hbm4b:s4+s18] =	stream.indirect.scatter @!p3 [tilespmem:s26], [sflag:$0x8], $0x80, s25, s18, $0xb8;
	[tilespmem:$0x1AA00] =	vst v63  }
.LBB2_14:
0x148: {  	p1 =	sgt.s32 s30, $0x0  }
.Ltmp10:
0x149: {  	_ = 	snop;
	(pc) =	sbr.rel @!p1 .LBB2_18-.Ltmp10, $1  }
0x14a: {  	_ =	sdelay $0x3  }
0x14b: {  	p1 =	sne.s32 s30, $0x1  }
.Ltmp11:
0x14c: {  	_ = 	snop;
	(pc) =	sbr.rel @!p1 .LBB2_17-.Ltmp11, $3  }
0x14d: {  	_ =	sdelay $0x1  }
0x14e: {  	_ =	swait.ge [sflag:s28], $0x4000  }
0x14f: {  	s0 =	sadd.s32 $0xFFFFFFFF, s30;
	[sflag:s28] =	ssyncset.done $0x0  }
.LBB2_16:
0x150: {  	p1 =	sne.s32 s0, $0x1;
	s0 =	sadd.s32 $0xFFFFFFFF, s0;
	[sflag:s28] =	ssyncadd.s32 $0xFFFFC000  }
.Ltmp12:
0x151: {  	(pc) =	sbr.rel @p1 .LBB2_16-.Ltmp12, $3  }
0x152: {  	_ =	sdelay $0x1  }
0x153: {  	_ =	swait.ge [sflag:s28], $0x4000  }
0x154: {  	[sflag:s28] =	ssyncset.done $0x0  }
.Ltmp13:
0x155: {  	_ = 	snop;
	(pc) =	sbr.rel .LBB2_17-.Ltmp13, $1  }
0x156: {  	_ =	sdelay $0x3  }
.LBB2_19:
0x157: {  	_ =	sfence.sel $0x180000  }
0x158: {  	[bflag:$0x0] =	sbarrier.arrive $0xFFFF  }
0x159: {  	_ =	strace $0x9000004D  }
0x15a: {  	s0 =	stileid.u32;
	[bflag:$0x2] =	sbarrier.arrive $0xFFFF  }
0x15b: {  	p0 =	sne.s32 s0, $0x0;
	s0 =	rddreg [dreg:$0x4]  }
0x15c: {  	s0 =	sadd.s32 @!p0 $0x100000, s0  }
0x15d: {  	[sflag:s0] =	ssyncadd.tile.s32 @!p0 $0x1;
	_ =	shalt  }
.Lfunc_end2:
_tile_overlayer_lowered:
.L_overlay_start_2:
0x15e: {  	(tag) =	ssettag $0x2  }
0x15f: {  	s0 =	rddreg [dreg:$0x0];
	s2 =	stileid.u32  }
0x160: {  	s1 =	rddreg [dreg:$0x1];
	p0 =	sne.s32 s2, $0x0  }
0x161: {  	s3 =	rddreg [dreg:$0x2];
	[bflag:$0x3] =	sbarrier.arrive $0xFFFF;
	s2 =	simm.s32 @!p0 $0x1C0A  }
0x162: {  	[timem:s3], [sflag:s2] =	dma.local @!p0 [hbm:s0], s1  }
0x163: {  	s0 =	simm.s32 @!p0 $0xA  }
0x164: {  	_ =	swait.ge @!p0 [sflag:s0], s1  }
0x165: {  	s1 =	ssub.s32 @!p0 $0x0, s1;
	[sflag:s0] =	ssyncset.done @!p0 $0x0  }
0x166: {  	[sflag:s0] =	ssyncadd.s32 @!p0 s1  }
0x167: {  	[bflag:$0x3] =	sbarrier.arrive $0xFFFF  }
0x168: {  	_ =	shalt  }

// kernel: kernel.15.cloned.1.call-start
scs
__scs_entry_jumppad:
0x0: {  	(pc) =	sbr.rel $0x88, $3  }
0x1: {  	(tag) =	ssettag $0x0;
	lr =	simm.s32 $0x1  }
0x2: {  	[smem:$0x3F9C] =	sst lr;
	_ =	strace $0xD0000000  }
0x3: {  	_ = 	snop  }
0x4: {  	_ = 	snop  }
0x5: {  	_ = 	snop  }
0x6: {  	_ = 	snop  }
0x7: {  	_ = 	snop  }
__scs_overlays_trampoline_lowered:
0x8: {  	[smem:$0x3FAB] =	sst s0  }
0x9: {  	[smem:$0x3FAC] =	sst s1  }
0xa: {  	[smem:$0x3FAD] =	sst s2  }
0xb: {  	[smem:$0x3FAE] =	sst s3  }
0xc: {  	[smem:$0x3FAF] =	sst s4  }
0xd: {  	[smem:$0x3FB0] =	sst s5  }
0xe: {  	[smem:$0x3FB1] =	sst s6  }
0xf: {  	[smem:$0x3FB2] =	sst s7  }
0x10: {  	[smem:$0x3FB3] =	sst s8  }
0x11: {  	[smem:$0x3FB4] =	sst s9;
	s0 =	simm.s32 @!p0 $0x0  }
0x12: {  	s1 =	sld [smem:$0x3F9A];
	s0 =	simm.s32 @p0 $0x1  }
0x13: {  	[smem:$0x3FB5] =	sst s0;
	s0 =	simm.s32 @!p1 $0x0  }
0x14: {  	s2 =	sld [smem:$0x3F99];
	s0 =	simm.s32 @p1 $0x1  }
0x15: {  	[smem:$0x3FB6] =	sst s0;
	s0 =	simm.s32 @!p2 $0x0  }
0x16: {  	s3 =	sld [smem:$0x3FDB];
	s0 =	simm.s32 @p2 $0x1  }
0x17: {  	s4 =	simm.s32 $0x1BF5;
	[smem:$0x3FB8] =	sst s0  }
0x18: {  	s0 =	sld [smem:$0x3F9B];
	_ =	swait.ge [sflag:s4], $0x0  }
0x19: {  	s7 =	sld [smem:$0x3F9C]  }
0x1a: {  	s8 =	sadd.s32 $0xFFFFE003, lr  }
0x1b: {  	s9 =	sadd.s32 $0xFFFFFEF7, lr;
	s5 =	simm.s32 $0xFFFFFFFF;
	p2 =	slt.u32 s8, $0xFFFFF086  }
0x1c: {  	p1 =	slt.u32 s9, $0xF7A;
	s5 =	simm.s32 @!p2 $0x0  }
0x1d: {  	s5 =	simm.s32 @p1 $0x1;
	p0 =	seq.s32 s7, s2  }
0x1e: {  	s7 =	smul.u32 @!p0 $0xF7A, s2;
	p2 =	seq.s32 @!p0 s5, $0x0  }
0x1f: {  	s9 =	smul.u32 $0xF7A, s1;
	s8 =	simm.s32 @!p0 $0x1BF5;
	p2 =	por !p2, p0  }
0x20: {  	[sflag:s8] =	ssyncset.s32 @!p0 $0xFFFFF086;
	s6 =	sadd.s32 @!p0 s3, s7;
	s7 =	simm.s32 @!p0 $0x108  }
0x21: {  	s3 =	sadd.s32 s3, s9;
	s6 =	sadd.s32 @!p0 $0x88, s6;
	s7 =	simm.s32 @p2 $0x1082  }
0x22: {  	[simem:s7], [sflag:s8] =	dma.local @!p0 [hbm:s6], $0xF7A  }
0x23: {  	s9 =	sor.u32 $0xD0000000, s2;
	s6 =	simm.s32 $0x108;
	_ =	swait.ge @!p0 [sflag:s8], $0x0  }
0x24: {  	s3 =	sadd.s32 $0x88, s3;
	s6 =	simm.s32 @!p1 $0x1082;
	[sflag:s4] =	ssyncset.s32 $0xFFFFF086  }
0x25: {  	[simem:s6], [sflag:s4] =	dma.local [hbm:s3], $0xF7A  }
0x26: {  	[smem:$0x3F9C] =	sst s1;
	(tag) =	ssettag s2;
	_ =	strace s9  }
0x27: {  	s1 =	sld [smem:$0x3FAC]  }
0x28: {  	s2 =	sld [smem:$0x3FAD]  }
0x29: {  	s4 =	sld [smem:$0x3FAF]  }
0x2a: {  	p0 =	seq.s32 s5, $0x0;
	s5 =	sld [smem:$0x3FB0]  }
0x2b: {  	s6 =	sld [smem:$0x3FB1]  }
0x2c: {  	s7 =	sld [smem:$0x3FB2]  }
0x2d: {  	s3 =	simm.s32 $0x108;
	s8 =	sld [smem:$0x3FB3]  }
0x2e: {  	s3 =	simm.s32 @!p0 $0x1082;
	s9 =	sld [smem:$0x3FB4]  }
0x2f: {  	lr =	sadd.s32 s0, s3;
	s0 =	sld [smem:$0x3FAB]  }
0x30: {  	s3 =	sld [smem:$0x3FAE]  }
0x31: {  	[smem:$0x3FB7] =	sst s10  }
0x32: {  	s10 =	sld [smem:$0x3FB5];
	_ =	sdelay $0x3  }
0x33: {  	p0 =	seq.s32 s10, $0x1;
	s10 =	sld [smem:$0x3FB7];
	_ =	sdelay $0x3  }
0x34: {  	[smem:$0x3FB7] =	sst s10  }
0x35: {  	s10 =	sld [smem:$0x3FB6];
	_ =	sdelay $0x3  }
0x36: {  	p1 =	seq.s32 s10, $0x1;
	s10 =	sld [smem:$0x3FB7];
	_ =	sdelay $0x3  }
0x37: {  	[smem:$0x3FB7] =	sst s10  }
0x38: {  	s10 =	sld [smem:$0x3FB8]  }
0x39: {  	_ = 	snop;
	(pc) =	sbr.ind lr, $3  }
0x3a: {  	_ = 	snop  }
0x3b: {  	_ = 	snop  }
0x3c: {  	p2 =	seq.s32 s10, $0x1;
	s10 =	sld [smem:$0x3FB7]  }
0x3d: {  	_ =	shalt  }
0x3e: {  	_ =	shalt  }
0x3f: {  	_ =	shalt  }
0x40: {  	_ =	shalt  }
0x41: {  	_ =	shalt  }
0x42: {  	_ =	shalt  }
0x43: {  	_ =	shalt  }
0x44: {  	_ =	shalt  }
0x45: {  	_ =	shalt  }
0x46: {  	_ =	shalt  }
0x47: {  	_ =	shalt  }
0x48: {  	_ =	shalt  }
0x49: {  	_ =	shalt  }
0x4a: {  	_ =	shalt  }
0x4b: {  	_ =	shalt  }
0x4c: {  	_ =	shalt  }
0x4d: {  	_ =	shalt  }
0x4e: {  	_ =	shalt  }
0x4f: {  	_ =	shalt  }
0x50: {  	_ =	shalt  }
0x51: {  	_ =	shalt  }
0x52: {  	_ =	shalt  }
0x53: {  	_ =	shalt  }
0x54: {  	_ =	shalt  }
0x55: {  	_ =	shalt  }
0x56: {  	_ =	shalt  }
0x57: {  	_ =	shalt  }
0x58: {  	_ =	shalt  }
0x59: {  	_ =	shalt  }
0x5a: {  	_ =	shalt  }
0x5b: {  	_ =	shalt  }
0x5c: {  	_ =	shalt  }
0x5d: {  	_ =	shalt  }
0x5e: {  	_ =	shalt  }
0x5f: {  	_ =	shalt  }
0x60: {  	_ =	shalt  }
0x61: {  	_ =	shalt  }
0x62: {  	_ =	shalt  }
0x63: {  	_ =	shalt  }
0x64: {  	_ =	shalt  }
0x65: {  	_ =	shalt  }
0x66: {  	_ =	shalt  }
0x67: {  	_ =	shalt  }
0x68: {  	_ =	shalt  }
0x69: {  	_ =	shalt  }
0x6a: {  	_ =	shalt  }
0x6b: {  	_ =	shalt  }
0x6c: {  	_ =	shalt  }
0x6d: {  	_ =	shalt  }
0x6e: {  	_ =	shalt  }
0x6f: {  	_ =	shalt  }
0x70: {  	_ =	shalt  }
0x71: {  	_ =	shalt  }
0x72: {  	_ =	shalt  }
0x73: {  	_ =	shalt  }
0x74: {  	_ =	shalt  }
0x75: {  	_ =	shalt  }
0x76: {  	_ =	shalt  }
0x77: {  	_ =	shalt  }
0x78: {  	_ =	shalt  }
0x79: {  	_ =	shalt  }
0x7a: {  	_ =	shalt  }
0x7b: {  	_ =	shalt  }
0x7c: {  	_ =	shalt  }
0x7d: {  	_ =	shalt  }
0x7e: {  	_ =	shalt  }
0x7f: {  	_ =	shalt  }
0x80: {  	_ =	shalt  }
0x81: {  	_ =	shalt  }
0x82: {  	_ =	shalt  }
0x83: {  	_ =	shalt  }
0x84: {  	_ =	shalt  }
0x85: {  	_ =	shalt  }
0x86: {  	_ =	shalt  }
0x87: {  	_ =	shalt  }
.Lfunc_end0:
.L_simem_size_0:
called_computation.3_lowered:
.L_overlay_start_0:
0x88: {  	s2 =	sld [smem:$0x3FD9]  }
0x89: {  	s3 =	sld [smem:$0x3FFE];
	_ =	sdelay $0x1  }
0x8a: {  	s1 =	srdreg.scid  }
0x8b: {  	s0 =	sand.u32 $0x1, s1  }
0x8c: {  	s14 =	sshll.u32 s0, $0xA;
	s2 =	sadd.s32 s3, s2  }
0x8d: {  	s2 =	sadd.s32 s2, s14  }
0x8e: {  	[smem:$0x3FC3] =	sst s2  }
0x8f: {  	_ = 	snop  }
0x90: {  	s2 =	sld [smem:$0x3FD0];
	_ =	sdelay $0x2  }
0x91: {  	s15 =	simm.s32 $0xA;
	s4 =	simm.s32 $0x10  }
0x92: {  	[smem:s4], [sflag:s15] =	dma.local [hbm:s2], $0x1  }
0x93: {  	_ =	swait.eq [sflag:s15], $0x1  }
0x94: {  	[sflag:s15] =	ssyncset.done $0x0  }
0x95: {  	[sflag:s15] =	ssyncadd.s32 $0xFFFFFFFF  }
0x96: {  	s16 =	sld [smem:$0x11];
	(tm) =	ssettm $0x1  }
0x97: {  	s17 =	sld [smem:$0x3FFB];
	_ =	sdelay $0x3  }
0x98: {  	_ =	strace s17  }
0x99: {  	s3 =	sld [smem:$0x3FFC];
	_ =	sdelay $0x3  }
0x9a: {  	_ =	strace s3  }
0x9b: {  	s3 =	sld [smem:$0x3FFD];
	_ =	sdelay $0x3  }
0x9c: {  	_ =	strace s3  }
0x9d: {  	_ =	strace $0x8FFFFFFF  }
0x9e: {  	s18 =	sld [smem:$0x3FDB];
	_ =	sdelay $0x1  }
0x9f: {  	s19 =	simm.s32 $_scs_section_size  }
0xa0: {  	s5 =	simm.s32 $_size__tile_overlayer_lowered;
	s6 =	simm.s32 $_tile_overlayer_lowered  }
0xa1: {  	s22 =	simm.s32 $0x1BFF;
	s21 =	sshll.u32 s6, $0x1;
	s3 =	sadd.s32 s19, s18  }
0xa2: {  	s7 =	simm.s32 $0x0;
	s20 =	sshll.u32 s5, $0x1;
	s5 =	sadd.s32 s21, s3  }
0xa3: {  	[timem:s7], [sflag:s22] =	dma.local [hbm:s5], s20  }
0xa4: {  	_ =	swait.ge [sflag:s22], s20  }
0xa5: {  	s4 =	ssub.s32 $0x0, s20;
	[sflag:s22] =	ssyncset.done $0x0  }
0xa6: {  	[sflag:s22] =	ssyncadd.s32 s4;
	_ =	sdelay $0x1  }
0xa7: {  	s23 =	simm.s32 $0x1B8B  }
0xa8: {  	_ =	swait.ge [sflag:s23], $0x1  }
0xa9: {  	[sflag:s23] =	ssyncset.done $0x0  }
0xaa: {  	s25 =	simm.s32 $0x1B8E;
	s24 =	sld [smem:$0x3FFE];
	[sflag:s23] =	ssyncadd.s32 $0xFFFFFFFF  }
0xab: {  	s26 =	simm.s32 $execute0_lowered;
	[smem:$0x3FD2] =	sst s25  }
0xac: {  	s5 =	sshll.u32 s26, $0x1;
	_ =	strace $0x8000004F;
	[dreg:$0x1] =	wrdreg $0xFFFFFFFF  }
0xad: {  	s28 =	simm.s32 $_size_execute0_lowered;
	s3 =	sadd.s32 s3, s5;
	[dreg:$0x0] =	wrdreg $0x0  }
0xae: {  	s5 =	sshll.u32 s28, $0x1;
	[dreg:$0x2] =	wrdreg s3  }
0xaf: {  	[dreg:$0x3] =	wrdreg s5  }
0xb0: {  	[dreg:$0x4] =	wrdreg $0xC0  }
0xb1: {  	_ =	task [dreg:s7], $0x5FFFF  }
0xb2: {  	[dreg:$0x1] =	wrdreg $0xFFFFFFFF  }
0xb3: {  	[dreg:$0x0] =	wrdreg $0x60  }
0xb4: {  	[dreg:$0x2] =	wrdreg s24  }
0xb5: {  	[dreg:$0x3] =	wrdreg s16  }
0xb6: {  	[dreg:$0x4] =	wrdreg $0x9  }
0xb7: {  	_ =	task.clear_ibuf [dreg:s7], $0x5FFFF;
	_ =	strace $0x9000004F  }
0xb8: {  	s29 =	simm.s32 $0x9;
	_ =	strace $0x80000051  }
0xb9: {  	_ =	swait.ge [sflag:s29], $0x1  }
0xba: {  	[sflag:s29] =	ssyncadd.s32 $0xFFFFFFFF  }
0xbb: {  	_ =	strace $0x90000051  }
0xbc: {  	_ =	sfence  }
0xbd: {  	s30 =	sld [smem:$0x0];
	_ =	sdelay $0x2  }
0xbe: {  	s31 =	sshll.u32 s1, $0xD;
	s1 =	sshrl.u32 s1, $0x2  }
0xbf: {  	s3 =	sand.u32 $0x4000, s31;
	s1 =	sadd.s32 s1, s30  }
0xc0: {  	s0 =	sor.u32 s3, s0;
	s1 =	sshll.u32 s1, $0x11  }
0xc1: {  	s0 =	sor.u32 s1, s0  }
0xc2: {  	s0 =	sadd.s32 $0x8F2B, s0  }
0xc3: {  	[sflag:s0] =	ssyncadd.remote.s32 $0x1  }
0xc4: {  	_ =	sfence.sel $0xFFFF  }
0xc5: {  	[dreg:$0x0] =	wrdreg $0xFFFFFFFF;
	(pc) =	sbr.abs _section_cstart, $3  }
0xc6: {  	[dreg:$0x1] =	wrdreg $0xFFFFFFFF  }
0xc7: {  	_ =	task.clear_ibuf [dreg:s7], $0x2FFFF;
	_ =	strace $0x9FFFFFFF  }
0xc8: {  	(tm) =	ssettm $0x7FFFFFFF  }
0xc9: {  	_ =	shalt  }
tec
execute0_lowered:
.L_overlay_start_1:
0x0: {  	(tag) =	ssettag $0x1  }
0x1: {  	s1 =	srdreg.scid;
	s0 =	stileid.u32  }
0x2: {  	s6 =	sand.u32 $0x1, s1;
	s30 =	sshll.u32 s0, $0x1  }
0x3: {  	s5 =	rddreg [dreg:$0x0];
	s1 =	sor.u32 s6, s30  }
0x4: {  	s8 =	rddreg [dreg:$0x1];
	s2 =	simm.s32 $0x0;
	s9 =	smul.u32 $0x320, s1  }
0x5: {  	[smem:$0x7FF] =	sst s2  }
0x6: {  	s10 =	ssub.s32 $0x2, s6;
	s1 =	rddreg [dreg:$0x2];
	s3 =	sadd.s32 s9, s5  }
0x7: {  	_ =	strace $0x80000050;
	s4 =	sadd.s32 $0xDC00, s3;
	s3 =	simm.s32 $0x2  }
0x8: {  	[tilespmem:s2], [sflag:$0x2] =	stream.linear.gather [hbm4b:s4+s2], $0x1900, $0x38;
	[tilespmem:$0x3200] =	vst v63  }
0x9: {  	s7 =	simm.s32 $0x1;
	s11 =	sshrl.u32 s10, $0x1;
	_ =	swait.ge [sflag:s3], $0x1900  }
0xa: {  	s6 =	simm.s32 $0x1900;
	s10 =	ssub.s32 s10, s11;
	[sflag:s3] =	ssyncset.done $0x0  }
0xb: {  	s5 =	sadd.s32 $0x14000, s5;
	s31 =	smax.u32 s10, $0x1;
	[sflag:s3] =	ssyncadd.s32 $0xFFFFE700  }
0xc: {  	[tilespmem:s6], [sflag:$0x1] =	stream.indirect.gather [hbm4b:s5+s6], $0x1, s2, s6, $0xb8;
	[tilespmem:$0x3200] =	vst v63  }
0xd: {  	p0 =	sne.s32 s31, $0x1;
	_ =	swait.ge [sflag:s7], $0x1900  }
.Ltmp0:
0xe: {  	[sflag:s7] =	ssyncset.done $0x0;
	(pc) =	sbr.rel @!p0 .LBB2_2-.Ltmp0, $4  }
0xf: {  	s8 =	sadd.s32 s8, s9;
	[sflag:s7] =	ssyncadd.s32 $0xFFFFE700  }
0x10: {  	[hbm4b:s8+s2] =	stream.linear.scatter [tilespmem:s6], [sflag:$0x2], $0x1900, $0x38;
	[tilespmem:$0x3200] =	vst v63  }
0x11: {  	_ =	swait.ge [sflag:s3], $0x1900  }
0x12: {  	s9 =	sadd.s32 $0xFFFFFFFF, s31;
	[sflag:s3] =	ssyncset.done $0x0  }
.LBB2_1:
0x13: {  	p0 =	sne.s32 s9, $0x1;
	s9 =	sadd.s32 $0xFFFFFFFF, s9;
	[sflag:s3] =	ssyncadd.s32 $0xFFFFE700  }
0x14: {  	[tilespmem:s2], [sflag:$0x2] =	stream.linear.gather [hbm4b:s4+s2], $0x1900, $0x38;
	[tilespmem:$0x3200] =	vst v63  }
0x15: {  	_ =	swait.ge [sflag:s3], $0x1900  }
0x16: {  	[sflag:s3] =	ssyncset.done $0x0  }
0x17: {  	[sflag:s3] =	ssyncadd.s32 $0xFFFFE700  }
0x18: {  	[tilespmem:s6], [sflag:$0x1] =	stream.indirect.gather [hbm4b:s5+s6], $0x1, s2, s6, $0xb8;
	[tilespmem:$0x3200] =	vst v63  }
0x19: {  	_ =	swait.ge [sflag:s7], $0x1900  }
.Ltmp1:
0x1a: {  	[sflag:s7] =	ssyncset.done $0x0;
	(pc) =	sbr.rel @p0 .LBB2_1-.Ltmp1, $4  }
0x1b: {  	[sflag:s7] =	ssyncadd.s32 $0xFFFFE700  }
0x1c: {  	[hbm4b:s8+s2] =	stream.linear.scatter [tilespmem:s6], [sflag:$0x2], $0x1900, $0x38;
	[tilespmem:$0x3200] =	vst v63  }
0x1d: {  	_ =	swait.ge [sflag:s3], $0x1900  }
0x1e: {  	[sflag:s3] =	ssyncset.done $0x0  }
.LBB2_2:
0x1f: {  	[sflag:s3] =	ssyncadd.s32 $0xFFFFE700  }
0x20: {  	_ =	sfence.sel $0x180000  }
0x21: {  	[bflag:$0x0] =	sbarrier.arrive $0xFFFF  }
0x22: {  	p0 =	sne.s32 s0, $0x0;
	_ =	strace $0x90000050  }
0x23: {  	s0 =	sadd.s32 @!p0 $0x100000, s1;
	[bflag:$0x2] =	sbarrier.arrive $0xFFFF  }
0x24: {  	[sflag:s0] =	ssyncadd.tile.s32 @!p0 $0x1;
	_ =	shalt  }
.Lfunc_end2:
_tile_overlayer_lowered:
.L_overlay_start_2:
0x25: {  	(tag) =	ssettag $0x2  }
0x26: {  	s0 =	rddreg [dreg:$0x0];
	s2 =	stileid.u32  }
0x27: {  	s1 =	rddreg [dreg:$0x1];
	p0 =	sne.s32 s2, $0x0  }
0x28: {  	s3 =	rddreg [dreg:$0x2];
	[bflag:$0x3] =	sbarrier.arrive $0xFFFF;
	s2 =	simm.s32 @!p0 $0x1C02  }
0x29: {  	[timem:s3], [sflag:s2] =	dma.local @!p0 [hbm:s0], s1  }
0x2a: {  	s0 =	simm.s32 @!p0 $0x2  }
0x2b: {  	_ =	swait.ge @!p0 [sflag:s0], s1  }
0x2c: {  	s1 =	ssub.s32 @!p0 $0x0, s1;
	[sflag:s0] =	ssyncset.done @!p0 $0x0  }
0x2d: {  	[sflag:s0] =	ssyncadd.s32 @!p0 s1  }
0x2e: {  	[bflag:$0x3] =	sbarrier.arrive $0xFFFF  }
0x2f: {  	_ =	shalt  }

// kernel: kernel.6.cloned.1.call-start
scs
__scs_entry_jumppad:
0x0: {  	(pc) =	sbr.rel $0x88, $3  }
0x1: {  	(tag) =	ssettag $0x0;
	lr =	simm.s32 $0x1  }
0x2: {  	[smem:$0x3F9C] =	sst lr;
	_ =	strace $0xD0000000  }
0x3: {  	_ = 	snop  }
0x4: {  	_ = 	snop  }
0x5: {  	_ = 	snop  }
0x6: {  	_ = 	snop  }
0x7: {  	_ = 	snop  }
__scs_overlays_trampoline_lowered:
0x8: {  	[smem:$0x3FAB] =	sst s0  }
0x9: {  	[smem:$0x3FAC] =	sst s1  }
0xa: {  	[smem:$0x3FAD] =	sst s2  }
0xb: {  	[smem:$0x3FAE] =	sst s3  }
0xc: {  	[smem:$0x3FAF] =	sst s4  }
0xd: {  	[smem:$0x3FB0] =	sst s5  }
0xe: {  	[smem:$0x3FB1] =	sst s6  }
0xf: {  	[smem:$0x3FB2] =	sst s7  }
0x10: {  	[smem:$0x3FB3] =	sst s8  }
0x11: {  	[smem:$0x3FB4] =	sst s9;
	s0 =	simm.s32 @!p0 $0x0  }
0x12: {  	s1 =	sld [smem:$0x3F9A];
	s0 =	simm.s32 @p0 $0x1  }
0x13: {  	[smem:$0x3FB5] =	sst s0;
	s0 =	simm.s32 @!p1 $0x0  }
0x14: {  	s2 =	sld [smem:$0x3F99];
	s0 =	simm.s32 @p1 $0x1  }
0x15: {  	[smem:$0x3FB6] =	sst s0;
	s0 =	simm.s32 @!p2 $0x0  }
0x16: {  	s3 =	sld [smem:$0x3FDB];
	s0 =	simm.s32 @p2 $0x1  }
0x17: {  	s4 =	simm.s32 $0x1BF5;
	[smem:$0x3FB8] =	sst s0  }
0x18: {  	s0 =	sld [smem:$0x3F9B];
	_ =	swait.ge [sflag:s4], $0x0  }
0x19: {  	s7 =	sld [smem:$0x3F9C]  }
0x1a: {  	s8 =	sadd.s32 $0xFFFFE003, lr  }
0x1b: {  	s9 =	sadd.s32 $0xFFFFFEF7, lr;
	s5 =	simm.s32 $0xFFFFFFFF;
	p2 =	slt.u32 s8, $0xFFFFF086  }
0x1c: {  	p1 =	slt.u32 s9, $0xF7A;
	s5 =	simm.s32 @!p2 $0x0  }
0x1d: {  	s5 =	simm.s32 @p1 $0x1;
	p0 =	seq.s32 s7, s2  }
0x1e: {  	s7 =	smul.u32 @!p0 $0xF7A, s2;
	p2 =	seq.s32 @!p0 s5, $0x0  }
0x1f: {  	s9 =	smul.u32 $0xF7A, s1;
	s8 =	simm.s32 @!p0 $0x1BF5;
	p2 =	por !p2, p0  }
0x20: {  	[sflag:s8] =	ssyncset.s32 @!p0 $0xFFFFF086;
	s6 =	sadd.s32 @!p0 s3, s7;
	s7 =	simm.s32 @!p0 $0x108  }
0x21: {  	s3 =	sadd.s32 s3, s9;
	s6 =	sadd.s32 @!p0 $0x88, s6;
	s7 =	simm.s32 @p2 $0x1082  }
0x22: {  	[simem:s7], [sflag:s8] =	dma.local @!p0 [hbm:s6], $0xF7A  }
0x23: {  	s9 =	sor.u32 $0xD0000000, s2;
	s6 =	simm.s32 $0x108;
	_ =	swait.ge @!p0 [sflag:s8], $0x0  }
0x24: {  	s3 =	sadd.s32 $0x88, s3;
	s6 =	simm.s32 @!p1 $0x1082;
	[sflag:s4] =	ssyncset.s32 $0xFFFFF086  }
0x25: {  	[simem:s6], [sflag:s4] =	dma.local [hbm:s3], $0xF7A  }
0x26: {  	[smem:$0x3F9C] =	sst s1;
	(tag) =	ssettag s2;
	_ =	strace s9  }
0x27: {  	s1 =	sld [smem:$0x3FAC]  }
0x28: {  	s2 =	sld [smem:$0x3FAD]  }
0x29: {  	s4 =	sld [smem:$0x3FAF]  }
0x2a: {  	p0 =	seq.s32 s5, $0x0;
	s5 =	sld [smem:$0x3FB0]  }
0x2b: {  	s6 =	sld [smem:$0x3FB1]  }
0x2c: {  	s7 =	sld [smem:$0x3FB2]  }
0x2d: {  	s3 =	simm.s32 $0x108;
	s8 =	sld [smem:$0x3FB3]  }
0x2e: {  	s3 =	simm.s32 @!p0 $0x1082;
	s9 =	sld [smem:$0x3FB4]  }
0x2f: {  	lr =	sadd.s32 s0, s3;
	s0 =	sld [smem:$0x3FAB]  }
0x30: {  	s3 =	sld [smem:$0x3FAE]  }
0x31: {  	[smem:$0x3FB7] =	sst s10  }
0x32: {  	s10 =	sld [smem:$0x3FB5];
	_ =	sdelay $0x3  }
0x33: {  	p0 =	seq.s32 s10, $0x1;
	s10 =	sld [smem:$0x3FB7];
	_ =	sdelay $0x3  }
0x34: {  	[smem:$0x3FB7] =	sst s10  }
0x35: {  	s10 =	sld [smem:$0x3FB6];
	_ =	sdelay $0x3  }
0x36: {  	p1 =	seq.s32 s10, $0x1;
	s10 =	sld [smem:$0x3FB7];
	_ =	sdelay $0x3  }
0x37: {  	[smem:$0x3FB7] =	sst s10  }
0x38: {  	s10 =	sld [smem:$0x3FB8]  }
0x39: {  	_ = 	snop;
	(pc) =	sbr.ind lr, $3  }
0x3a: {  	_ = 	snop  }
0x3b: {  	_ = 	snop  }
0x3c: {  	p2 =	seq.s32 s10, $0x1;
	s10 =	sld [smem:$0x3FB7]  }
0x3d: {  	_ =	shalt  }
0x3e: {  	_ =	shalt  }
0x3f: {  	_ =	shalt  }
0x40: {  	_ =	shalt  }
0x41: {  	_ =	shalt  }
0x42: {  	_ =	shalt  }
0x43: {  	_ =	shalt  }
0x44: {  	_ =	shalt  }
0x45: {  	_ =	shalt  }
0x46: {  	_ =	shalt  }
0x47: {  	_ =	shalt  }
0x48: {  	_ =	shalt  }
0x49: {  	_ =	shalt  }
0x4a: {  	_ =	shalt  }
0x4b: {  	_ =	shalt  }
0x4c: {  	_ =	shalt  }
0x4d: {  	_ =	shalt  }
0x4e: {  	_ =	shalt  }
0x4f: {  	_ =	shalt  }
0x50: {  	_ =	shalt  }
0x51: {  	_ =	shalt  }
0x52: {  	_ =	shalt  }
0x53: {  	_ =	shalt  }
0x54: {  	_ =	shalt  }
0x55: {  	_ =	shalt  }
0x56: {  	_ =	shalt  }
0x57: {  	_ =	shalt  }
0x58: {  	_ =	shalt  }
0x59: {  	_ =	shalt  }
0x5a: {  	_ =	shalt  }
0x5b: {  	_ =	shalt  }
0x5c: {  	_ =	shalt  }
0x5d: {  	_ =	shalt  }
0x5e: {  	_ =	shalt  }
0x5f: {  	_ =	shalt  }
0x60: {  	_ =	shalt  }
0x61: {  	_ =	shalt  }
0x62: {  	_ =	shalt  }
0x63: {  	_ =	shalt  }
0x64: {  	_ =	shalt  }
0x65: {  	_ =	shalt  }
0x66: {  	_ =	shalt  }
0x67: {  	_ =	shalt  }
0x68: {  	_ =	shalt  }
0x69: {  	_ =	shalt  }
0x6a: {  	_ =	shalt  }
0x6b: {  	_ =	shalt  }
0x6c: {  	_ =	shalt  }
0x6d: {  	_ =	shalt  }
0x6e: {  	_ =	shalt  }
0x6f: {  	_ =	shalt  }
0x70: {  	_ =	shalt  }
0x71: {  	_ =	shalt  }
0x72: {  	_ =	shalt  }
0x73: {  	_ =	shalt  }
0x74: {  	_ =	shalt  }
0x75: {  	_ =	shalt  }
0x76: {  	_ =	shalt  }
0x77: {  	_ =	shalt  }
0x78: {  	_ =	shalt  }
0x79: {  	_ =	shalt  }
0x7a: {  	_ =	shalt  }
0x7b: {  	_ =	shalt  }
0x7c: {  	_ =	shalt  }
0x7d: {  	_ =	shalt  }
0x7e: {  	_ =	shalt  }
0x7f: {  	_ =	shalt  }
0x80: {  	_ =	shalt  }
0x81: {  	_ =	shalt  }
0x82: {  	_ =	shalt  }
0x83: {  	_ =	shalt  }
0x84: {  	_ =	shalt  }
0x85: {  	_ =	shalt  }
0x86: {  	_ =	shalt  }
0x87: {  	_ =	shalt  }
.Lfunc_end0:
.L_simem_size_0:
called_computation_lowered:
.L_overlay_start_0:
0x88: {  	s2 =	sld [smem:$0x3FD9]  }
0x89: {  	s3 =	sld [smem:$0x3FFE];
	_ =	sdelay $0x1  }
0x8a: {  	s1 =	srdreg.scid  }
0x8b: {  	s0 =	sand.u32 $0x1, s1  }
0x8c: {  	s14 =	sshll.u32 s0, $0xA;
	s2 =	sadd.s32 s3, s2  }
0x8d: {  	s2 =	sadd.s32 s2, s14  }
0x8e: {  	[smem:$0x3FC3] =	sst s2  }
0x8f: {  	_ = 	snop  }
0x90: {  	s2 =	sld [smem:$0x3FD0]  }
0x91: {  	s15 =	sld [smem:$0x3FC9]  }
0x92: {  	s4 =	sld [smem:$0x3FC7]  }
0x93: {  	s6 =	simm.s32 $0xA;
	s7 =	simm.s32 $0x10;
	s5 =	sld [smem:$0x3FC6]  }
0x94: {  	[smem:s7], [sflag:s6] =	dma.local [hbm:s2], $0x1  }
0x95: {  	_ =	swait.eq [sflag:s6], $0x1  }
0x96: {  	[sflag:s6] =	ssyncset.done $0x0  }
0x97: {  	[sflag:s6] =	ssyncadd.s32 $0xFFFFFFFF  }
0x98: {  	s16 =	sld [smem:$0x11];
	(tm) =	ssettm $0x1  }
0x99: {  	s17 =	sld [smem:$0x3FFB];
	_ =	sdelay $0x3  }
0x9a: {  	_ =	strace s17  }
0x9b: {  	s6 =	sld [smem:$0x3FFC];
	_ =	sdelay $0x3  }
0x9c: {  	_ =	strace s6  }
0x9d: {  	s6 =	sld [smem:$0x3FFD];
	_ =	sdelay $0x3  }
0x9e: {  	_ =	strace s6  }
0x9f: {  	_ =	strace $0x8FFFFFFF  }
0xa0: {  	s18 =	sld [smem:$0x3FDB];
	_ =	sdelay $0x1  }
0xa1: {  	s19 =	simm.s32 $_scs_section_size  }
0xa2: {  	s8 =	simm.s32 $_size__tile_overlayer_lowered;
	s9 =	simm.s32 $_tile_overlayer_lowered  }
0xa3: {  	s22 =	simm.s32 $0x1BFF;
	s21 =	sshll.u32 s9, $0x1;
	s6 =	sadd.s32 s19, s18  }
0xa4: {  	s10 =	simm.s32 $0x0;
	s20 =	sshll.u32 s8, $0x1;
	s8 =	sadd.s32 s21, s6  }
0xa5: {  	[timem:s10], [sflag:s22] =	dma.local [hbm:s8], s20  }
0xa6: {  	_ =	swait.ge [sflag:s22], s20  }
0xa7: {  	s7 =	ssub.s32 $0x0, s20;
	[sflag:s22] =	ssyncset.done $0x0  }
0xa8: {  	[sflag:s22] =	ssyncadd.s32 s7;
	_ =	sdelay $0x1  }
0xa9: {  	s23 =	simm.s32 $0x1B8B  }
0xaa: {  	_ =	swait.ge [sflag:s23], $0x1  }
0xab: {  	[sflag:s23] =	ssyncset.done $0x0  }
0xac: {  	s25 =	simm.s32 $0x1B8E;
	s24 =	sld [smem:$0x3FFE];
	[sflag:s23] =	ssyncadd.s32 $0xFFFFFFFF  }
0xad: {  	s26 =	simm.s32 $execute0_lowered;
	[smem:$0x3FD2] =	sst s25  }
0xae: {  	s8 =	sshll.u32 s26, $0x1;
	_ =	strace $0x80000046;
	[dreg:$0x1] =	wrdreg $0xFFFFFFFF  }
0xaf: {  	s28 =	simm.s32 $_size_execute0_lowered;
	s6 =	sadd.s32 s6, s8;
	[dreg:$0x0] =	wrdreg $0x0  }
0xb0: {  	s8 =	sshll.u32 s28, $0x1;
	[dreg:$0x2] =	wrdreg s6  }
0xb1: {  	[dreg:$0x3] =	wrdreg s8  }
0xb2: {  	[dreg:$0x4] =	wrdreg $0xC0  }
0xb3: {  	_ =	task [dreg:s10], $0x5FFFF  }
0xb4: {  	[dreg:$0x1] =	wrdreg $0xFFFFFFFF  }
0xb5: {  	[dreg:$0x0] =	wrdreg $0x60  }
0xb6: {  	[dreg:$0x2] =	wrdreg s16  }
0xb7: {  	[dreg:$0x3] =	wrdreg s15  }
0xb8: {  	[dreg:$0x4] =	wrdreg s4  }
0xb9: {  	[dreg:$0x5] =	wrdreg s5  }
0xba: {  	[dreg:$0x6] =	wrdreg s24  }
0xbb: {  	[dreg:$0x7] =	wrdreg $0x64800  }
0xbc: {  	[dreg:$0x8] =	wrdreg $0x9  }
0xbd: {  	_ =	task.clear_ibuf [dreg:s10], $0x9FFFF;
	_ =	strace $0x90000046  }
0xbe: {  	s29 =	simm.s32 $0x9;
	_ =	strace $0x80000048  }
0xbf: {  	_ =	swait.ge [sflag:s29], $0x1  }
0xc0: {  	[sflag:s29] =	ssyncadd.s32 $0xFFFFFFFF  }
0xc1: {  	_ =	strace $0x90000048  }
0xc2: {  	_ =	sfence  }
0xc3: {  	s30 =	sld [smem:$0x0];
	_ =	sdelay $0x2  }
0xc4: {  	s31 =	sshll.u32 s1, $0xD;
	s1 =	sshrl.u32 s1, $0x2  }
0xc5: {  	s3 =	sand.u32 $0x4000, s31;
	s1 =	sadd.s32 s1, s30  }
0xc6: {  	s0 =	sor.u32 s3, s0;
	s1 =	sshll.u32 s1, $0x11  }
0xc7: {  	s0 =	sor.u32 s1, s0  }
0xc8: {  	s0 =	sadd.s32 $0x8F2B, s0  }
0xc9: {  	[sflag:s0] =	ssyncadd.remote.s32 $0x1  }
0xca: {  	_ =	sfence.sel $0xFFFF  }
0xcb: {  	[dreg:$0x0] =	wrdreg $0xFFFFFFFF;
	(pc) =	sbr.abs _section_cstart, $3  }
0xcc: {  	[dreg:$0x1] =	wrdreg $0xFFFFFFFF  }
0xcd: {  	_ =	task.clear_ibuf [dreg:s10], $0x2FFFF;
	_ =	strace $0x9FFFFFFF  }
0xce: {  	(tm) =	ssettm $0x7FFFFFFF  }
0xcf: {  	_ =	shalt  }
tec
execute0_lowered:
.L_overlay_start_1:
0x0: {  	(tag) =	ssettag $0x1  }
0x1: {  	s8 =	rddreg [dreg:$0x0]  }
0x2: {  	s9 =	rddreg [dreg:$0x1]  }
0x3: {  	s1 =	rddreg [dreg:$0x2]  }
0x4: {  	s2 =	rddreg [dreg:$0x3]  }
0x5: {  	s6 =	rddreg [dreg:$0x4]  }
0x6: {  	s4 =	rddreg [dreg:$0x5]  }
0x7: {  	s0 =	rddreg [dreg:$0x6];
	s5 =	srdreg.scid  }
0x8: {  	s3 =	stileid.u32;
	s16 =	simm.s32 $0x1900;
	s17 =	simm.s32 $0x3200  }
0x9: {  	s18 =	simm.s32 $0x20;
	s19 =	simm.s32 $0x3280;
	s20 =	simm.s32 $0x2  }
0xa: {  	s21 =	simm.s32 $0x1;
	s22 =	simm.s32 $0x3300;
	s23 =	simm.s32 $0x0  }
0xb: {  	s7 =	sand.u32 $0x1, s5;
	s10 =	sshll.u32 s3, $0x1;
	s11 =	smul.u32 $0x30E0, s3  }
0xc: {  	s5 =	simm.s32 $0x0;
	s10 =	sor.u32 s7, s10;
	s12 =	smul.u32 $0x30E00, s7  }
0xd: {  	[smem:$0x7FF] =	sst s5;
	s7 =	ssub.s32 $0x2, s7;
	s13 =	smul.u32 $0x320, s10  }
0xe: {  	_ =	strace $0x80000047;
	s15 =	sshrl.u32 s7, $0x1;
	s10 =	sshll.u32 s10, $0x2  }
0xf: {  	s12 =	sadd.s32 s11, s12;
	s15 =	ssub.s32 s7, s15;
	s9 =	sadd.s32 s9, s10  }
0x10: {  	s14 =	sadd.s32 s13, s6;
	s12 =	sshrl.u32 s12, $0x3;
	s8 =	sadd.s32 s8, s13  }
0x11: {  	s13 =	smax.u32 s15, $0x1;
	s15 =	simm.s32 $0x3;
	s12 =	sadd.s32 s12, s6  }
0x12: {  	s6 =	sadd.s32 s11, s4;
	s10 =	sadd.s32 $0xDC00, s14;
	s14 =	simm.s32 $0x4C00  }
0x13: {  	v0 =	vimm.s32 $0x0;
	v1 =	vimm.s32 $0x1;
	s7 =	sadd.s32 $0x1870, s6;
	s11 =	sadd.s32 $0x1800, s12;
	s12 =	sadd.s32 $0x1B0E, s12  }
.LBB2_1:
0x14: {  	s24 =	simm.s32 $0x40;
	s25 =	simm.s32 $0x0  }
.LBB2_2:
0x15: {  	p0 =	sne.s32 s24, $0x6180;
	[tilespmem:s25+$0x4C00] =	vst v0;
	s25 =	smov.u32 s24;
	s24 =	sadd.s32 $0x40, s24  }
.Ltmp0:
0x16: {  	(pc) =	sbr.rel @p0 .LBB2_2-.Ltmp0, $2  }
0x17: {  	_ =	sdelay $0x2  }
0x18: {  	s25 =	sshra.s32 s25, $0x2  }
0x19: {  	[tilespmem:s25+$0x4C00] =	vst v0  }
0x1a: {  	[spmem:s6] =	stream.linear.scatter [tilespmem:s14], [sflag:$0x3], $0x1870, $0x38;
	[tilespmem:$0x9560] =	vst v63  }
0x1b: {  	_ =	swait.ge [sflag:s15], $0x1870  }
0x1c: {  	[sflag:s15] =	ssyncset.done $0x0  }
0x1d: {  	[sflag:s15] =	ssyncadd.s32 $0xFFFFE790  }
0x1e: {  	[spmem:s7] =	stream.linear.scatter [tilespmem:s14], [sflag:$0x3], $0x1870, $0x38;
	[tilespmem:$0x9560] =	vst v63  }
0x1f: {  	_ =	swait.ge [sflag:s15], $0x1870  }
0x20: {  	[sflag:s15] =	ssyncset.done $0x0  }
0x21: {  	s24 =	simm.s32 $0x40;
	s25 =	simm.s32 $0x0;
	[sflag:s15] =	ssyncadd.s32 $0xFFFFE790  }
.LBB2_4:
0x22: {  	p0 =	sne.s32 s24, $0x63C0;
	[tilespmem:s25+$0x3300] =	vst v1;
	s25 =	smov.u32 s24;
	s24 =	sadd.s32 $0x40, s24  }
.Ltmp1:
0x23: {  	(pc) =	sbr.rel @p0 .LBB2_4-.Ltmp1, $2  }
0x24: {  	_ =	sdelay $0x2  }
0x25: {  	s25 =	sshra.s32 s25, $0x2  }
0x26: {  	[tilespmem:s25+$0x3300] =	vst v1  }
0x27: {  	[tilespmem:s5], [sflag:$0x3] =	stream.linear.gather [hbm4b:s8+s5], $0x1900, $0x38;
	[tilespmem:$0x9560] =	vst v63  }
0x28: {  	_ =	swait.ge [sflag:s15], $0x1900  }
0x29: {  	[sflag:s15] =	ssyncset.done $0x0  }
0x2a: {  	[sflag:s15] =	ssyncadd.s32 $0xFFFFE700  }
0x2b: {  	[tilespmem:s16], [sflag:$0x1] =	stream.indirect.gather [hbm4b:s1+s16], $0x1, s5, s16, $0xb8;
	[tilespmem:$0x9560] =	vst v63  }
0x2c: {  	_ = 	snop  }
0x2d: {  	[tilespmem:s17], [sflag:$0x3] =	stream.linear.gather [hbm4b:s9+s5], $0x20, $0x38;
	[tilespmem:$0x9560] =	vst v63  }
0x2e: {  	_ =	swait.ge [sflag:s15], $0x20  }
0x2f: {  	[sflag:s15] =	ssyncset.done $0x0  }
0x30: {  	[sflag:s15] =	ssyncadd.s32 $0xFFFFFFE0  }
0x31: {  	[tilespmem:s19], [sflag:$0x2] =	stream.indirect.gather [hbm4b:s2+s18], $0x1, s17, s18, $0xb8;
	[tilespmem:$0x9560] =	vst v63  }
0x32: {  	_ =	swait.ge [sflag:s20], $0x20  }
0x33: {  	[sflag:s20] =	ssyncset.done $0x0  }
0x34: {  	[sflag:s20] =	ssyncadd.s32 $0xFFFFFFE0  }
0x35: {  	_ =	swait.ge [sflag:s21], $0x1900  }
0x36: {  	[sflag:s21] =	ssyncset.done $0x0  }
0x37: {  	[sflag:s21] =	ssyncadd.s32 $0xFFFFE700  }
0x38: {  	[hbm4b:s10+s5] =	stream.linear.scatter [tilespmem:s16], [sflag:$0x2], $0x1900, $0x38;
	[tilespmem:$0x9560] =	vst v63  }
0x39: {  	[bflag:$0x0] =	sbarrier.arrive $0xFFFF  }
0x3a: {  	[spmem:s4] =	stream.indirect.scatter.add.s32 [tilespmem:s22], [sflag:$0x1], $0x1, s16, s16, $0xb8;
	[tilespmem:$0x9560] =	vst v63  }
0x3b: {  	_ = 	snop  }
0x3c: {  	[spmem:s4] =	stream.indirect.scatter.add.s32 [tilespmem:s22], [sflag:$0x1], $0x1, s19, s18, $0xb8;
	[tilespmem:$0x9560] =	vst v63  }
0x3d: {  	_ =	swait.ge [sflag:s21], $0x20  }
0x3e: {  	[sflag:s21] =	ssyncset.done $0x0  }
0x3f: {  	[sflag:s21] =	ssyncadd.s32 $0xFFFFFFE0  }
0x40: {  	_ =	swait.ge [sflag:s21], $0x1900  }
0x41: {  	[sflag:s21] =	ssyncset.done $0x0  }
0x42: {  	[sflag:s21] =	ssyncadd.s32 $0xFFFFE700  }
0x43: {  	_ =	swait.ge [sflag:s20], $0x1900  }
0x44: {  	[sflag:s20] =	ssyncset.done $0x0  }
0x45: {  	[sflag:s20] =	ssyncadd.s32 $0xFFFFE700  }
0x46: {  	[bflag:$0x0] =	sbarrier.arrive $0xFFFF  }
0x47: {  	[tilespmem:s14], [sflag:$0x3] =	stream.linear.gather [spmem:s6], $0x1870, $0x38;
	[tilespmem:$0x9560] =	vst v63  }
0x48: {  	_ =	swait.ge [sflag:s15], $0x1870  }
0x49: {  	[sflag:s15] =	ssyncset.done $0x0  }
0x4a: {  	[sflag:s15] =	ssyncadd.s32 $0xFFFFE790  }
0x4b: {  	[hbm4b:s11+s5] =	stream.linear.scatter [tilespmem:s14], [sflag:$0x3], $0x1870, $0x38;
	[tilespmem:$0x9560] =	vst v63  }
0x4c: {  	_ =	swait.ge [sflag:s15], $0x1870  }
0x4d: {  	[sflag:s15] =	ssyncset.done $0x0  }
0x4e: {  	[sflag:s15] =	ssyncadd.s32 $0xFFFFE790  }
0x4f: {  	[tilespmem:s14], [sflag:$0x3] =	stream.linear.gather [spmem:s7], $0x1870, $0x38;
	[tilespmem:$0x9560] =	vst v63  }
0x50: {  	s23 =	sadd.s32 $0x1, s23;
	_ =	swait.ge [sflag:s15], $0x1870  }
0x51: {  	p0 =	sne.s32 s23, s13;
	[sflag:s15] =	ssyncset.done $0x0  }
.Ltmp2:
0x52: {  	[sflag:s15] =	ssyncadd.s32 $0xFFFFE790;
	(pc) =	sbr.rel @p0 .LBB2_1-.Ltmp2, $4  }
0x53: {  	[hbm4b:s12+s5] =	stream.linear.scatter [tilespmem:s14], [sflag:$0x3], $0x1870, $0x38;
	[tilespmem:$0x9560] =	vst v63  }
0x54: {  	_ =	swait.ge [sflag:s15], $0x1870  }
0x55: {  	[sflag:s15] =	ssyncset.done $0x0  }
0x56: {  	[sflag:s15] =	ssyncadd.s32 $0xFFFFE790  }
0x57: {  	_ =	sfence.sel $0x180000  }
0x58: {  	[bflag:$0x0] =	sbarrier.arrive $0xFFFF  }
0x59: {  	p0 =	sne.s32 s3, $0x0;
	_ =	strace $0x90000047  }
0x5a: {  	s0 =	sadd.s32 @!p0 $0x100000, s0;
	[bflag:$0x2] =	sbarrier.arrive $0xFFFF  }
0x5b: {  	[sflag:s0] =	ssyncadd.tile.s32 @!p0 $0x1;
	_ =	shalt  }
.Lfunc_end2:
_tile_overlayer_lowered:
.L_overlay_start_2:
0x5c: {  	(tag) =	ssettag $0x2  }
0x5d: {  	s0 =	rddreg [dreg:$0x0];
	s2 =	stileid.u32  }
0x5e: {  	s1 =	rddreg [dreg:$0x1];
	p0 =	sne.s32 s2, $0x0  }
0x5f: {  	s3 =	rddreg [dreg:$0x2];
	[bflag:$0x3] =	sbarrier.arrive $0xFFFF;
	s2 =	simm.s32 @!p0 $0x1C03  }
0x60: {  	[timem:s3], [sflag:s2] =	dma.local @!p0 [hbm:s0], s1  }
0x61: {  	s0 =	simm.s32 @!p0 $0x3  }
0x62: {  	_ =	swait.ge @!p0 [sflag:s0], s1  }
0x63: {  	s1 =	ssub.s32 @!p0 $0x0, s1;
	[sflag:s0] =	ssyncset.done @!p0 $0x0  }
0x64: {  	[sflag:s0] =	ssyncadd.s32 @!p0 s1  }
0x65: {  	[bflag:$0x3] =	sbarrier.arrive $0xFFFF  }
0x66: {  	_ =	shalt  }

// kernel: kernel.9.cloned.1.call-start
scs
__scs_entry_jumppad:
0x0: {  	(pc) =	sbr.rel $0x88, $3  }
0x1: {  	(tag) =	ssettag $0x0;
	lr =	simm.s32 $0x1  }
0x2: {  	[smem:$0x3F9C] =	sst lr;
	_ =	strace $0xD0000000  }
0x3: {  	_ = 	snop  }
0x4: {  	_ = 	snop  }
0x5: {  	_ = 	snop  }
0x6: {  	_ = 	snop  }
0x7: {  	_ = 	snop  }
__scs_overlays_trampoline_lowered:
0x8: {  	[smem:$0x3FAB] =	sst s0  }
0x9: {  	[smem:$0x3FAC] =	sst s1  }
0xa: {  	[smem:$0x3FAD] =	sst s2  }
0xb: {  	[smem:$0x3FAE] =	sst s3  }
0xc: {  	[smem:$0x3FAF] =	sst s4  }
0xd: {  	[smem:$0x3FB0] =	sst s5  }
0xe: {  	[smem:$0x3FB1] =	sst s6  }
0xf: {  	[smem:$0x3FB2] =	sst s7  }
0x10: {  	[smem:$0x3FB3] =	sst s8  }
0x11: {  	[smem:$0x3FB4] =	sst s9;
	s0 =	simm.s32 @!p0 $0x0  }
0x12: {  	s1 =	sld [smem:$0x3F9A];
	s0 =	simm.s32 @p0 $0x1  }
0x13: {  	[smem:$0x3FB5] =	sst s0;
	s0 =	simm.s32 @!p1 $0x0  }
0x14: {  	s2 =	sld [smem:$0x3F99];
	s0 =	simm.s32 @p1 $0x1  }
0x15: {  	[smem:$0x3FB6] =	sst s0;
	s0 =	simm.s32 @!p2 $0x0  }
0x16: {  	s3 =	sld [smem:$0x3FDB];
	s0 =	simm.s32 @p2 $0x1  }
0x17: {  	s4 =	simm.s32 $0x1BF5;
	[smem:$0x3FB8] =	sst s0  }
0x18: {  	s0 =	sld [smem:$0x3F9B];
	_ =	swait.ge [sflag:s4], $0x0  }
0x19: {  	s7 =	sld [smem:$0x3F9C]  }
0x1a: {  	s8 =	sadd.s32 $0xFFFFE003, lr  }
0x1b: {  	s9 =	sadd.s32 $0xFFFFFEF7, lr;
	s5 =	simm.s32 $0xFFFFFFFF;
	p2 =	slt.u32 s8, $0xFFFFF086  }
0x1c: {  	p1 =	slt.u32 s9, $0xF7A;
	s5 =	simm.s32 @!p2 $0x0  }
0x1d: {  	s5 =	simm.s32 @p1 $0x1;
	p0 =	seq.s32 s7, s2  }
0x1e: {  	s7 =	smul.u32 @!p0 $0xF7A, s2;
	p2 =	seq.s32 @!p0 s5, $0x0  }
0x1f: {  	s9 =	smul.u32 $0xF7A, s1;
	s8 =	simm.s32 @!p0 $0x1BF5;
	p2 =	por !p2, p0  }
0x20: {  	[sflag:s8] =	ssyncset.s32 @!p0 $0xFFFFF086;
	s6 =	sadd.s32 @!p0 s3, s7;
	s7 =	simm.s32 @!p0 $0x108  }
0x21: {  	s3 =	sadd.s32 s3, s9;
	s6 =	sadd.s32 @!p0 $0x88, s6;
	s7 =	simm.s32 @p2 $0x1082  }
0x22: {  	[simem:s7], [sflag:s8] =	dma.local @!p0 [hbm:s6], $0xF7A  }
0x23: {  	s9 =	sor.u32 $0xD0000000, s2;
	s6 =	simm.s32 $0x108;
	_ =	swait.ge @!p0 [sflag:s8], $0x0  }
0x24: {  	s3 =	sadd.s32 $0x88, s3;
	s6 =	simm.s32 @!p1 $0x1082;
	[sflag:s4] =	ssyncset.s32 $0xFFFFF086  }
0x25: {  	[simem:s6], [sflag:s4] =	dma.local [hbm:s3], $0xF7A  }
0x26: {  	[smem:$0x3F9C] =	sst s1;
	(tag) =	ssettag s2;
	_ =	strace s9  }
0x27: {  	s1 =	sld [smem:$0x3FAC]  }
0x28: {  	s2 =	sld [smem:$0x3FAD]  }
0x29: {  	s4 =	sld [smem:$0x3FAF]  }
0x2a: {  	p0 =	seq.s32 s5, $0x0;
	s5 =	sld [smem:$0x3FB0]  }
0x2b: {  	s6 =	sld [smem:$0x3FB1]  }
0x2c: {  	s7 =	sld [smem:$0x3FB2]  }
0x2d: {  	s3 =	simm.s32 $0x108;
	s8 =	sld [smem:$0x3FB3]  }
0x2e: {  	s3 =	simm.s32 @!p0 $0x1082;
	s9 =	sld [smem:$0x3FB4]  }
0x2f: {  	lr =	sadd.s32 s0, s3;
	s0 =	sld [smem:$0x3FAB]  }
0x30: {  	s3 =	sld [smem:$0x3FAE]  }
0x31: {  	[smem:$0x3FB7] =	sst s10  }
0x32: {  	s10 =	sld [smem:$0x3FB5];
	_ =	sdelay $0x3  }
0x33: {  	p0 =	seq.s32 s10, $0x1;
	s10 =	sld [smem:$0x3FB7];
	_ =	sdelay $0x3  }
0x34: {  	[smem:$0x3FB7] =	sst s10  }
0x35: {  	s10 =	sld [smem:$0x3FB6];
	_ =	sdelay $0x3  }
0x36: {  	p1 =	seq.s32 s10, $0x1;
	s10 =	sld [smem:$0x3FB7];
	_ =	sdelay $0x3  }
0x37: {  	[smem:$0x3FB7] =	sst s10  }
0x38: {  	s10 =	sld [smem:$0x3FB8]  }
0x39: {  	_ = 	snop;
	(pc) =	sbr.ind lr, $3  }
0x3a: {  	_ = 	snop  }
0x3b: {  	_ = 	snop  }
0x3c: {  	p2 =	seq.s32 s10, $0x1;
	s10 =	sld [smem:$0x3FB7]  }
0x3d: {  	_ =	shalt  }
0x3e: {  	_ =	shalt  }
0x3f: {  	_ =	shalt  }
0x40: {  	_ =	shalt  }
0x41: {  	_ =	shalt  }
0x42: {  	_ =	shalt  }
0x43: {  	_ =	shalt  }
0x44: {  	_ =	shalt  }
0x45: {  	_ =	shalt  }
0x46: {  	_ =	shalt  }
0x47: {  	_ =	shalt  }
0x48: {  	_ =	shalt  }
0x49: {  	_ =	shalt  }
0x4a: {  	_ =	shalt  }
0x4b: {  	_ =	shalt  }
0x4c: {  	_ =	shalt  }
0x4d: {  	_ =	shalt  }
0x4e: {  	_ =	shalt  }
0x4f: {  	_ =	shalt  }
0x50: {  	_ =	shalt  }
0x51: {  	_ =	shalt  }
0x52: {  	_ =	shalt  }
0x53: {  	_ =	shalt  }
0x54: {  	_ =	shalt  }
0x55: {  	_ =	shalt  }
0x56: {  	_ =	shalt  }
0x57: {  	_ =	shalt  }
0x58: {  	_ =	shalt  }
0x59: {  	_ =	shalt  }
0x5a: {  	_ =	shalt  }
0x5b: {  	_ =	shalt  }
0x5c: {  	_ =	shalt  }
0x5d: {  	_ =	shalt  }
0x5e: {  	_ =	shalt  }
0x5f: {  	_ =	shalt  }
0x60: {  	_ =	shalt  }
0x61: {  	_ =	shalt  }
0x62: {  	_ =	shalt  }
0x63: {  	_ =	shalt  }
0x64: {  	_ =	shalt  }
0x65: {  	_ =	shalt  }
0x66: {  	_ =	shalt  }
0x67: {  	_ =	shalt  }
0x68: {  	_ =	shalt  }
0x69: {  	_ =	shalt  }
0x6a: {  	_ =	shalt  }
0x6b: {  	_ =	shalt  }
0x6c: {  	_ =	shalt  }
0x6d: {  	_ =	shalt  }
0x6e: {  	_ =	shalt  }
0x6f: {  	_ =	shalt  }
0x70: {  	_ =	shalt  }
0x71: {  	_ =	shalt  }
0x72: {  	_ =	shalt  }
0x73: {  	_ =	shalt  }
0x74: {  	_ =	shalt  }
0x75: {  	_ =	shalt  }
0x76: {  	_ =	shalt  }
0x77: {  	_ =	shalt  }
0x78: {  	_ =	shalt  }
0x79: {  	_ =	shalt  }
0x7a: {  	_ =	shalt  }
0x7b: {  	_ =	shalt  }
0x7c: {  	_ =	shalt  }
0x7d: {  	_ =	shalt  }
0x7e: {  	_ =	shalt  }
0x7f: {  	_ =	shalt  }
0x80: {  	_ =	shalt  }
0x81: {  	_ =	shalt  }
0x82: {  	_ =	shalt  }
0x83: {  	_ =	shalt  }
0x84: {  	_ =	shalt  }
0x85: {  	_ =	shalt  }
0x86: {  	_ =	shalt  }
0x87: {  	_ =	shalt  }
.Lfunc_end0:
.L_simem_size_0:
called_computation.1_lowered:
.L_overlay_start_0:
0x88: {  	s2 =	sld [smem:$0x3FD9]  }
0x89: {  	s3 =	sld [smem:$0x3FFE];
	_ =	sdelay $0x1  }
0x8a: {  	s1 =	srdreg.scid  }
0x8b: {  	s0 =	sand.u32 $0x1, s1  }
0x8c: {  	s14 =	sshll.u32 s0, $0xA;
	s2 =	sadd.s32 s3, s2  }
0x8d: {  	s2 =	sadd.s32 s2, s14  }
0x8e: {  	[smem:$0x3FC3] =	sst s2  }
0x8f: {  	_ = 	snop  }
0x90: {  	s2 =	sld [smem:$0x3FD0];
	_ =	sdelay $0x2  }
0x91: {  	s15 =	simm.s32 $0xA;
	s4 =	simm.s32 $0x10  }
0x92: {  	[smem:s4], [sflag:s15] =	dma.local [hbm:s2], $0x1  }
0x93: {  	_ =	swait.eq [sflag:s15], $0x1  }
0x94: {  	[sflag:s15] =	ssyncset.done $0x0  }
0x95: {  	[sflag:s15] =	ssyncadd.s32 $0xFFFFFFFF  }
0x96: {  	s16 =	sld [smem:$0x11];
	(tm) =	ssettm $0x1  }
0x97: {  	s17 =	sld [smem:$0x3FFB];
	_ =	sdelay $0x3  }
0x98: {  	_ =	strace s17  }
0x99: {  	s3 =	sld [smem:$0x3FFC];
	_ =	sdelay $0x3  }
0x9a: {  	_ =	strace s3  }
0x9b: {  	s3 =	sld [smem:$0x3FFD];
	_ =	sdelay $0x3  }
0x9c: {  	_ =	strace s3  }
0x9d: {  	_ =	strace $0x8FFFFFFF  }
0x9e: {  	s18 =	sld [smem:$0x3FDB];
	_ =	sdelay $0x1  }
0x9f: {  	s19 =	simm.s32 $_scs_section_size  }
0xa0: {  	s5 =	simm.s32 $_size__tile_overlayer_lowered;
	s6 =	simm.s32 $_tile_overlayer_lowered  }
0xa1: {  	s22 =	simm.s32 $0x1BFF;
	s21 =	sshll.u32 s6, $0x1;
	s3 =	sadd.s32 s19, s18  }
0xa2: {  	s7 =	simm.s32 $0x0;
	s20 =	sshll.u32 s5, $0x1;
	s5 =	sadd.s32 s21, s3  }
0xa3: {  	[timem:s7], [sflag:s22] =	dma.local [hbm:s5], s20  }
0xa4: {  	_ =	swait.ge [sflag:s22], s20  }
0xa5: {  	s4 =	ssub.s32 $0x0, s20;
	[sflag:s22] =	ssyncset.done $0x0  }
0xa6: {  	[sflag:s22] =	ssyncadd.s32 s4;
	_ =	sdelay $0x1  }
0xa7: {  	s23 =	simm.s32 $0x1B8B  }
0xa8: {  	_ =	swait.ge [sflag:s23], $0x1  }
0xa9: {  	[sflag:s23] =	ssyncset.done $0x0  }
0xaa: {  	s25 =	simm.s32 $0x1B8E;
	s24 =	sld [smem:$0x3FFE];
	[sflag:s23] =	ssyncadd.s32 $0xFFFFFFFF  }
0xab: {  	s26 =	simm.s32 $execute0_lowered;
	[smem:$0x3FD2] =	sst s25  }
0xac: {  	s5 =	sshll.u32 s26, $0x1;
	_ =	strace $0x80000049;
	[dreg:$0x1] =	wrdreg $0xFFFFFFFF  }
0xad: {  	s28 =	simm.s32 $_size_execute0_lowered;
	s3 =	sadd.s32 s3, s5;
	[dreg:$0x0] =	wrdreg $0x0  }
0xae: {  	s5 =	sshll.u32 s28, $0x1;
	[dreg:$0x2] =	wrdreg s3  }
0xaf: {  	[dreg:$0x3] =	wrdreg s5  }
0xb0: {  	[dreg:$0x4] =	wrdreg $0xC0  }
0xb1: {  	_ =	task [dreg:s7], $0x5FFFF  }
0xb2: {  	[dreg:$0x1] =	wrdreg $0xFFFFFFFF  }
0xb3: {  	[dreg:$0x0] =	wrdreg $0x60  }
0xb4: {  	[dreg:$0x2] =	wrdreg s24  }
0xb5: {  	[dreg:$0x3] =	wrdreg s16  }
0xb6: {  	[dreg:$0x4] =	wrdreg $0x9  }
0xb7: {  	_ =	task.clear_ibuf [dreg:s7], $0x5FFFF;
	_ =	strace $0x90000049  }
0xb8: {  	s29 =	simm.s32 $0x9;
	_ =	strace $0x8000004B  }
0xb9: {  	_ =	swait.ge [sflag:s29], $0x1  }
0xba: {  	[sflag:s29] =	ssyncadd.s32 $0xFFFFFFFF  }
0xbb: {  	_ =	strace $0x9000004B  }
0xbc: {  	_ =	sfence  }
0xbd: {  	s30 =	sld [smem:$0x0];
	_ =	sdelay $0x2  }
0xbe: {  	s31 =	sshll.u32 s1, $0xD;
	s1 =	sshrl.u32 s1, $0x2  }
0xbf: {  	s3 =	sand.u32 $0x4000, s31;
	s1 =	sadd.s32 s1, s30  }
0xc0: {  	s0 =	sor.u32 s3, s0;
	s1 =	sshll.u32 s1, $0x11  }
0xc1: {  	s0 =	sor.u32 s1, s0  }
0xc2: {  	s0 =	sadd.s32 $0x8F2B, s0  }
0xc3: {  	[sflag:s0] =	ssyncadd.remote.s32 $0x1  }
0xc4: {  	_ =	sfence.sel $0xFFFF  }
0xc5: {  	[dreg:$0x0] =	wrdreg $0xFFFFFFFF;
	(pc) =	sbr.abs _section_cstart, $3  }
0xc6: {  	[dreg:$0x1] =	wrdreg $0xFFFFFFFF  }
0xc7: {  	_ =	task.clear_ibuf [dreg:s7], $0x2FFFF;
	_ =	strace $0x9FFFFFFF  }
0xc8: {  	(tm) =	ssettm $0x7FFFFFFF  }
0xc9: {  	_ =	shalt  }
tec
execute0_lowered:
.L_overlay_start_1:
0x0: {  	(tag) =	ssettag $0x1  }
0x1: {  	s1 =	srdreg.scid;
	s4 =	rddreg [dreg:$0x0]  }
0x2: {  	s0 =	stileid.u32;
	s6 =	rddreg [dreg:$0x1];
	s2 =	simm.s32 $0x0  }
0x3: {  	s9 =	simm.s32 $0x3100;
	s3 =	sand.u32 $0x1, s1;
	s30 =	sshll.u32 s0, $0x1  }
0x4: {  	s10 =	simm.s32 $0x0;
	s1 =	rddreg [dreg:$0x2];
	s5 =	sor.u32 s3, s30  }
0x5: {  	[smem:$0x7FF] =	sst s2;
	s3 =	ssub.s32 $0x2, s3;
	s7 =	smul.u32 $0x1870, s5  }
0x6: {  	_ =	strace $0x8000004A;
	s8 =	sshrl.u32 s3, $0x1;
	s5 =	sshll.u32 s5, $0x1  }
0x7: {  	s31 =	ssub.s32 s3, s8;
	s5 =	sadd.s32 s6, s5;
	s7 =	sshrl.u32 s7, $0x3  }
0x8: {  	s8 =	simm.s32 $0x1880;
	s6 =	smax.u32 s31, $0x1;
	s4 =	sadd.s32 s7, s4  }
0x9: {  	v0 =	vimm.s32 $0x0;
	s7 =	simm.s32 $0x1;
	s3 =	sadd.s32 $0x1800, s4;
	s4 =	sadd.s32 $0x79C0, s4  }
.LBB2_1:
0xa: {  	[tilespmem:s2], [sflag:$0x1] =	stream.linear.gather [hbm4b:s3+s2], $0x1870, $0x38;
	[tilespmem:$0x3180] =	vst v63  }
0xb: {  	_ =	swait.ge [sflag:s7], $0x1870  }
0xc: {  	[sflag:s7] =	ssyncset.done $0x0  }
0xd: {  	[sflag:s7] =	ssyncadd.s32 $0xFFFFE790  }
0xe: {  	[tilespmem:s8], [sflag:$0x1] =	stream.linear.gather [hbm4b:s4+s2], $0x1870, $0x38;
	[tilespmem:$0x3180] =	vst v63  }
0xf: {  	_ =	swait.ge [sflag:s7], $0x1870  }
0x10: {  	[sflag:s7] =	ssyncset.done $0x0  }
0x11: {  	s11 =	simm.s32 $0x0;
	[sflag:s7] =	ssyncadd.s32 $0xFFFFE790  }
0x12: {  	v1 =	vld [tilespmem:s11+$0x0]  }
0x13: {  	s28 =	simm.s32 $0x10;
	v2 =	vld [tilespmem:s11+$0x1880]  }
0x14: {  	v3 =	vld [tilespmem:s28+$0x0]  }
0x15: {  	s29 =	simm.s32 $0x20;
	v4 =	vld [tilespmem:s28+$0x1880]  }
0x16: {  	v5 =	vld [tilespmem:s29+$0x0]  }
0x17: {  	v6 =	vld [tilespmem:s29+$0x1880];
	_ =	sdelay $0x1  }
0x18: {  	v1 =	vadd.s32 v1, v2  }
0x19: {  	vm0 =	vgt.s32 v1, $0x0  }
0x1a: {  	v1 =	vadd.s32 v3, v4;
	v3 =	vsel vm0, $0x1, v0  }
0x1b: {  	v2 =	vadd.s32 v5, v6;
	vm13 =	vgt.s32 v1, $0x0;
	(xrf0) =	vadd.scan.msk.s32 $0xffff, v3  }
0x1c: {  	vm14 =	vgt.s32 v2, $0x0;
	v1 =	vsel vm13, $0x1, v0  }
0x1d: {  	s30 =	simm.s32 $0x30;
	v2 =	vsel vm14, $0x1, v0;
	(xrf0) =	vadd.scan.msk.s32 $0xffff, v1  }
0x1e: {  	v3 =	vld [tilespmem:s30+$0x0];
	(xrf0) =	vadd.scan.msk.s32 $0xffff, v2  }
0x1f: {  	v1 =	vld [tilespmem:s30+$0x1880];
	_ =	sdelay $0x1  }
0x20: {  	v2, _, _ =	vpop (xrf0)  }
0x21: {  	(v2sf) =	vpush v2, $0xF  }
0x22: {  	v2, _, _ =	vpop (xrf0)  }
0x23: {  	v1 =	vadd.s32 v3, v1;
	(v2sf) =	vpush v2, $0xF;
	v3, _, _ =	vpop (xrf0)  }
0x24: {  	(v2sf) =	vpush v3, $0xF;
	_ =	sdelay $0x3  }
0x25: {  	s31 =	simm.s32 $0x40;
	vm15 =	vgt.s32 v1, $0x0  }
0x26: {  	v1 =	vld [tilespmem:s31+$0x0];
	v2 =	vsel vm15, $0x1, v0  }
0x27: {  	(xrf0) =	vadd.scan.msk.s32 $0xffff, v2;
	v2 =	vld [tilespmem:s31+$0x1880];
	_ =	sdelay $0x2  }
0x28: {  	s12 =	simm.s32 $0x140;
	s11 =	simm.s32 $0x0  }
.LBB2_2:
0x29: {  	s13 =	sshra.s32 s12, $0x2;
	p0 =	sne.s32 s12, $0x6180  }
.Ltmp0:
0x2a: {  	s12 =	sadd.s32 $0x40, s12;
	v3 =	vadd.s32 v1, v2;
	v1 =	vld [tilespmem:s13+$0x0];
	(pc) =	sbr.rel @p0 .LBB2_2-.Ltmp0, $4  }
0x2b: {  	v2 =	vld [tilespmem:s13+$0x1880];
	vm0 =	vgt.s32 v3, $0x0;
	s13 =	spop (v2sf)  }
0x2c: {  	v4 =	vsel vm0, $0x1, v0;
	s11 =	sadd.s32 s11, s13  }
0x2d: {  	(xrf0) =	vadd.scan.msk.s32 $0xffff, v4;
	v3, _, _ =	vpop (xrf0)  }
0x2e: {  	(v2sf) =	vpush v3, $0xF  }
0x2f: {  	_ = 	snop  }
0x30: {  	v1 =	vadd.s32 v1, v2  }
0x31: {  	vm0 =	vgt.s32 v1, $0x0  }
0x32: {  	v1 =	vsel vm0, $0x1, v0  }
0x33: {  	(xrf0) =	vadd.scan.msk.s32 $0xffff, v1;
	_ =	sdelay $0x4  }
0x34: {  	v1, _, _ =	vpop (xrf0)  }
0x35: {  	(v2sf) =	vpush v1, $0xF;
	v1, _, _ =	vpop (xrf0)  }
0x36: {  	(v2sf) =	vpush v1, $0xF;
	_ =	sdelay $0xa  }
0x37: {  	s12 =	spop (v2sf)  }
0x38: {  	s11 =	sadd.s32 s11, s12;
	s28 =	spop (v2sf)  }
0x39: {  	s11 =	sadd.s32 s11, s28;
	s29 =	spop (v2sf)  }
0x3a: {  	s11 =	sadd.s32 s11, s29;
	s30 =	spop (v2sf)  }
0x3b: {  	s11 =	sadd.s32 s11, s30;
	s31 =	spop (v2sf)  }
0x3c: {  	s10 =	sadd.s32 $0x1, s10;
	s11 =	sadd.s32 s11, s31  }
0x3d: {  	p0 =	sne.s32 s10, s6;
	v1 =	vmov s11  }
.Ltmp1:
0x3e: {  	[tilespmem:$0x3100] =	vst v1;
	(pc) =	sbr.rel @p0 .LBB2_1-.Ltmp1, $4  }
0x3f: {  	[hbm4b:s5+s2] =	stream.linear.scatter [tilespmem:s9], [sflag:$0x1], $0x10, $0x38;
	[tilespmem:$0x3180] =	vst v63  }
0x40: {  	_ =	swait.ge [sflag:s7], $0x10  }
0x41: {  	[sflag:s7] =	ssyncset.done $0x0  }
0x42: {  	[sflag:s7] =	ssyncadd.s32 $0xFFFFFFF0  }
0x43: {  	_ =	sfence.sel $0x180000  }
0x44: {  	[bflag:$0x0] =	sbarrier.arrive $0xFFFF  }
0x45: {  	p0 =	sne.s32 s0, $0x0;
	_ =	strace $0x9000004A  }
0x46: {  	s0 =	sadd.s32 @!p0 $0x100000, s1;
	[bflag:$0x2] =	sbarrier.arrive $0xFFFF  }
0x47: {  	[sflag:s0] =	ssyncadd.tile.s32 @!p0 $0x1;
	_ =	shalt  }
.Lfunc_end2:
_tile_overlayer_lowered:
.L_overlay_start_2:
0x48: {  	(tag) =	ssettag $0x2  }
0x49: {  	s0 =	rddreg [dreg:$0x0];
	s2 =	stileid.u32  }
0x4a: {  	s1 =	rddreg [dreg:$0x1];
	p0 =	sne.s32 s2, $0x0  }
0x4b: {  	s3 =	rddreg [dreg:$0x2];
	[bflag:$0x3] =	sbarrier.arrive $0xFFFF;
	s2 =	simm.s32 @!p0 $0x1C01  }
0x4c: {  	[timem:s3], [sflag:s2] =	dma.local @!p0 [hbm:s0], s1  }
0x4d: {  	s0 =	simm.s32 @!p0 $0x1  }
0x4e: {  	_ =	swait.ge @!p0 [sflag:s0], s1  }
0x4f: {  	s1 =	ssub.s32 @!p0 $0x0, s1;
	[sflag:s0] =	ssyncset.done @!p0 $0x0  }
0x50: {  	[sflag:s0] =	ssyncadd.s32 @!p0 s1  }
0x51: {  	[bflag:$0x3] =	sbarrier.arrive $0xFFFF  }
0x52: {  	_ =	shalt  }

</sc_bundles>
